<compile_context>
chip_gen: v7x
topology: tpu7x:2x2x1
jax: 0.10.2.dev20260603
libtpu: 0.0.44.dev20260713+nightly
codegen_flags: <defaults>
</compile_context>

<pallas_src>
import functools

import jax
import jax.numpy as jnp
from jax import lax
from jax.experimental import pallas as pl
from jax.experimental.pallas import tpu as pltpu
from jax.experimental.pallas import tpu_sc as plsc

T = 2048
D = 1024
F = 2048
E = 8
CAP = 640
BISECT_ITERS = 40

NC = 2
NS = 16
L = 16
NW = NC * NS

FBLK = 1024
NFB = F // FBLK
CCH = 32
TOK_PER_W = T // NW


def _routing_calc(x_ref, wg_ref, rank_ref, w_ref, pos_ref):
    x_hi = x_ref[...].astype(jnp.bfloat16)
    g_hi = wg_ref[...].astype(jnp.bfloat16)
    logits = jax.lax.dot_general(
        g_hi, x_hi, (((0,), (1,)), ((), ())),
        preferred_element_type=jnp.float32)
    m = jnp.max(logits, axis=0, keepdims=True)
    ex = jnp.exp(logits - m)
    probs = ex / jnp.sum(ex, axis=0, keepdims=True)

    m1 = jnp.max(probs, axis=0, keepdims=True)
    masked = jnp.where(probs == m1, -1.0, probs)
    m2 = jnp.max(masked, axis=0, keepdims=True)
    comb = jnp.where(probs >= m2, probs / (m1 + m2), 0.0)

    lo0 = jnp.zeros((E, 1), jnp.float32)
    hi0 = jnp.max(comb, axis=1, keepdims=True) + 1.0

    def body(_, carry):
        lo, hi = carry
        mid = 0.5 * (lo + hi)
        cnt = jnp.sum((comb >= mid).astype(jnp.float32), axis=1, keepdims=True)
        pred = cnt >= CAP
        return jnp.where(pred, mid, lo), jnp.where(pred, hi, mid)

    lo, _ = jax.lax.fori_loop(0, BISECT_ITERS, body, (lo0, hi0))
    w = jnp.where(comb >= lo, comb, 0.0)
    sel = (w > 0.0).astype(jnp.float32)

    ii = lax.broadcasted_iota(jnp.int32, (T, T), 0)
    jj = lax.broadcasted_iota(jnp.int32, (T, T), 1)
    tri = (ii <= jj).astype(jnp.bfloat16)
    rank = jax.lax.dot_general(
        sel.astype(jnp.bfloat16), tri, (((1,), (0,)), ((), ())),
        preferred_element_type=jnp.float32)
    seli = sel * (rank <= CAP)

    rank_ref[...] = rank
    w_ref[...] = jnp.where(seli > 0.0, w, 0.0)

    ecol = lax.broadcasted_iota(jnp.int32, (E, 1), 0).astype(jnp.float32)
    n = rank[:, T - 1:T]
    nmin = jnp.min(n, axis=0, keepdims=True)
    ew = jnp.where(n == nmin, ecol, jnp.float32(E))
    estar = jnp.min(ew, axis=0, keepdims=True)
    zrow = estar * CAP + (CAP - 1.0)
    colpos = jnp.where(seli > 0.0, ecol * CAP + rank - 1.0, zrow)
    is1 = (probs == m1).astype(jnp.float32)
    is2 = ((probs >= m2) & (probs != m1)).astype(jnp.float32)
    pos0 = jnp.sum(is1 * colpos, axis=0, keepdims=True)
    pos1 = jnp.sum(is2 * colpos, axis=0, keepdims=True)
    pos_ref[...] = jnp.concatenate([pos0, pos1], axis=0).astype(jnp.int32)


def _ffn_gather(rank_ref, w_ref, x_ref, xe_scr, wc_scr, e):
    ohe = (lax.broadcasted_iota(jnp.int32, (1, E), 1) == e).astype(jnp.bfloat16)
    rk = rank_ref[...]
    rk_hi = jnp.floor(rk * (1.0 / 64.0))
    rk_lo = rk - 64.0 * rk_hi

    def pick(row_f32):
        return jnp.dot(ohe, row_f32.astype(jnp.bfloat16),
                       preferred_element_type=jnp.float32)

    re = 64.0 * pick(rk_hi) + pick(rk_lo)
    wv = w_ref[...]
    wv_hi = wv.astype(jnp.bfloat16).astype(jnp.float32)
    we = pick(wv_hi) + pick(wv - wv_hi)

    cvec = (lax.broadcasted_iota(jnp.int32, (CAP, 1), 0)
            .astype(jnp.float32) + 1.0)
    M = jnp.where((cvec == re) & (we > 0.0), 1.0, 0.0).astype(jnp.bfloat16)

    xe_scr[...] = jnp.dot(M, x_ref[...].astype(jnp.bfloat16),
                          preferred_element_type=jnp.float32
                          ).astype(jnp.bfloat16)
    w_h = we.astype(jnp.bfloat16).astype(jnp.float32)
    w_l = we - w_h
    wcat = jnp.concatenate([w_h, w_l], axis=0).astype(jnp.bfloat16)
    svT = jax.lax.dot_general(M, wcat, (((1,), (1,)), ((), ())),
                              preferred_element_type=jnp.float32)
    wc_scr[...] = svT[:, 0:1] + svT[:, 1:2]


def _ffn_body(x_ref, wg_ref, w1_ref, w2_ref, oe_ref, pos_ref,
              rank_scr, w_scr, xe_scr, wc_scr):
    e = pl.program_id(0)
    fb = pl.program_id(1)

    @pl.when((e == 0) & (fb == 0))
    def _():
        _routing_calc(x_ref, wg_ref, rank_scr, w_scr, pos_ref)

    @pl.when(fb == 0)
    def _():
        _ffn_gather(rank_scr, w_scr, x_ref, xe_scr, wc_scr, e)

    h = jnp.dot(xe_scr[...], w1_ref[0].astype(jnp.bfloat16),
                preferred_element_type=jnp.float32)
    h = jnp.maximum(h, 0.0) * wc_scr[...]
    part = jnp.dot(h.astype(jnp.bfloat16), w2_ref[0].astype(jnp.bfloat16),
                   preferred_element_type=jnp.float32)

    @pl.when(fb == 0)
    def _():
        oe_ref[0] = part

    @pl.when(fb != 0)
    def _():
        oe_ref[0] += part


def _combine_body(oe_hbm, posf_hbm, out_hbm, p0, p1, g0, g1, sem0, sem1):
    wid = lax.axis_index("s") * NC + lax.axis_index("c")
    base = wid * TOK_PER_W
    for c in range(TOK_PER_W // CCH):
        tb = base + c * CCH
        pltpu.sync_copy(posf_hbm.at[pl.ds(tb, CCH)], p0)
        pltpu.sync_copy(posf_hbm.at[pl.ds(T + tb, CCH)], p1)
        cp0 = pltpu.async_copy(oe_hbm.at[p0], g0, sem0)
        cp1 = pltpu.async_copy(oe_hbm.at[p1], g1, sem1)
        cp0.wait()
        cp1.wait()

        def arow(j, _):
            for k in range(D // L):
                g0[j, pl.ds(k * L, L)] = (g0[j, pl.ds(k * L, L)]
                                          + g1[j, pl.ds(k * L, L)])
            return 0

        lax.fori_loop(0, CCH, arow, 0)
        pltpu.sync_copy(g0, out_hbm.at[pl.ds(tb, CCH)])


@functools.lru_cache(maxsize=None)
def _sc_kernels():
    mesh = plsc.VectorSubcoreMesh(core_axis_name="c", subcore_axis_name="s",
                                  num_cores=NC, num_subcores=NS)
    combine = pl.kernel(
        _combine_body,
        out_type=jax.ShapeDtypeStruct((T, D), jnp.float32),
        mesh=mesh,
        scratch_types=[pltpu.VMEM((CCH,), jnp.int32),
                       pltpu.VMEM((CCH,), jnp.int32),
                       pltpu.VMEM((CCH, D), jnp.float32),
                       pltpu.VMEM((CCH, D), jnp.float32),
                       pltpu.SemaphoreType.DMA,
                       pltpu.SemaphoreType.DMA],
    )
    return combine


def kernel(input, Wg, W1, W2):
    x = input
    oe, pos = pl.pallas_call(
        _ffn_body,
        grid=(E, NFB),
        in_specs=[
            pl.BlockSpec((T, D), lambda e, fb: (0, 0)),
            pl.BlockSpec((D, E), lambda e, fb: (0, 0)),
            pl.BlockSpec((1, D, FBLK), lambda e, fb: (e, 0, fb)),
            pl.BlockSpec((1, FBLK, D), lambda e, fb: (e, fb, 0)),
        ],
        out_specs=(pl.BlockSpec((1, CAP, D), lambda e, fb: (e, 0, 0)),
                   pl.BlockSpec((2, T), lambda e, fb: (0, 0))),
        out_shape=(jax.ShapeDtypeStruct((E, CAP, D), jnp.float32),
                   jax.ShapeDtypeStruct((2, T), jnp.int32)),
        scratch_shapes=[pltpu.VMEM((E, T), jnp.float32),
                        pltpu.VMEM((E, T), jnp.float32),
                        pltpu.VMEM((CAP, D), jnp.bfloat16),
                        pltpu.VMEM((CAP, 1), jnp.float32)],
    )(x, Wg, W1, W2)

    combine = _sc_kernels()
    out = combine(oe.reshape(E * CAP, D), pos.reshape(2 * T))
    return out

# --- scband reference (transcript-rebuilt; emitter-appended) ---
"""Pipeline reference for scband-mo-elayer-dropout-69638599737868 (READ-ONLY COPY).

The authoritative reference and input builder live on the scoring server;
editing this copy changes nothing except your own understanding.
"""

import jax, jax.numpy as jnp
import numpy as np

T = 2048       # tokens = batch(1) * seq_len(2048)
D = 1024       # d_model
F = 2048       # d_ff per expert
E = 8          # num experts
TOPK = 2       # top-k routing
CAP = 640      # capacity = ceil(TOPK*T/E * 1.25)


def setup_inputs(seed: int = 0) -> dict:
    key = jax.random.key(seed)
    k1, k2, k3, k4 = jax.random.split(key, 4)
    x = jax.random.normal(k1, (T, D), dtype=jnp.float32)
    Wg = jax.random.normal(k2, (D, E), dtype=jnp.float32) * 0.02
    W1 = jax.random.normal(k3, (E, D, F), dtype=jnp.float32) * 0.02
    W2 = jax.random.normal(k4, (E, F, D), dtype=jnp.float32) * 0.02
    return {"input": x, "Wg": Wg, "W1": W1, "W2": W2}


def _moe_fn(x, Wg, W1, W2):
    # The wrapped `function`: a top-2-of-8-experts capacity-based MoE FFN.
    logits = x @ Wg                                   # [T, E]
    probs = jax.nn.softmax(logits, axis=-1)
    gval, gidx = jax.lax.top_k(probs, TOPK)           # [T, TOPK]
    gval = gval / jnp.sum(gval, axis=-1, keepdims=True)
    rows = jnp.arange(x.shape[0])
    comb = jnp.zeros((x.shape[0], E), dtype=x.dtype)
    for k in range(TOPK):
        comb = comb.at[rows, gidx[:, k]].add(gval[:, k])   # scatter-add combine weights
    out = jnp.zeros_like(x)
    for e in range(E):
        s = comb[:, e]
        sv, si = jax.lax.top_k(s, CAP)                # capacity selection per expert
        xe = jnp.take(x, si, axis=0)                  # gather routed tokens
        h = jax.nn.relu(xe @ W1[e])
        oe = h @ W2[e]
        out = out.at[si].add(oe * sv[:, None])        # scatter-add combined outputs
    return out


def reference(input, Wg, W1, W2):
    # MoELayerDropout(prob=0.0): the skip-branch is dead code; forward reduces to
    # `return function(input, *args, **kwargs)` exactly (self.inferred = 1.0).
    return _moe_fn(input, Wg, W1, W2)

if __name__ == "__main__":
    import jax
    _d = setup_inputs()
    print(jax.jit(kernel)(*tuple(_d.values())))

</pallas_src>

<mosaic_0001>
#map = affine_map<(d0, d1) -> (0, 0)>
#map1 = affine_map<(d0, d1) -> (0)>
module attributes {stable_mosaic.version = 14 : i64} {
  func.func @_combine_body(%arg0: i32, %arg1: i32, %arg2: memref<5120x1024xf32, #tpu.memory_space<hbm>>, %arg3: memref<4096xi32, #tpu.memory_space<hbm>>, %arg4: memref<2048x1024xf32, #tpu.memory_space<hbm>>, %arg5: memref<32xi32, #tpu.memory_space<vmem>>, %arg6: memref<32xi32, #tpu.memory_space<vmem>>, %arg7: memref<32x1024xf32, #tpu.memory_space<vmem>>, %arg8: memref<32x1024xf32, #tpu.memory_space<vmem>>, %arg9: memref<!tpu.dma_semaphore, #tpu.memory_space<semaphore_mem>>, %arg10: memref<!tpu.dma_semaphore, #tpu.memory_space<semaphore_mem>>) attributes {dimension_semantics = [#tpu.dimension_semantics<core_parallel>, #tpu.dimension_semantics<subcore_parallel>], iteration_bounds = array<i64: 2, 16>, scalar_prefetch = 0 : i64, scratch_operands = 6 : i64, tpu.core_type = #tpu.core_type<sc_vector_subcore>, window_params = [{transform_indices = #map}, {transform_indices = #map1}, {transform_indices = #map}]} {
    %mul3A = arith.constant 2 : i32
    %mul3A_0 = arith.muli %arg1, %mul3A : i32
    %add3A = arith.addi %mul3A_0, %arg0 : i32
    %mul3A_1 = arith.constant 64 : i32
    %mul3A_2 = arith.muli %add3A, %mul3A_1 : i32
    %add3A_3 = arith.constant 0 : i32
    %add3A_4 = arith.addi %mul3A_2, %add3A_3 : i32
    "tpu.region"() ({
      %run_scoped3A = tpu.sem_alloc : memref<!tpu.dma_semaphore, #tpu.memory_space<semaphore_mem>>
      %dma_start3A_46 = tpu.memref_slice %arg3[%add3A_4] : memref<4096xi32, #tpu.memory_space<hbm>> -> memref<32xi32, #tpu.memory_space<hbm>>
      %dma_start3A_47 = tpu.memref_slice %arg3[%add3A_4] : memref<4096xi32, #tpu.memory_space<hbm>> -> memref<32xi32, #tpu.memory_space<hbm>>
      tpu.enqueue_dma source(%dma_start3A_47 : memref<32xi32, #tpu.memory_space<hbm>>) target(%arg5 : memref<32xi32, #tpu.memory_space<vmem>>) target_semaphore(%run_scoped3A : memref<!tpu.dma_semaphore, #tpu.memory_space<semaphore_mem>>)
      %dma_wait3A_48 = tpu.memref_slice %arg3[%add3A_4] : memref<4096xi32, #tpu.memory_space<hbm>> -> memref<32xi32, #tpu.memory_space<hbm>>
      %dma_wait3A_49 = tpu.memref_slice %arg3[%add3A_4] : memref<4096xi32, #tpu.memory_space<hbm>> -> memref<32xi32, #tpu.memory_space<hbm>>
      tpu.wait_dma2 semaphore(%run_scoped3A : memref<!tpu.dma_semaphore, #tpu.memory_space<semaphore_mem>>) src(%dma_wait3A_49 : memref<32xi32, #tpu.memory_space<hbm>>) dst(%arg5 : memref<32xi32, #tpu.memory_space<vmem>>)
      tpu.yield
    }) : () -> ()
    %add3A_5 = arith.constant 2048 : i32
    %add3A_6 = arith.addi %add3A_5, %add3A_4 : i32
    "tpu.region"() ({
      %run_scoped3A = tpu.sem_alloc : memref<!tpu.dma_semaphore, #tpu.memory_space<semaphore_mem>>
      %dma_start3A_46 = tpu.memref_slice %arg3[%add3A_6] : memref<4096xi32, #tpu.memory_space<hbm>> -> memref<32xi32, #tpu.memory_space<hbm>>
      %dma_start3A_47 = tpu.memref_slice %arg3[%add3A_6] : memref<4096xi32, #tpu.memory_space<hbm>> -> memref<32xi32, #tpu.memory_space<hbm>>
      tpu.enqueue_dma source(%dma_start3A_47 : memref<32xi32, #tpu.memory_space<hbm>>) target(%arg6 : memref<32xi32, #tpu.memory_space<vmem>>) target_semaphore(%run_scoped3A : memref<!tpu.dma_semaphore, #tpu.memory_space<semaphore_mem>>)
      %dma_wait3A_48 = tpu.memref_slice %arg3[%add3A_6] : memref<4096xi32, #tpu.memory_space<hbm>> -> memref<32xi32, #tpu.memory_space<hbm>>
      %dma_wait3A_49 = tpu.memref_slice %arg3[%add3A_6] : memref<4096xi32, #tpu.memory_space<hbm>> -> memref<32xi32, #tpu.memory_space<hbm>>
      tpu.wait_dma2 semaphore(%run_scoped3A : memref<!tpu.dma_semaphore, #tpu.memory_space<semaphore_mem>>) src(%dma_wait3A_49 : memref<32xi32, #tpu.memory_space<hbm>>) dst(%arg6 : memref<32xi32, #tpu.memory_space<vmem>>)
      tpu.yield
    }) : () -> ()
    %dma_start3A = arith.constant 0 : i32
    %dma_start3A_7 = arith.constant 0 : i32
    %dma_start3A_8 = tpu.memref_slice %arg2[%dma_start3A, %dma_start3A_7] : memref<5120x1024xf32, #tpu.memory_space<hbm>> -> memref<5120x1024xf32, #tpu.memory_space<hbm>>
    tpu.enqueue_indirect_dma source(%dma_start3A_8 : memref<5120x1024xf32, #tpu.memory_space<hbm>>) target(%arg7 : memref<32x1024xf32, #tpu.memory_space<vmem>>) offsets(%arg5 : memref<32xi32, #tpu.memory_space<vmem>>) semaphore(%arg9 : memref<!tpu.dma_semaphore, #tpu.memory_space<semaphore_mem>>)
    %dma_start3A_9 = arith.constant 0 : i32
    %dma_start3A_10 = arith.constant 0 : i32
    %dma_start3A_11 = tpu.memref_slice %arg2[%dma_start3A_9, %dma_start3A_10] : memref<5120x1024xf32, #tpu.memory_space<hbm>> -> memref<5120x1024xf32, #tpu.memory_space<hbm>>
    tpu.enqueue_indirect_dma source(%dma_start3A_11 : memref<5120x1024xf32, #tpu.memory_space<hbm>>) target(%arg8 : memref<32x1024xf32, #tpu.memory_space<vmem>>) offsets(%arg6 : memref<32xi32, #tpu.memory_space<vmem>>) semaphore(%arg10 : memref<!tpu.dma_semaphore, #tpu.memory_space<semaphore_mem>>)
    %dma_wait3A = arith.constant 0 : i32
    %dma_wait3A_12 = arith.constant 0 : i32
    %dma_wait3A_13 = tpu.memref_slice %arg2[%dma_wait3A, %dma_wait3A_12] : memref<5120x1024xf32, #tpu.memory_space<hbm>> -> memref<5120x1024xf32, #tpu.memory_space<hbm>>
    tpu.wait_indirect_dma semaphore(%arg9 : memref<!tpu.dma_semaphore, #tpu.memory_space<semaphore_mem>>) src(%dma_wait3A_13 : memref<5120x1024xf32, #tpu.memory_space<hbm>>) dst(%arg7 : memref<32x1024xf32, #tpu.memory_space<vmem>>)
    %dma_wait3A_14 = arith.constant 0 : i32
    %dma_wait3A_15 = arith.constant 0 : i32
    %dma_wait3A_16 = tpu.memref_slice %arg2[%dma_wait3A_14, %dma_wait3A_15] : memref<5120x1024xf32, #tpu.memory_space<hbm>> -> memref<5120x1024xf32, #tpu.memory_space<hbm>>
    tpu.wait_indirect_dma semaphore(%arg10 : memref<!tpu.dma_semaphore, #tpu.memory_space<semaphore_mem>>) src(%dma_wait3A_16 : memref<5120x1024xf32, #tpu.memory_space<hbm>>) dst(%arg8 : memref<32x1024xf32, #tpu.memory_space<vmem>>)
    %scan3A = arith.constant 0 : i32
    %scan3A_17 = arith.constant 0 : i32
    %scan3A_18 = arith.constant 32 : i32
    %scan3A_19 = arith.addi %scan3A_17, %scan3A_18 : i32
    %scan3A_20 = arith.constant 1 : i32
    %scan3A_21 = scf.for %scan3A_46 = %scan3A_17 to %scan3A_19 step %scan3A_20 iter_args(%scan3A_47 = %scan3A) -> (i32)  : i32 {
      %get3A = arith.index_cast %scan3A_46 : i32 to index
      %get3A_48 = arith.constant 0 : index
      %get3A_49 = tpu.vector_load %arg7[%get3A, %get3A_48] {strides = array<i32>} : memref<32x1024xf32, #tpu.memory_space<vmem>>, vector<1x16xf32>,
      %get3A_50 = vector.shape_cast %get3A_49 : vector<1x16xf32> to vector<16xf32>
      %get3A_51 = arith.index_cast %scan3A_46 : i32 to index
      %get3A_52 = arith.constant 0 : index
      %get3A_53 = tpu.vector_load %arg8[%get3A_51, %get3A_52] {strides = array<i32>} : memref<32x1024xf32, #tpu.memory_space<vmem>>, vector<1x16xf32>,
      %get3A_54 = vector.shape_cast %get3A_53 : vector<1x16xf32> to vector<16xf32>
      %add3A_55 = arith.addf %get3A_50, %get3A_54 : vector<16xf32>
      %swap3A = arith.index_cast %scan3A_46 : i32 to index
      %swap3A_56 = arith.constant 0 : index
      %swap3A_57 = tpu.vector_load %arg7[%swap3A, %swap3A_56] {strides = array<i32>} : memref<32x1024xf32, #tpu.memory_space<vmem>>, vector<1x16xf32>,
      %swap3A_58 = vector.shape_cast %swap3A_57 : vector<1x16xf32> to vector<16xf32>
      %swap3A_59 = vector.shape_cast %add3A_55 : vector<16xf32> to vector<1x16xf32>
      tpu.vector_store %arg7[%swap3A, %swap3A_56], %swap3A_59 {strides = array<i32>} : memref<32x1024xf32, #tpu.memory_space<vmem>>, vector<1x16xf32>,
      %get3A_60 = arith.index_cast %scan3A_46 : i32 to index
      %get3A_61 = arith.constant 16 : index
      %get3A_62 = tpu.vector_load %arg7[%get3A_60, %get3A_61] {strides = array<i32>} : memref<32x1024xf32, #tpu.memory_space<vmem>>, vector<1x16xf32>,
      %get3A_63 = vector.shape_cast %get3A_62 : vector<1x16xf32> to vector<16xf32>
      %get3A_64 = arith.index_cast %scan3A_46 : i32 to index
      %get3A_65 = arith.constant 16 : index
      %get3A_66 = tpu.vector_load %arg8[%get3A_64, %get3A_65] {strides = array<i32>} : memref<32x1024xf32, #tpu.memory_space<vmem>>, vector<1x16xf32>,
      %get3A_67 = vector.shape_cast %get3A_66 : vector<1x16xf32> to vector<16xf32>
      %add3A_68 = arith.addf %get3A_63, %get3A_67 : vector<16xf32>
      %swap3A_69 = arith.index_cast %scan3A_46 : i32 to index
      %swap3A_70 = arith.constant 16 : index
      %swap3A_71 = tpu.vector_load %arg7[%swap3A_69, %swap3A_70] {strides = array<i32>} : memref<32x1024xf32, #tpu.memory_space<vmem>>, vector<1x16xf32>,
      %swap3A_72 = vector.shape_cast %swap3A_71 : vector<1x16xf32> to vector<16xf32>
      %swap3A_73 = vector.shape_cast %add3A_68 : vector<16xf32> to vector<1x16xf32>
      tpu.vector_store %arg7[%swap3A_69, %swap3A_70], %swap3A_73 {strides = array<i32>} : memref<32x1024xf32, #tpu.memory_space<vmem>>, vector<1x16xf32>,
      %get3A_74 = arith.index_cast %scan3A_46 : i32 to index
      %get3A_75 = arith.constant 32 : index
      %get3A_76 = tpu.vector_load %arg7[%get3A_74, %get3A_75] {strides = array<i32>} : memref<32x1024xf32, #tpu.memory_space<vmem>>, vector<1x16xf32>,
      %get3A_77 = vector.shape_cast %get3A_76 : vector<1x16xf32> to vector<16xf32>
      %get3A_78 = arith.index_cast %scan3A_46 : i32 to index
      %get3A_79 = arith.constant 32 : index
      %get3A_80 = tpu.vector_load %arg8[%get3A_78, %get3A_79] {strides = array<i32>} : memref<32x1024xf32, #tpu.memory_space<vmem>>, vector<1x16xf32>,
      %get3A_81 = vector.shape_cast %get3A_80 : vector<1x16xf32> to vector<16xf32>
      %add3A_82 = arith.addf %get3A_77, %get3A_81 : vector<16xf32>
      %swap3A_83 = arith.index_cast %scan3A_46 : i32 to index
      %swap3A_84 = arith.constant 32 : index
      %swap3A_85 = tpu.vector_load %arg7[%swap3A_83, %swap3A_84] {strides = array<i32>} : memref<32x1024xf32, #tpu.memory_space<vmem>>, vector<1x16xf32>,
      %swap3A_86 = vector.shape_cast %swap3A_85 : vector<1x16xf32> to vector<16xf32>
      %swap3A_87 = vector.shape_cast %add3A_82 : vector<16xf32> to vector<1x16xf32>
      tpu.vector_store %arg7[%swap3A_83, %swap3A_84], %swap3A_87 {strides = array<i32>} : memref<32x1024xf32, #tpu.memory_space<vmem>>, vector<1x16xf32>,
      %get3A_88 = arith.index_cast %scan3A_46 : i32 to index
      %get3A_89 = arith.constant 48 : index
      %get3A_90 = tpu.vector_load %arg7[%get3A_88, %get3A_89] {strides = array<i32>} : memref<32x1024xf32, #tpu.memory_space<vmem>>, vector<1x16xf32>,
      %get3A_91 = vector.shape_cast %get3A_90 : vector<1x16xf32> to vector<16xf32>
      %get3A_92 = arith.index_cast %scan3A_46 : i32 to index
      %get3A_93 = arith.constant 48 : index
      %get3A_94 = tpu.vector_load %arg8[%get3A_92, %get3A_93] {strides = array<i32>} : memref<32x1024xf32, #tpu.memory_space<vmem>>, vector<1x16xf32>,
      %get3A_95 = vector.shape_cast %get3A_94 : vector<1x16xf32> to vector<16xf32>
      %add3A_96 = arith.addf %get3A_91, %get3A_95 : vector<16xf32>
      %swap3A_97 = arith.index_cast %scan3A_46 : i32 to index
      %swap3A_98 = arith.constant 48 : index
      %swap3A_99 = tpu.vector_load %arg7[%swap3A_97, %swap3A_98] {strides = array<i32>} : memref<32x1024xf32, #tpu.memory_space<vmem>>, vector<1x16xf32>,
      %swap3A_100 = vector.shape_cast %swap3A_99 : vector<1x16xf32> to vector<16xf32>
      %swap3A_101 = vector.shape_cast %add3A_96 : vector<16xf32> to vector<1x16xf32>
      tpu.vector_store %arg7[%swap3A_97, %swap3A_98], %swap3A_101 {strides = array<i32>} : memref<32x1024xf32, #tpu.memory_space<vmem>>, vector<1x16xf32>,
      %get3A_102 = arith.index_cast %scan3A_46 : i32 to index
      %get3A_103 = arith.constant 64 : index
      %get3A_104 = tpu.vector_load %arg7[%get3A_102, %get3A_103] {strides = array<i32>} : memref<32x1024xf32, #tpu.memory_space<vmem>>, vector<1x16xf32>,
      %get3A_105 = vector.shape_cast %get3A_104 : vector<1x16xf32> to vector<16xf32>
      %get3A_106 = arith.index_cast %scan3A_46 : i32 to index
      %get3A_107 = arith.constant 64 : index
      %get3A_108 = tpu.vector_load %arg8[%get3A_106, %get3A_107] {strides = array<i32>} : memref<32x1024xf32, #tpu.memory_space<vmem>>, vector<1x16xf32>,
      %get3A_109 = vector.shape_cast %get3A_108 : vector<1x16xf32> to vector<16xf32>
      %add3A_110 = arith.addf %get3A_105, %get3A_109 : vector<16xf32>
      %swap3A_111 = arith.index_cast %scan3A_46 : i32 to index
      %swap3A_112 = arith.constant 64 : index
      %swap3A_113 = tpu.vector_load %arg7[%swap3A_111, %swap3A_112] {strides = array<i32>} : memref<32x1024xf32, #tpu.memory_space<vmem>>, vector<1x16xf32>,
      %swap3A_114 = vector.shape_cast %swap3A_113 : vector<1x16xf32> to vector<16xf32>
      %swap3A_115 = vector.shape_cast %add3A_110 : vector<16xf32> to vector<1x16xf32>
      tpu.vector_store %arg7[%swap3A_111, %swap3A_112], %swap3A_115 {strides = array<i32>} : memref<32x1024xf32, #tpu.memory_space<vmem>>, vector<1x16xf32>,
      %get3A_116 = arith.index_cast %scan3A_46 : i32 to index
      %get3A_117 = arith.constant 80 : index
      %get3A_118 = tpu.vector_load %arg7[%get3A_116, %get3A_117] {strides = array<i32>} : memref<32x1024xf32, #tpu.memory_space<vmem>>, vector<1x16xf32>,
      %get3A_119 = vector.shape_cast %get3A_118 : vector<1x16xf32> to vector<16xf32>
      %get3A_120 = arith.index_cast %scan3A_46 : i32 to index
      %get3A_121 = arith.constant 80 : index
      %get3A_122 = tpu.vector_load %arg8[%get3A_120, %get3A_121] {strides = array<i32>} : memref<32x1024xf32, #tpu.memory_space<vmem>>, vector<1x16xf32>,
      %get3A_123 = vector.shape_cast %get3A_122 : vector<1x16xf32> to vector<16xf32>
      %add3A_124 = arith.addf %get3A_119, %get3A_123 : vector<16xf32>
      %swap3A_125 = arith.index_cast %scan3A_46 : i32 to index
      %swap3A_126 = arith.constant 80 : index
      %swap3A_127 = tpu.vector_load %arg7[%swap3A_125, %swap3A_126] {strides = array<i32>} : memref<32x1024xf32, #tpu.memory_space<vmem>>, vector<1x16xf32>,
      %swap3A_128 = vector.shape_cast %swap3A_127 : vector<1x16xf32> to vector<16xf32>
      %swap3A_129 = vector.shape_cast %add3A_124 : vector<16xf32> to vector<1x16xf32>
      tpu.vector_store %arg7[%swap3A_125, %swap3A_126], %swap3A_129 {strides = array<i32>} : memref<32x1024xf32, #tpu.memory_space<vmem>>, vector<1x16xf32>,
      %get3A_130 = arith.index_cast %scan3A_46 : i32 to index
      %get3A_131 = arith.constant 96 : index
      %get3A_132 = tpu.vector_load %arg7[%get3A_130, %get3A_131] {strides = array<i32>} : memref<32x1024xf32, #tpu.memory_space<vmem>>, vector<1x16xf32>,
      %get3A_133 = vector.shape_cast %get3A_132 : vector<1x16xf32> to vector<16xf32>
      %get3A_134 = arith.index_cast %scan3A_46 : i32 to index
      %get3A_135 = arith.constant 96 : index
      %get3A_136 = tpu.vector_load %arg8[%get3A_134, %get3A_135] {strides = array<i32>} : memref<32x1024xf32, #tpu.memory_space<vmem>>, vector<1x16xf32>,
      %get3A_137 = vector.shape_cast %get3A_136 : vector<1x16xf32> to vector<16xf32>
      %add3A_138 = arith.addf %get3A_133, %get3A_137 : vector<16xf32>
      %swap3A_139 = arith.index_cast %scan3A_46 : i32 to index
      %swap3A_140 = arith.constant 96 : index
      %swap3A_141 = tpu.vector_load %arg7[%swap3A_139, %swap3A_140] {strides = array<i32>} : memref<32x1024xf32, #tpu.memory_space<vmem>>, vector<1x16xf32>,
      %swap3A_142 = vector.shape_cast %swap3A_141 : vector<1x16xf32> to vector<16xf32>
      %swap3A_143 = vector.shape_cast %add3A_138 : vector<16xf32> to vector<1x16xf32>
      tpu.vector_store %arg7[%swap3A_139, %swap3A_140], %swap3A_143 {strides = array<i32>} : memref<32x1024xf32, #tpu.memory_space<vmem>>, vector<1x16xf32>,
      %get3A_144 = arith.index_cast %scan3A_46 : i32 to index
      %get3A_145 = arith.constant 112 : index
      %get3A_146 = tpu.vector_load %arg7[%get3A_144, %get3A_145] {strides = array<i32>} : memref<32x1024xf32, #tpu.memory_space<vmem>>, vector<1x16xf32>,
      %get3A_147 = vector.shape_cast %get3A_146 : vector<1x16xf32> to vector<16xf32>
      %get3A_148 = arith.index_cast %scan3A_46 : i32 to index
      %get3A_149 = arith.constant 112 : index
      %get3A_150 = tpu.vector_load %arg8[%get3A_148, %get3A_149] {strides = array<i32>} : memref<32x1024xf32, #tpu.memory_space<vmem>>, vector<1x16xf32>,
      %get3A_151 = vector.shape_cast %get3A_150 : vector<1x16xf32> to vector<16xf32>
      %add3A_152 = arith.addf %get3A_147, %get3A_151 : vector<16xf32>
      %swap3A_153 = arith.index_cast %scan3A_46 : i32 to index
      %swap3A_154 = arith.constant 112 : index
      %swap3A_155 = tpu.vector_load %arg7[%swap3A_153, %swap3A_154] {strides = array<i32>} : memref<32x1024xf32, #tpu.memory_space<vmem>>, vector<1x16xf32>,
      %swap3A_156 = vector.shape_cast %swap3A_155 : vector<1x16xf32> to vector<16xf32>
      %swap3A_157 = vector.shape_cast %add3A_152 : vector<16xf32> to vector<1x16xf32>
      tpu.vector_store %arg7[%swap3A_153, %swap3A_154], %swap3A_157 {strides = array<i32>} : memref<32x1024xf32, #tpu.memory_space<vmem>>, vector<1x16xf32>,
      %get3A_158 = arith.index_cast %scan3A_46 : i32 to index
      %get3A_159 = arith.constant 128 : index
      %get3A_160 = tpu.vector_load %arg7[%get3A_158, %get3A_159] {strides = array<i32>} : memref<32x1024xf32, #tpu.memory_space<vmem>>, vector<1x16xf32>,
      %get3A_161 = vector.shape_cast %get3A_160 : vector<1x16xf32> to vector<16xf32>
      %get3A_162 = arith.index_cast %scan3A_46 : i32 to index
      %get3A_163 = arith.constant 128 : index
      %get3A_164 = tpu.vector_load %arg8[%get3A_162, %get3A_163] {strides = array<i32>} : memref<32x1024xf32, #tpu.memory_space<vmem>>, vector<1x16xf32>,
      %get3A_165 = vector.shape_cast %get3A_164 : vector<1x16xf32> to vector<16xf32>
      %add3A_166 = arith.addf %get3A_161, %get3A_165 : vector<16xf32>
      %swap3A_167 = arith.index_cast %scan3A_46 : i32 to index
      %swap3A_168 = arith.constant 128 : index
      %swap3A_169 = tpu.vector_load %arg7[%swap3A_167, %swap3A_168] {strides = array<i32>} : memref<32x1024xf32, #tpu.memory_space<vmem>>, vector<1x16xf32>,
      %swap3A_170 = vector.shape_cast %swap3A_169 : vector<1x16xf32> to vector<16xf32>
      %swap3A_171 = vector.shape_cast %add3A_166 : vector<16xf32> to vector<1x16xf32>
      tpu.vector_store %arg7[%swap3A_167, %swap3A_168], %swap3A_171 {strides = array<i32>} : memref<32x1024xf32, #tpu.memory_space<vmem>>, vector<1x16xf32>,
      %get3A_172 = arith.index_cast %scan3A_46 : i32 to index
      %get3A_173 = arith.constant 144 : index
      %get3A_174 = tpu.vector_load %arg7[%get3A_172, %get3A_173] {strides = array<i32>} : memref<32x1024xf32, #tpu.memory_space<vmem>>, vector<1x16xf32>,
      %get3A_175 = vector.shape_cast %get3A_174 : vector<1x16xf32> to vector<16xf32>
      %get3A_176 = arith.index_cast %scan3A_46 : i32 to index
      %get3A_177 = arith.constant 144 : index
      %get3A_178 = tpu.vector_load %arg8[%get3A_176, %get3A_177] {strides = array<i32>} : memref<32x1024xf32, #tpu.memory_space<vmem>>, vector<1x16xf32>,
      %get3A_179 = vector.shape_cast %get3A_178 : vector<1x16xf32> to vector<16xf32>
      %add3A_180 = arith.addf %get3A_175, %get3A_179 : vector<16xf32>
      %swap3A_181 = arith.index_cast %scan3A_46 : i32 to index
      %swap3A_182 = arith.constant 144 : index
      %swap3A_183 = tpu.vector_load %arg7[%swap3A_181, %swap3A_182] {strides = array<i32>} : memref<32x1024xf32, #tpu.memory_space<vmem>>, vector<1x16xf32>,
      %swap3A_184 = vector.shape_cast %swap3A_183 : vector<1x16xf32> to vector<16xf32>
      %swap3A_185 = vector.shape_cast %add3A_180 : vector<16xf32> to vector<1x16xf32>
      tpu.vector_store %arg7[%swap3A_181, %swap3A_182], %swap3A_185 {strides = array<i32>} : memref<32x1024xf32, #tpu.memory_space<vmem>>, vector<1x16xf32>,
      %get3A_186 = arith.index_cast %scan3A_46 : i32 to index
      %get3A_187 = arith.constant 160 : index
      %get3A_188 = tpu.vector_load %arg7[%get3A_186, %get3A_187] {strides = array<i32>} : memref<32x1024xf32, #tpu.memory_space<vmem>>, vector<1x16xf32>,
      %get3A_189 = vector.shape_cast %get3A_188 : vector<1x16xf32> to vector<16xf32>
      %get3A_190 = arith.index_cast %scan3A_46 : i32 to index
      %get3A_191 = arith.constant 160 : index
      %get3A_192 = tpu.vector_load %arg8[%get3A_190, %get3A_191] {strides = array<i32>} : memref<32x1024xf32, #tpu.memory_space<vmem>>, vector<1x16xf32>,
      %get3A_193 = vector.shape_cast %get3A_192 : vector<1x16xf32> to vector<16xf32>
      %add3A_194 = arith.addf %get3A_189, %get3A_193 : vector<16xf32>
      %swap3A_195 = arith.index_cast %scan3A_46 : i32 to index
      %swap3A_196 = arith.constant 160 : index
      %swap3A_197 = tpu.vector_load %arg7[%swap3A_195, %swap3A_196] {strides = array<i32>} : memref<32x1024xf32, #tpu.memory_space<vmem>>, vector<1x16xf32>,
      %swap3A_198 = vector.shape_cast %swap3A_197 : vector<1x16xf32> to vector<16xf32>
      %swap3A_199 = vector.shape_cast %add3A_194 : vector<16xf32> to vector<1x16xf32>
      tpu.vector_store %arg7[%swap3A_195, %swap3A_196], %swap3A_199 {strides = array<i32>} : memref<32x1024xf32, #tpu.memory_space<vmem>>, vector<1x16xf32>,
      %get3A_200 = arith.index_cast %scan3A_46 : i32 to index
      %get3A_201 = arith.constant 176 : index
      %get3A_202 = tpu.vector_load %arg7[%get3A_200, %get3A_201] {strides = array<i32>} : memref<32x1024xf32, #tpu.memory_space<vmem>>, vector<1x16xf32>,
      %get3A_203 = vector.shape_cast %get3A_202 : vector<1x16xf32> to vector<16xf32>
      %get3A_204 = arith.index_cast %scan3A_46 : i32 to index
      %get3A_205 = arith.constant 176 : index
      %get3A_206 = tpu.vector_load %arg8[%get3A_204, %get3A_205] {strides = array<i32>} : memref<32x1024xf32, #tpu.memory_space<vmem>>, vector<1x16xf32>,
      %get3A_207 = vector.shape_cast %get3A_206 : vector<1x16xf32> to vector<16xf32>
      %add3A_208 = arith.addf %get3A_203, %get3A_207 : vector<16xf32>
      %swap3A_209 = arith.index_cast %scan3A_46 : i32 to index
      %swap3A_210 = arith.constant 176 : index
      %swap3A_211 = tpu.vector_load %arg7[%swap3A_209, %swap3A_210] {strides = array<i32>} : memref<32x1024xf32, #tpu.memory_space<vmem>>, vector<1x16xf32>,
      %swap3A_212 = vector.shape_cast %swap3A_211 : vector<1x16xf32> to vector<16xf32>
      %swap3A_213 = vector.shape_cast %add3A_208 : vector<16xf32> to vector<1x16xf32>
      tpu.vector_store %arg7[%swap3A_209, %swap3A_210], %swap3A_213 {strides = array<i32>} : memref<32x1024xf32, #tpu.memory_space<vmem>>, vector<1x16xf32>,
      %get3A_214 = arith.index_cast %scan3A_46 : i32 to index
      %get3A_215 = arith.constant 192 : index
      %get3A_216 = tpu.vector_load %arg7[%get3A_214, %get3A_215] {strides = array<i32>} : memref<32x1024xf32, #tpu.memory_space<vmem>>, vector<1x16xf32>,
      %get3A_217 = vector.shape_cast %get3A_216 : vector<1x16xf32> to vector<16xf32>
      %get3A_218 = arith.index_cast %scan3A_46 : i32 to index
      %get3A_219 = arith.constant 192 : index
      %get3A_220 = tpu.vector_load %arg8[%get3A_218, %get3A_219] {strides = array<i32>} : memref<32x1024xf32, #tpu.memory_space<vmem>>, vector<1x16xf32>,
      %get3A_221 = vector.shape_cast %get3A_220 : vector<1x16xf32> to vector<16xf32>
      %add3A_222 = arith.addf %get3A_217, %get3A_221 : vector<16xf32>
      %swap3A_223 = arith.index_cast %scan3A_46 : i32 to index
      %swap3A_224 = arith.constant 192 : index
      %swap3A_225 = tpu.vector_load %arg7[%swap3A_223, %swap3A_224] {strides = array<i32>} : memref<32x1024xf32, #tpu.memory_space<vmem>>, vector<1x16xf32>,
      %swap3A_226 = vector.shape_cast %swap3A_225 : vector<1x16xf32> to vector<16xf32>
      %swap3A_227 = vector.shape_cast %add3A_222 : vector<16xf32> to vector<1x16xf32>
      tpu.vector_store %arg7[%swap3A_223, %swap3A_224], %swap3A_227 {strides = array<i32>} : memref<32x1024xf32, #tpu.memory_space<vmem>>, vector<1x16xf32>,
      %get3A_228 = arith.index_cast %scan3A_46 : i32 to index
      %get3A_229 = arith.constant 208 : index
      %get3A_230 = tpu.vector_load %arg7[%get3A_228, %get3A_229] {strides = array<i32>} : memref<32x1024xf32, #tpu.memory_space<vmem>>, vector<1x16xf32>,
      %get3A_231 = vector.shape_cast %get3A_230 : vector<1x16xf32> to vector<16xf32>
      %get3A_232 = arith.index_cast %scan3A_46 : i32 to index
      %get3A_233 = arith.constant 208 : index
      %get3A_234 = tpu.vector_load %arg8[%get3A_232, %get3A_233] {strides = array<i32>} : memref<32x1024xf32, #tpu.memory_space<vmem>>, vector<1x16xf32>,
      %get3A_235 = vector.shape_cast %get3A_234 : vector<1x16xf32> to vector<16xf32>
      %add3A_236 = arith.addf %get3A_231, %get3A_235 : vector<16xf32>
      %swap3A_237 = arith.index_cast %scan3A_46 : i32 to index
      %swap3A_238 = arith.constant 208 : index
      %swap3A_239 = tpu.vector_load %arg7[%swap3A_237, %swap3A_238] {strides = array<i32>} : memref<32x1024xf32, #tpu.memory_space<vmem>>, vector<1x16xf32>,
      %swap3A_240 = vector.shape_cast %swap3A_239 : vector<1x16xf32> to vector<16xf32>
      %swap3A_241 = vector.shape_cast %add3A_236 : vector<16xf32> to vector<1x16xf32>
      tpu.vector_store %arg7[%swap3A_237, %swap3A_238], %swap3A_241 {strides = array<i32>} : memref<32x1024xf32, #tpu.memory_space<vmem>>, vector<1x16xf32>,
      %get3A_242 = arith.index_cast %scan3A_46 : i32 to index
      %get3A_243 = arith.constant 224 : index
      %get3A_244 = tpu.vector_load %arg7[%get3A_242, %get3A_243] {strides = array<i32>} : memref<32x1024xf32, #tpu.memory_space<vmem>>, vector<1x16xf32>,
      %get3A_245 = vector.shape_cast %get3A_244 : vector<1x16xf32> to vector<16xf32>
      %get3A_246 = arith.index_cast %scan3A_46 : i32 to index
      %get3A_247 = arith.constant 224 : index
      %get3A_248 = tpu.vector_load %arg8[%get3A_246, %get3A_247] {strides = array<i32>} : memref<32x1024xf32, #tpu.memory_space<vmem>>, vector<1x16xf32>,
      %get3A_249 = vector.shape_cast %get3A_248 : vector<1x16xf32> to vector<16xf32>
      %add3A_250 = arith.addf %get3A_245, %get3A_249 : vector<16xf32>
      %swap3A_251 = arith.index_cast %scan3A_46 : i32 to index
      %swap3A_252 = arith.constant 224 : index
      %swap3A_253 = tpu.vector_load %arg7[%swap3A_251, %swap3A_252] {strides = array<i32>} : memref<32x1024xf32, #tpu.memory_space<vmem>>, vector<1x16xf32>,
      %swap3A_254 = vector.shape_cast %swap3A_253 : vector<1x16xf32> to vector<16xf32>
      %swap3A_255 = vector.shape_cast %add3A_250 : vector<16xf32> to vector<1x16xf32>
      tpu.vector_store %arg7[%swap3A_251, %swap3A_252], %swap3A_255 {strides = array<i32>} : memref<32x1024xf32, #tpu.memory_space<vmem>>, vector<1x16xf32>,
      %get3A_256 = arith.index_cast %scan3A_46 : i32 to index
      %get3A_257 = arith.constant 240 : index
      %get3A_258 = tpu.vector_load %arg7[%get3A_256, %get3A_257] {strides = array<i32>} : memref<32x1024xf32, #tpu.memory_space<vmem>>, vector<1x16xf32>,
      %get3A_259 = vector.shape_cast %get3A_258 : vector<1x16xf32> to vector<16xf32>
      %get3A_260 = arith.index_cast %scan3A_46 : i32 to index
      %get3A_261 = arith.constant 240 : index
      %get3A_262 = tpu.vector_load %arg8[%get3A_260, %get3A_261] {strides = array<i32>} : memref<32x1024xf32, #tpu.memory_space<vmem>>, vector<1x16xf32>,
      %get3A_263 = vector.shape_cast %get3A_262 : vector<1x16xf32> to vector<16xf32>
      %add3A_264 = arith.addf %get3A_259, %get3A_263 : vector<16xf32>
      %swap3A_265 = arith.index_cast %scan3A_46 : i32 to index
      %swap3A_266 = arith.constant 240 : index
      %swap3A_267 = tpu.vector_load %arg7[%swap3A_265, %swap3A_266] {strides = array<i32>} : memref<32x1024xf32, #tpu.memory_space<vmem>>, vector<1x16xf32>,
      %swap3A_268 = vector.shape_cast %swap3A_267 : vector<1x16xf32> to vector<16xf32>
      %swap3A_269 = vector.shape_cast %add3A_264 : vector<16xf32> to vector<1x16xf32>
      tpu.vector_store %arg7[%swap3A_265, %swap3A_266], %swap3A_269 {strides = array<i32>} : memref<32x1024xf32, #tpu.memory_space<vmem>>, vector<1x16xf32>,
      %get3A_270 = arith.index_cast %scan3A_46 : i32 to index
      %get3A_271 = arith.constant 256 : index
      %get3A_272 = tpu.vector_load %arg7[%get3A_270, %get3A_271] {strides = array<i32>} : memref<32x1024xf32, #tpu.memory_space<vmem>>, vector<1x16xf32>,
      %get3A_273 = vector.shape_cast %get3A_272 : vector<1x16xf32> to vector<16xf32>
      %get3A_274 = arith.index_cast %scan3A_46 : i32 to index
      %get3A_275 = arith.constant 256 : index
      %get3A_276 = tpu.vector_load %arg8[%get3A_274, %get3A_275] {strides = array<i32>} : memref<32x1024xf32, #tpu.memory_space<vmem>>, vector<1x16xf32>,
      %get3A_277 = vector.shape_cast %get3A_276 : vector<1x16xf32> to vector<16xf32>
      %add3A_278 = arith.addf %get3A_273, %get3A_277 : vector<16xf32>
      %swap3A_279 = arith.index_cast %scan3A_46 : i32 to index
      %swap3A_280 = arith.constant 256 : index
      %swap3A_281 = tpu.vector_load %arg7[%swap3A_279, %swap3A_280] {strides = array<i32>} : memref<32x1024xf32, #tpu.memory_space<vmem>>, vector<1x16xf32>,
      %swap3A_282 = vector.shape_cast %swap3A_281 : vector<1x16xf32> to vector<16xf32>
      %swap3A_283 = vector.shape_cast %add3A_278 : vector<16xf32> to vector<1x16xf32>
      tpu.vector_store %arg7[%swap3A_279, %swap3A_280], %swap3A_283 {strides = array<i32>} : memref<32x1024xf32, #tpu.memory_space<vmem>>, vector<1x16xf32>,
      %get3A_284 = arith.index_cast %scan3A_46 : i32 to index
      %get3A_285 = arith.constant 272 : index
      %get3A_286 = tpu.vector_load %arg7[%get3A_284, %get3A_285] {strides = array<i32>} : memref<32x1024xf32, #tpu.memory_space<vmem>>, vector<1x16xf32>,
      %get3A_287 = vector.shape_cast %get3A_286 : vector<1x16xf32> to vector<16xf32>
      %get3A_288 = arith.index_cast %scan3A_46 : i32 to index
      %get3A_289 = arith.constant 272 : index
      %get3A_290 = tpu.vector_load %arg8[%get3A_288, %get3A_289] {strides = array<i32>} : memref<32x1024xf32, #tpu.memory_space<vmem>>, vector<1x16xf32>,
      %get3A_291 = vector.shape_cast %get3A_290 : vector<1x16xf32> to vector<16xf32>
      %add3A_292 = arith.addf %get3A_287, %get3A_291 : vector<16xf32>
      %swap3A_293 = arith.index_cast %scan3A_46 : i32 to index
      %swap3A_294 = arith.constant 272 : index
      %swap3A_295 = tpu.vector_load %arg7[%swap3A_293, %swap3A_294] {strides = array<i32>} : memref<32x1024xf32, #tpu.memory_space<vmem>>, vector<1x16xf32>,
      %swap3A_296 = vector.shape_cast %swap3A_295 : vector<1x16xf32> to vector<16xf32>
      %swap3A_297 = vector.shape_cast %add3A_292 : vector<16xf32> to vector<1x16xf32>
      tpu.vector_store %arg7[%swap3A_293, %swap3A_294], %swap3A_297 {strides = array<i32>} : memref<32x1024xf32, #tpu.memory_space<vmem>>, vector<1x16xf32>,
      %get3A_298 = arith.index_cast %scan3A_46 : i32 to index
      %get3A_299 = arith.constant 288 : index
      %get3A_300 = tpu.vector_load %arg7[%get3A_298, %get3A_299] {strides = array<i32>} : memref<32x1024xf32, #tpu.memory_space<vmem>>, vector<1x16xf32>,
      %get3A_301 = vector.shape_cast %get3A_300 : vector<1x16xf32> to vector<16xf32>
      %get3A_302 = arith.index_cast %scan3A_46 : i32 to index
      %get3A_303 = arith.constant 288 : index
      %get3A_304 = tpu.vector_load %arg8[%get3A_302, %get3A_303] {strides = array<i32>} : memref<32x1024xf32, #tpu.memory_space<vmem>>, vector<1x16xf32>,
      %get3A_305 = vector.shape_cast %get3A_304 : vector<1x16xf32> to vector<16xf32>
      %add3A_306 = arith.addf %get3A_301, %get3A_305 : vector<16xf32>
      %swap3A_307 = arith.index_cast %scan3A_46 : i32 to index
      %swap3A_308 = arith.constant 288 : index
      %swap3A_309 = tpu.vector_load %arg7[%swap3A_307, %swap3A_308] {strides = array<i32>} : memref<32x1024xf32, #tpu.memory_space<vmem>>, vector<1x16xf32>,
      %swap3A_310 = vector.shape_cast %swap3A_309 : vector<1x16xf32> to vector<16xf32>
      %swap3A_311 = vector.shape_cast %add3A_306 : vector<16xf32> to vector<1x16xf32>
      tpu.vector_store %arg7[%swap3A_307, %swap3A_308], %swap3A_311 {strides = array<i32>} : memref<32x1024xf32, #tpu.memory_space<vmem>>, vector<1x16xf32>,
      %get3A_312 = arith.index_cast %scan3A_46 : i32 to index
      %get3A_313 = arith.constant 304 : index
      %get3A_314 = tpu.vector_load %arg7[%get3A_312, %get3A_313] {strides = array<i32>} : memref<32x1024xf32, #tpu.memory_space<vmem>>, vector<1x16xf32>,
      %get3A_315 = vector.shape_cast %get3A_314 : vector<1x16xf32> to vector<16xf32>
      %get3A_316 = arith.index_cast %scan3A_46 : i32 to index
      %get3A_317 = arith.constant 304 : index
      %get3A_318 = tpu.vector_load %arg8[%get3A_316, %get3A_317] {strides = array<i32>} : memref<32x1024xf32, #tpu.memory_space<vmem>>, vector<1x16xf32>,
      %get3A_319 = vector.shape_cast %get3A_318 : vector<1x16xf32> to vector<16xf32>
      %add3A_320 = arith.addf %get3A_315, %get3A_319 : vector<16xf32>
      %swap3A_321 = arith.index_cast %scan3A_46 : i32 to index
      %swap3A_322 = arith.constant 304 : index
      %swap3A_323 = tpu.vector_load %arg7[%swap3A_321, %swap3A_322] {strides = array<i32>} : memref<32x1024xf32, #tpu.memory_space<vmem>>, vector<1x16xf32>,
      %swap3A_324 = vector.shape_cast %swap3A_323 : vector<1x16xf32> to vector<16xf32>
      %swap3A_325 = vector.shape_cast %add3A_320 : vector<16xf32> to vector<1x16xf32>
      tpu.vector_store %arg7[%swap3A_321, %swap3A_322], %swap3A_325 {strides = array<i32>} : memref<32x1024xf32, #tpu.memory_space<vmem>>, vector<1x16xf32>,
      %get3A_326 = arith.index_cast %scan3A_46 : i32 to index
      %get3A_327 = arith.constant 320 : index
      %get3A_328 = tpu.vector_load %arg7[%get3A_326, %get3A_327] {strides = array<i32>} : memref<32x1024xf32, #tpu.memory_space<vmem>>, vector<1x16xf32>,
      %get3A_329 = vector.shape_cast %get3A_328 : vector<1x16xf32> to vector<16xf32>
      %get3A_330 = arith.index_cast %scan3A_46 : i32 to index
      %get3A_331 = arith.constant 320 : index
      %get3A_332 = tpu.vector_load %arg8[%get3A_330, %get3A_331] {strides = array<i32>} : memref<32x1024xf32, #tpu.memory_space<vmem>>, vector<1x16xf32>,
      %get3A_333 = vector.shape_cast %get3A_332 : vector<1x16xf32> to vector<16xf32>
      %add3A_334 = arith.addf %get3A_329, %get3A_333 : vector<16xf32>
      %swap3A_335 = arith.index_cast %scan3A_46 : i32 to index
      %swap3A_336 = arith.constant 320 : index
      %swap3A_337 = tpu.vector_load %arg7[%swap3A_335, %swap3A_336] {strides = array<i32>} : memref<32x1024xf32, #tpu.memory_space<vmem>>, vector<1x16xf32>,
      %swap3A_338 = vector.shape_cast %swap3A_337 : vector<1x16xf32> to vector<16xf32>
      %swap3A_339 = vector.shape_cast %add3A_334 : vector<16xf32> to vector<1x16xf32>
      tpu.vector_store %arg7[%swap3A_335, %swap3A_336], %swap3A_339 {strides = array<i32>} : memref<32x1024xf32, #tpu.memory_space<vmem>>, vector<1x16xf32>,
      %get3A_340 = arith.index_cast %scan3A_46 : i32 to index
      %get3A_341 = arith.constant 336 : index
      %get3A_342 = tpu.vector_load %arg7[%get3A_340, %get3A_341] {strides = array<i32>} : memref<32x1024xf32, #tpu.memory_space<vmem>>, vector<1x16xf32>,
      %get3A_343 = vector.shape_cast %get3A_342 : vector<1x16xf32> to vector<16xf32>
      %get3A_344 = arith.index_cast %scan3A_46 : i32 to index
      %get3A_345 = arith.constant 336 : index
      %get3A_346 = tpu.vector_load %arg8[%get3A_344, %get3A_345] {strides = array<i32>} : memref<32x1024xf32, #tpu.memory_space<vmem>>, vector<1x16xf32>,
      %get3A_347 = vector.shape_cast %get3A_346 : vector<1x16xf32> to vector<16xf32>
      %add3A_348 = arith.addf %get3A_343, %get3A_347 : vector<16xf32>
      %swap3A_349 = arith.index_cast %scan3A_46 : i32 to index
      %swap3A_350 = arith.constant 336 : index
      %swap3A_351 = tpu.vector_load %arg7[%swap3A_349, %swap3A_350] {strides = array<i32>} : memref<32x1024xf32, #tpu.memory_space<vmem>>, vector<1x16xf32>,
      %swap3A_352 = vector.shape_cast %swap3A_351 : vector<1x16xf32> to vector<16xf32>
      %swap3A_353 = vector.shape_cast %add3A_348 : vector<16xf32> to vector<1x16xf32>
      tpu.vector_store %arg7[%swap3A_349, %swap3A_350], %swap3A_353 {strides = array<i32>} : memref<32x1024xf32, #tpu.memory_space<vmem>>, vector<1x16xf32>,
      %get3A_354 = arith.index_cast %scan3A_46 : i32 to index
      %get3A_355 = arith.constant 352 : index
      %get3A_356 = tpu.vector_load %arg7[%get3A_354, %get3A_355] {strides = array<i32>} : memref<32x1024xf32, #tpu.memory_space<vmem>>, vector<1x16xf32>,
      %get3A_357 = vector.shape_cast %get3A_356 : vector<1x16xf32> to vector<16xf32>
      %get3A_358 = arith.index_cast %scan3A_46 : i32 to index
      %get3A_359 = arith.constant 352 : index
      %get3A_360 = tpu.vector_load %arg8[%get3A_358, %get3A_359] {strides = array<i32>} : memref<32x1024xf32, #tpu.memory_space<vmem>>, vector<1x16xf32>,
      %get3A_361 = vector.shape_cast %get3A_360 : vector<1x16xf32> to vector<16xf32>
      %add3A_362 = arith.addf %get3A_357, %get3A_361 : vector<16xf32>
      %swap3A_363 = arith.index_cast %scan3A_46 : i32 to index
      %swap3A_364 = arith.constant 352 : index
      %swap3A_365 = tpu.vector_load %arg7[%swap3A_363, %swap3A_364] {strides = array<i32>} : memref<32x1024xf32, #tpu.memory_space<vmem>>, vector<1x16xf32>,
      %swap3A_366 = vector.shape_cast %swap3A_365 : vector<1x16xf32> to vector<16xf32>
      %swap3A_367 = vector.shape_cast %add3A_362 : vector<16xf32> to vector<1x16xf32>
      tpu.vector_store %arg7[%swap3A_363, %swap3A_364], %swap3A_367 {strides = array<i32>} : memref<32x1024xf32, #tpu.memory_space<vmem>>, vector<1x16xf32>,
      %get3A_368 = arith.index_cast %scan3A_46 : i32 to index
      %get3A_369 = arith.constant 368 : index
      %get3A_370 = tpu.vector_load %arg7[%get3A_368, %get3A_369] {strides = array<i32>} : memref<32x1024xf32, #tpu.memory_space<vmem>>, vector<1x16xf32>,
      %get3A_371 = vector.shape_cast %get3A_370 : vector<1x16xf32> to vector<16xf32>
      %get3A_372 = arith.index_cast %scan3A_46 : i32 to index
      %get3A_373 = arith.constant 368 : index
      %get3A_374 = tpu.vector_load %arg8[%get3A_372, %get3A_373] {strides = array<i32>} : memref<32x1024xf32, #tpu.memory_space<vmem>>, vector<1x16xf32>,
      %get3A_375 = vector.shape_cast %get3A_374 : vector<1x16xf32> to vector<16xf32>
      %add3A_376 = arith.addf %get3A_371, %get3A_375 : vector<16xf32>
      %swap3A_377 = arith.index_cast %scan3A_46 : i32 to index
      %swap3A_378 = arith.constant 368 : index
      %swap3A_379 = tpu.vector_load %arg7[%swap3A_377, %swap3A_378] {strides = array<i32>} : memref<32x1024xf32, #tpu.memory_space<vmem>>, vector<1x16xf32>,
      %swap3A_380 = vector.shape_cast %swap3A_379 : vector<1x16xf32> to vector<16xf32>
      %swap3A_381 = vector.shape_cast %add3A_376 : vector<16xf32> to vector<1x16xf32>
      tpu.vector_store %arg7[%swap3A_377, %swap3A_378], %swap3A_381 {strides = array<i32>} : memref<32x1024xf32, #tpu.memory_space<vmem>>, vector<1x16xf32>,
      %get3A_382 = arith.index_cast %scan3A_46 : i32 to index
      %get3A_383 = arith.constant 384 : index
      %get3A_384 = tpu.vector_load %arg7[%get3A_382, %get3A_383] {strides = array<i32>} : memref<32x1024xf32, #tpu.memory_space<vmem>>, vector<1x16xf32>,
      %get3A_385 = vector.shape_cast %get3A_384 : vector<1x16xf32> to vector<16xf32>
      %get3A_386 = arith.index_cast %scan3A_46 : i32 to index
      %get3A_387 = arith.constant 384 : index
      %get3A_388 = tpu.vector_load %arg8[%get3A_386, %get3A_387] {strides = array<i32>} : memref<32x1024xf32, #tpu.memory_space<vmem>>, vector<1x16xf32>,
      %get3A_389 = vector.shape_cast %get3A_388 : vector<1x16xf32> to vector<16xf32>
      %add3A_390 = arith.addf %get3A_385, %get3A_389 : vector<16xf32>
      %swap3A_391 = arith.index_cast %scan3A_46 : i32 to index
      %swap3A_392 = arith.constant 384 : index
      %swap3A_393 = tpu.vector_load %arg7[%swap3A_391, %swap3A_392] {strides = array<i32>} : memref<32x1024xf32, #tpu.memory_space<vmem>>, vector<1x16xf32>,
      %swap3A_394 = vector.shape_cast %swap3A_393 : vector<1x16xf32> to vector<16xf32>
      %swap3A_395 = vector.shape_cast %add3A_390 : vector<16xf32> to vector<1x16xf32>
      tpu.vector_store %arg7[%swap3A_391, %swap3A_392], %swap3A_395 {strides = array<i32>} : memref<32x1024xf32, #tpu.memory_space<vmem>>, vector<1x16xf32>,
      %get3A_396 = arith.index_cast %scan3A_46 : i32 to index
      %get3A_397 = arith.constant 400 : index
      %get3A_398 = tpu.vector_load %arg7[%get3A_396, %get3A_397] {strides = array<i32>} : memref<32x1024xf32, #tpu.memory_space<vmem>>, vector<1x16xf32>,
      %get3A_399 = vector.shape_cast %get3A_398 : vector<1x16xf32> to vector<16xf32>
      %get3A_400 = arith.index_cast %scan3A_46 : i32 to index
      %get3A_401 = arith.constant 400 : index
      %get3A_402 = tpu.vector_load %arg8[%get3A_400, %get3A_401] {strides = array<i32>} : memref<32x1024xf32, #tpu.memory_space<vmem>>, vector<1x16xf32>,
      %get3A_403 = vector.shape_cast %get3A_402 : vector<1x16xf32> to vector<16xf32>
      %add3A_404 = arith.addf %get3A_399, %get3A_403 : vector<16xf32>
      %swap3A_405 = arith.index_cast %scan3A_46 : i32 to index
      %swap3A_406 = arith.constant 400 : index
      %swap3A_407 = tpu.vector_load %arg7[%swap3A_405, %swap3A_406] {strides = array<i32>} : memref<32x1024xf32, #tpu.memory_space<vmem>>, vector<1x16xf32>,
      %swap3A_408 = vector.shape_cast %swap3A_407 : vector<1x16xf32> to vector<16xf32>
      %swap3A_409 = vector.shape_cast %add3A_404 : vector<16xf32> to vector<1x16xf32>
      tpu.vector_store %arg7[%swap3A_405, %swap3A_406], %swap3A_409 {strides = array<i32>} : memref<32x1024xf32, #tpu.memory_space<vmem>>, vector<1x16xf32>,
      %get3A_410 = arith.index_cast %scan3A_46 : i32 to index
      %get3A_411 = arith.constant 416 : index
      %get3A_412 = tpu.vector_load %arg7[%get3A_410, %get3A_411] {strides = array<i32>} : memref<32x1024xf32, #tpu.memory_space<vmem>>, vector<1x16xf32>,
      %get3A_413 = vector.shape_cast %get3A_412 : vector<1x16xf32> to vector<16xf32>
      %get3A_414 = arith.index_cast %scan3A_46 : i32 to index
      %get3A_415 = arith.constant 416 : index
      %get3A_416 = tpu.vector_load %arg8[%get3A_414, %get3A_415] {strides = array<i32>} : memref<32x1024xf32, #tpu.memory_space<vmem>>, vector<1x16xf32>,
      %get3A_417 = vector.shape_cast %get3A_416 : vector<1x16xf32> to vector<16xf32>
      %add3A_418 = arith.addf %get3A_413, %get3A_417 : vector<16xf32>
      %swap3A_419 = arith.index_cast %scan3A_46 : i32 to index
      %swap3A_420 = arith.constant 416 : index
      %swap3A_421 = tpu.vector_load %arg7[%swap3A_419, %swap3A_420] {strides = array<i32>} : memref<32x1024xf32, #tpu.memory_space<vmem>>, vector<1x16xf32>,
      %swap3A_422 = vector.shape_cast %swap3A_421 : vector<1x16xf32> to vector<16xf32>
      %swap3A_423 = vector.shape_cast %add3A_418 : vector<16xf32> to vector<1x16xf32>
      tpu.vector_store %arg7[%swap3A_419, %swap3A_420], %swap3A_423 {strides = array<i32>} : memref<32x1024xf32, #tpu.memory_space<vmem>>, vector<1x16xf32>,
      %get3A_424 = arith.index_cast %scan3A_46 : i32 to index
      %get3A_425 = arith.constant 432 : index
      %get3A_426 = tpu.vector_load %arg7[%get3A_424, %get3A_425] {strides = array<i32>} : memref<32x1024xf32, #tpu.memory_space<vmem>>, vector<1x16xf32>,
      %get3A_427 = vector.shape_cast %get3A_426 : vector<1x16xf32> to vector<16xf32>
      %get3A_428 = arith.index_cast %scan3A_46 : i32 to index
      %get3A_429 = arith.constant 432 : index
      %get3A_430 = tpu.vector_load %arg8[%get3A_428, %get3A_429] {strides = array<i32>} : memref<32x1024xf32, #tpu.memory_space<vmem>>, vector<1x16xf32>,
      %get3A_431 = vector.shape_cast %get3A_430 : vector<1x16xf32> to vector<16xf32>
      %add3A_432 = arith.addf %get3A_427, %get3A_431 : vector<16xf32>
      %swap3A_433 = arith.index_cast %scan3A_46 : i32 to index
      %swap3A_434 = arith.constant 432 : index
      %swap3A_435 = tpu.vector_load %arg7[%swap3A_433, %swap3A_434] {strides = array<i32>} : memref<32x1024xf32, #tpu.memory_space<vmem>>, vector<1x16xf32>,
      %swap3A_436 = vector.shape_cast %swap3A_435 : vector<1x16xf32> to vector<16xf32>
      %swap3A_437 = vector.shape_cast %add3A_432 : vector<16xf32> to vector<1x16xf32>
      tpu.vector_store %arg7[%swap3A_433, %swap3A_434], %swap3A_437 {strides = array<i32>} : memref<32x1024xf32, #tpu.memory_space<vmem>>, vector<1x16xf32>,
      %get3A_438 = arith.index_cast %scan3A_46 : i32 to index
      %get3A_439 = arith.constant 448 : index
      %get3A_440 = tpu.vector_load %arg7[%get3A_438, %get3A_439] {strides = array<i32>} : memref<32x1024xf32, #tpu.memory_space<vmem>>, vector<1x16xf32>,
      %get3A_441 = vector.shape_cast %get3A_440 : vector<1x16xf32> to vector<16xf32>
      %get3A_442 = arith.index_cast %scan3A_46 : i32 to index
      %get3A_443 = arith.constant 448 : index
      %get3A_444 = tpu.vector_load %arg8[%get3A_442, %get3A_443] {strides = array<i32>} : memref<32x1024xf32, #tpu.memory_space<vmem>>, vector<1x16xf32>,
      %get3A_445 = vector.shape_cast %get3A_444 : vector<1x16xf32> to vector<16xf32>
      %add3A_446 = arith.addf %get3A_441, %get3A_445 : vector<16xf32>
      %swap3A_447 = arith.index_cast %scan3A_46 : i32 to index
      %swap3A_448 = arith.constant 448 : index
      %swap3A_449 = tpu.vector_load %arg7[%swap3A_447, %swap3A_448] {strides = array<i32>} : memref<32x1024xf32, #tpu.memory_space<vmem>>, vector<1x16xf32>,
      %swap3A_450 = vector.shape_cast %swap3A_449 : vector<1x16xf32> to vector<16xf32>
      %swap3A_451 = vector.shape_cast %add3A_446 : vector<16xf32> to vector<1x16xf32>
      tpu.vector_store %arg7[%swap3A_447, %swap3A_448], %swap3A_451 {strides = array<i32>} : memref<32x1024xf32, #tpu.memory_space<vmem>>, vector<1x16xf32>,
      %get3A_452 = arith.index_cast %scan3A_46 : i32 to index
      %get3A_453 = arith.constant 464 : index
      %get3A_454 = tpu.vector_load %arg7[%get3A_452, %get3A_453] {strides = array<i32>} : memref<32x1024xf32, #tpu.memory_space<vmem>>, vector<1x16xf32>,
      %get3A_455 = vector.shape_cast %get3A_454 : vector<1x16xf32> to vector<16xf32>
      %get3A_456 = arith.index_cast %scan3A_46 : i32 to index
      %get3A_457 = arith.constant 464 : index
      %get3A_458 = tpu.vector_load %arg8[%get3A_456, %get3A_457] {strides = array<i32>} : memref<32x1024xf32, #tpu.memory_space<vmem>>, vector<1x16xf32>,
      %get3A_459 = vector.shape_cast %get3A_458 : vector<1x16xf32> to vector<16xf32>
      %add3A_460 = arith.addf %get3A_455, %get3A_459 : vector<16xf32>
      %swap3A_461 = arith.index_cast %scan3A_46 : i32 to index
      %swap3A_462 = arith.constant 464 : index
      %swap3A_463 = tpu.vector_load %arg7[%swap3A_461, %swap3A_462] {strides = array<i32>} : memref<32x1024xf32, #tpu.memory_space<vmem>>, vector<1x16xf32>,
      %swap3A_464 = vector.shape_cast %swap3A_463 : vector<1x16xf32> to vector<16xf32>
      %swap3A_465 = vector.shape_cast %add3A_460 : vector<16xf32> to vector<1x16xf32>
      tpu.vector_store %arg7[%swap3A_461, %swap3A_462], %swap3A_465 {strides = array<i32>} : memref<32x1024xf32, #tpu.memory_space<vmem>>, vector<1x16xf32>,
      %get3A_466 = arith.index_cast %scan3A_46 : i32 to index
      %get3A_467 = arith.constant 480 : index
      %get3A_468 = tpu.vector_load %arg7[%get3A_466, %get3A_467] {strides = array<i32>} : memref<32x1024xf32, #tpu.memory_space<vmem>>, vector<1x16xf32>,
      %get3A_469 = vector.shape_cast %get3A_468 : vector<1x16xf32> to vector<16xf32>
      %get3A_470 = arith.index_cast %scan3A_46 : i32 to index
      %get3A_471 = arith.constant 480 : index
      %get3A_472 = tpu.vector_load %arg8[%get3A_470, %get3A_471] {strides = array<i32>} : memref<32x1024xf32, #tpu.memory_space<vmem>>, vector<1x16xf32>,
      %get3A_473 = vector.shape_cast %get3A_472 : vector<1x16xf32> to vector<16xf32>
      %add3A_474 = arith.addf %get3A_469, %get3A_473 : vector<16xf32>
      %swap3A_475 = arith.index_cast %scan3A_46 : i32 to index
      %swap3A_476 = arith.constant 480 : index
      %swap3A_477 = tpu.vector_load %arg7[%swap3A_475, %swap3A_476] {strides = array<i32>} : memref<32x1024xf32, #tpu.memory_space<vmem>>, vector<1x16xf32>,
      %swap3A_478 = vector.shape_cast %swap3A_477 : vector<1x16xf32> to vector<16xf32>
      %swap3A_479 = vector.shape_cast %add3A_474 : vector<16xf32> to vector<1x16xf32>
      tpu.vector_store %arg7[%swap3A_475, %swap3A_476], %swap3A_479 {strides = array<i32>} : memref<32x1024xf32, #tpu.memory_space<vmem>>, vector<1x16xf32>,
      %get3A_480 = arith.index_cast %scan3A_46 : i32 to index
      %get3A_481 = arith.constant 496 : index
      %get3A_482 = tpu.vector_load %arg7[%get3A_480, %get3A_481] {strides = array<i32>} : memref<32x1024xf32, #tpu.memory_space<vmem>>, vector<1x16xf32>,
      %get3A_483 = vector.shape_cast %get3A_482 : vector<1x16xf32> to vector<16xf32>
      %get3A_484 = arith.index_cast %scan3A_46 : i32 to index
      %get3A_485 = arith.constant 496 : index
      %get3A_486 = tpu.vector_load %arg8[%get3A_484, %get3A_485] {strides = array<i32>} : memref<32x1024xf32, #tpu.memory_space<vmem>>, vector<1x16xf32>,
      %get3A_487 = vector.shape_cast %get3A_486 : vector<1x16xf32> to vector<16xf32>
      %add3A_488 = arith.addf %get3A_483, %get3A_487 : vector<16xf32>
      %swap3A_489 = arith.index_cast %scan3A_46 : i32 to index
      %swap3A_490 = arith.constant 496 : index
      %swap3A_491 = tpu.vector_load %arg7[%swap3A_489, %swap3A_490] {strides = array<i32>} : memref<32x1024xf32, #tpu.memory_space<vmem>>, vector<1x16xf32>,
      %swap3A_492 = vector.shape_cast %swap3A_491 : vector<1x16xf32> to vector<16xf32>
      %swap3A_493 = vector.shape_cast %add3A_488 : vector<16xf32> to vector<1x16xf32>
      tpu.vector_store %arg7[%swap3A_489, %swap3A_490], %swap3A_493 {strides = array<i32>} : memref<32x1024xf32, #tpu.memory_space<vmem>>, vector<1x16xf32>,
      %get3A_494 = arith.index_cast %scan3A_46 : i32 to index
      %get3A_495 = arith.constant 512 : index
      %get3A_496 = tpu.vector_load %arg7[%get3A_494, %get3A_495] {strides = array<i32>} : memref<32x1024xf32, #tpu.memory_space<vmem>>, vector<1x16xf32>,
      %get3A_497 = vector.shape_cast %get3A_496 : vector<1x16xf32> to vector<16xf32>
      %get3A_498 = arith.index_cast %scan3A_46 : i32 to index
      %get3A_499 = arith.constant 512 : index
      %get3A_500 = tpu.vector_load %arg8[%get3A_498, %get3A_499] {strides = array<i32>} : memref<32x1024xf32, #tpu.memory_space<vmem>>, vector<1x16xf32>,
      %get3A_501 = vector.shape_cast %get3A_500 : vector<1x16xf32> to vector<16xf32>
      %add3A_502 = arith.addf %get3A_497, %get3A_501 : vector<16xf32>
      %swap3A_503 = arith.index_cast %scan3A_46 : i32 to index
      %swap3A_504 = arith.constant 512 : index
      %swap3A_505 = tpu.vector_load %arg7[%swap3A_503, %swap3A_504] {strides = array<i32>} : memref<32x1024xf32, #tpu.memory_space<vmem>>, vector<1x16xf32>,
      %swap3A_506 = vector.shape_cast %swap3A_505 : vector<1x16xf32> to vector<16xf32>
      %swap3A_507 = vector.shape_cast %add3A_502 : vector<16xf32> to vector<1x16xf32>
      tpu.vector_store %arg7[%swap3A_503, %swap3A_504], %swap3A_507 {strides = array<i32>} : memref<32x1024xf32, #tpu.memory_space<vmem>>, vector<1x16xf32>,
      %get3A_508 = arith.index_cast %scan3A_46 : i32 to index
      %get3A_509 = arith.constant 528 : index
      %get3A_510 = tpu.vector_load %arg7[%get3A_508, %get3A_509] {strides = array<i32>} : memref<32x1024xf32, #tpu.memory_space<vmem>>, vector<1x16xf32>,
      %get3A_511 = vector.shape_cast %get3A_510 : vector<1x16xf32> to vector<16xf32>
      %get3A_512 = arith.index_cast %scan3A_46 : i32 to index
      %get3A_513 = arith.constant 528 : index
      %get3A_514 = tpu.vector_load %arg8[%get3A_512, %get3A_513] {strides = array<i32>} : memref<32x1024xf32, #tpu.memory_space<vmem>>, vector<1x16xf32>,
      %get3A_515 = vector.shape_cast %get3A_514 : vector<1x16xf32> to vector<16xf32>
      %add3A_516 = arith.addf %get3A_511, %get3A_515 : vector<16xf32>
      %swap3A_517 = arith.index_cast %scan3A_46 : i32 to index
      %swap3A_518 = arith.constant 528 : index
      %swap3A_519 = tpu.vector_load %arg7[%swap3A_517, %swap3A_518] {strides = array<i32>} : memref<32x1024xf32, #tpu.memory_space<vmem>>, vector<1x16xf32>,
      %swap3A_520 = vector.shape_cast %swap3A_519 : vector<1x16xf32> to vector<16xf32>
      %swap3A_521 = vector.shape_cast %add3A_516 : vector<16xf32> to vector<1x16xf32>
      tpu.vector_store %arg7[%swap3A_517, %swap3A_518], %swap3A_521 {strides = array<i32>} : memref<32x1024xf32, #tpu.memory_space<vmem>>, vector<1x16xf32>,
      %get3A_522 = arith.index_cast %scan3A_46 : i32 to index
      %get3A_523 = arith.constant 544 : index
      %get3A_524 = tpu.vector_load %arg7[%get3A_522, %get3A_523] {strides = array<i32>} : memref<32x1024xf32, #tpu.memory_space<vmem>>, vector<1x16xf32>,
      %get3A_525 = vector.shape_cast %get3A_524 : vector<1x16xf32> to vector<16xf32>
      %get3A_526 = arith.index_cast %scan3A_46 : i32 to index
      %get3A_527 = arith.constant 544 : index
      %get3A_528 = tpu.vector_load %arg8[%get3A_526, %get3A_527] {strides = array<i32>} : memref<32x1024xf32, #tpu.memory_space<vmem>>, vector<1x16xf32>,
      %get3A_529 = vector.shape_cast %get3A_528 : vector<1x16xf32> to vector<16xf32>
      %add3A_530 = arith.addf %get3A_525, %get3A_529 : vector<16xf32>
      %swap3A_531 = arith.index_cast %scan3A_46 : i32 to index
      %swap3A_532 = arith.constant 544 : index
      %swap3A_533 = tpu.vector_load %arg7[%swap3A_531, %swap3A_532] {strides = array<i32>} : memref<32x1024xf32, #tpu.memory_space<vmem>>, vector<1x16xf32>,
      %swap3A_534 = vector.shape_cast %swap3A_533 : vector<1x16xf32> to vector<16xf32>
      %swap3A_535 = vector.shape_cast %add3A_530 : vector<16xf32> to vector<1x16xf32>
      tpu.vector_store %arg7[%swap3A_531, %swap3A_532], %swap3A_535 {strides = array<i32>} : memref<32x1024xf32, #tpu.memory_space<vmem>>, vector<1x16xf32>,
      %get3A_536 = arith.index_cast %scan3A_46 : i32 to index
      %get3A_537 = arith.constant 560 : index
      %get3A_538 = tpu.vector_load %arg7[%get3A_536, %get3A_537] {strides = array<i32>} : memref<32x1024xf32, #tpu.memory_space<vmem>>, vector<1x16xf32>,
      %get3A_539 = vector.shape_cast %get3A_538 : vector<1x16xf32> to vector<16xf32>
      %get3A_540 = arith.index_cast %scan3A_46 : i32 to index
      %get3A_541 = arith.constant 560 : index
      %get3A_542 = tpu.vector_load %arg8[%get3A_540, %get3A_541] {strides = array<i32>} : memref<32x1024xf32, #tpu.memory_space<vmem>>, vector<1x16xf32>,
      %get3A_543 = vector.shape_cast %get3A_542 : vector<1x16xf32> to vector<16xf32>
      %add3A_544 = arith.addf %get3A_539, %get3A_543 : vector<16xf32>
      %swap3A_545 = arith.index_cast %scan3A_46 : i32 to index
      %swap3A_546 = arith.constant 560 : index
      %swap3A_547 = tpu.vector_load %arg7[%swap3A_545, %swap3A_546] {strides = array<i32>} : memref<32x1024xf32, #tpu.memory_space<vmem>>, vector<1x16xf32>,
      %swap3A_548 = vector.shape_cast %swap3A_547 : vector<1x16xf32> to vector<16xf32>
      %swap3A_549 = vector.shape_cast %add3A_544 : vector<16xf32> to vector<1x16xf32>
      tpu.vector_store %arg7[%swap3A_545, %swap3A_546], %swap3A_549 {strides = array<i32>} : memref<32x1024xf32, #tpu.memory_space<vmem>>, vector<1x16xf32>,
      %get3A_550 = arith.index_cast %scan3A_46 : i32 to index
      %get3A_551 = arith.constant 576 : index
      %get3A_552 = tpu.vector_load %arg7[%get3A_550, %get3A_551] {strides = array<i32>} : memref<32x1024xf32, #tpu.memory_space<vmem>>, vector<1x16xf32>,
      %get3A_553 = vector.shape_cast %get3A_552 : vector<1x16xf32> to vector<16xf32>
      %get3A_554 = arith.index_cast %scan3A_46 : i32 to index
      %get3A_555 = arith.constant 576 : index
      %get3A_556 = tpu.vector_load %arg8[%get3A_554, %get3A_555] {strides = array<i32>} : memref<32x1024xf32, #tpu.memory_space<vmem>>, vector<1x16xf32>,
      %get3A_557 = vector.shape_cast %get3A_556 : vector<1x16xf32> to vector<16xf32>
      %add3A_558 = arith.addf %get3A_553, %get3A_557 : vector<16xf32>
      %swap3A_559 = arith.index_cast %scan3A_46 : i32 to index
      %swap3A_560 = arith.constant 576 : index
      %swap3A_561 = tpu.vector_load %arg7[%swap3A_559, %swap3A_560] {strides = array<i32>} : memref<32x1024xf32, #tpu.memory_space<vmem>>, vector<1x16xf32>,
      %swap3A_562 = vector.shape_cast %swap3A_561 : vector<1x16xf32> to vector<16xf32>
      %swap3A_563 = vector.shape_cast %add3A_558 : vector<16xf32> to vector<1x16xf32>
      tpu.vector_store %arg7[%swap3A_559, %swap3A_560], %swap3A_563 {strides = array<i32>} : memref<32x1024xf32, #tpu.memory_space<vmem>>, vector<1x16xf32>,
      %get3A_564 = arith.index_cast %scan3A_46 : i32 to index
      %get3A_565 = arith.constant 592 : index
      %get3A_566 = tpu.vector_load %arg7[%get3A_564, %get3A_565] {strides = array<i32>} : memref<32x1024xf32, #tpu.memory_space<vmem>>, vector<1x16xf32>,
      %get3A_567 = vector.shape_cast %get3A_566 : vector<1x16xf32> to vector<16xf32>
      %get3A_568 = arith.index_cast %scan3A_46 : i32 to index
      %get3A_569 = arith.constant 592 : index
      %get3A_570 = tpu.vector_load %arg8[%get3A_568, %get3A_569] {strides = array<i32>} : memref<32x1024xf32, #tpu.memory_space<vmem>>, vector<1x16xf32>,
      %get3A_571 = vector.shape_cast %get3A_570 : vector<1x16xf32> to vector<16xf32>
      %add3A_572 = arith.addf %get3A_567, %get3A_571 : vector<16xf32>
      %swap3A_573 = arith.index_cast %scan3A_46 : i32 to index
      %swap3A_574 = arith.constant 592 : index
      %swap3A_575 = tpu.vector_load %arg7[%swap3A_573, %swap3A_574] {strides = array<i32>} : memref<32x1024xf32, #tpu.memory_space<vmem>>, vector<1x16xf32>,
      %swap3A_576 = vector.shape_cast %swap3A_575 : vector<1x16xf32> to vector<16xf32>
      %swap3A_577 = vector.shape_cast %add3A_572 : vector<16xf32> to vector<1x16xf32>
      tpu.vector_store %arg7[%swap3A_573, %swap3A_574], %swap3A_577 {strides = array<i32>} : memref<32x1024xf32, #tpu.memory_space<vmem>>, vector<1x16xf32>,
      %get3A_578 = arith.index_cast %scan3A_46 : i32 to index
      %get3A_579 = arith.constant 608 : index
      %get3A_580 = tpu.vector_load %arg7[%get3A_578, %get3A_579] {strides = array<i32>} : memref<32x1024xf32, #tpu.memory_space<vmem>>, vector<1x16xf32>,
      %get3A_581 = vector.shape_cast %get3A_580 : vector<1x16xf32> to vector<16xf32>
      %get3A_582 = arith.index_cast %scan3A_46 : i32 to index
      %get3A_583 = arith.constant 608 : index
      %get3A_584 = tpu.vector_load %arg8[%get3A_582, %get3A_583] {strides = array<i32>} : memref<32x1024xf32, #tpu.memory_space<vmem>>, vector<1x16xf32>,
      %get3A_585 = vector.shape_cast %get3A_584 : vector<1x16xf32> to vector<16xf32>
      %add3A_586 = arith.addf %get3A_581, %get3A_585 : vector<16xf32>
      %swap3A_587 = arith.index_cast %scan3A_46 : i32 to index
      %swap3A_588 = arith.constant 608 : index
      %swap3A_589 = tpu.vector_load %arg7[%swap3A_587, %swap3A_588] {strides = array<i32>} : memref<32x1024xf32, #tpu.memory_space<vmem>>, vector<1x16xf32>,
      %swap3A_590 = vector.shape_cast %swap3A_589 : vector<1x16xf32> to vector<16xf32>
      %swap3A_591 = vector.shape_cast %add3A_586 : vector<16xf32> to vector<1x16xf32>
      tpu.vector_store %arg7[%swap3A_587, %swap3A_588], %swap3A_591 {strides = array<i32>} : memref<32x1024xf32, #tpu.memory_space<vmem>>, vector<1x16xf32>,
      %get3A_592 = arith.index_cast %scan3A_46 : i32 to index
      %get3A_593 = arith.constant 624 : index
      %get3A_594 = tpu.vector_load %arg7[%get3A_592, %get3A_593] {strides = array<i32>} : memref<32x1024xf32, #tpu.memory_space<vmem>>, vector<1x16xf32>,
      %get3A_595 = vector.shape_cast %get3A_594 : vector<1x16xf32> to vector<16xf32>
      %get3A_596 = arith.index_cast %scan3A_46 : i32 to index
      %get3A_597 = arith.constant 624 : index
      %get3A_598 = tpu.vector_load %arg8[%get3A_596, %get3A_597] {strides = array<i32>} : memref<32x1024xf32, #tpu.memory_space<vmem>>, vector<1x16xf32>,
      %get3A_599 = vector.shape_cast %get3A_598 : vector<1x16xf32> to vector<16xf32>
      %add3A_600 = arith.addf %get3A_595, %get3A_599 : vector<16xf32>
      %swap3A_601 = arith.index_cast %scan3A_46 : i32 to index
      %swap3A_602 = arith.constant 624 : index
      %swap3A_603 = tpu.vector_load %arg7[%swap3A_601, %swap3A_602] {strides = array<i32>} : memref<32x1024xf32, #tpu.memory_space<vmem>>, vector<1x16xf32>,
      %swap3A_604 = vector.shape_cast %swap3A_603 : vector<1x16xf32> to vector<16xf32>
      %swap3A_605 = vector.shape_cast %add3A_600 : vector<16xf32> to vector<1x16xf32>
      tpu.vector_store %arg7[%swap3A_601, %swap3A_602], %swap3A_605 {strides = array<i32>} : memref<32x1024xf32, #tpu.memory_space<vmem>>, vector<1x16xf32>,
      %get3A_606 = arith.index_cast %scan3A_46 : i32 to index
      %get3A_607 = arith.constant 640 : index
      %get3A_608 = tpu.vector_load %arg7[%get3A_606, %get3A_607] {strides = array<i32>} : memref<32x1024xf32, #tpu.memory_space<vmem>>, vector<1x16xf32>,
      %get3A_609 = vector.shape_cast %get3A_608 : vector<1x16xf32> to vector<16xf32>
      %get3A_610 = arith.index_cast %scan3A_46 : i32 to index
      %get3A_611 = arith.constant 640 : index
      %get3A_612 = tpu.vector_load %arg8[%get3A_610, %get3A_611] {strides = array<i32>} : memref<32x1024xf32, #tpu.memory_space<vmem>>, vector<1x16xf32>,
      %get3A_613 = vector.shape_cast %get3A_612 : vector<1x16xf32> to vector<16xf32>
      %add3A_614 = arith.addf %get3A_609, %get3A_613 : vector<16xf32>
      %swap3A_615 = arith.index_cast %scan3A_46 : i32 to index
      %swap3A_616 = arith.constant 640 : index
      %swap3A_617 = tpu.vector_load %arg7[%swap3A_615, %swap3A_616] {strides = array<i32>} : memref<32x1024xf32, #tpu.memory_space<vmem>>, vector<1x16xf32>,
      %swap3A_618 = vector.shape_cast %swap3A_617 : vector<1x16xf32> to vector<16xf32>
      %swap3A_619 = vector.shape_cast %add3A_614 : vector<16xf32> to vector<1x16xf32>
      tpu.vector_store %arg7[%swap3A_615, %swap3A_616], %swap3A_619 {strides = array<i32>} : memref<32x1024xf32, #tpu.memory_space<vmem>>, vector<1x16xf32>,
      %get3A_620 = arith.index_cast %scan3A_46 : i32 to index
      %get3A_621 = arith.constant 656 : index
      %get3A_622 = tpu.vector_load %arg7[%get3A_620, %get3A_621] {strides = array<i32>} : memref<32x1024xf32, #tpu.memory_space<vmem>>, vector<1x16xf32>,
      %get3A_623 = vector.shape_cast %get3A_622 : vector<1x16xf32> to vector<16xf32>
      %get3A_624 = arith.index_cast %scan3A_46 : i32 to index
      %get3A_625 = arith.constant 656 : index
      %get3A_626 = tpu.vector_load %arg8[%get3A_624, %get3A_625] {strides = array<i32>} : memref<32x1024xf32, #tpu.memory_space<vmem>>, vector<1x16xf32>,
      %get3A_627 = vector.shape_cast %get3A_626 : vector<1x16xf32> to vector<16xf32>
      %add3A_628 = arith.addf %get3A_623, %get3A_627 : vector<16xf32>
      %swap3A_629 = arith.index_cast %scan3A_46 : i32 to index
      %swap3A_630 = arith.constant 656 : index
      %swap3A_631 = tpu.vector_load %arg7[%swap3A_629, %swap3A_630] {strides = array<i32>} : memref<32x1024xf32, #tpu.memory_space<vmem>>, vector<1x16xf32>,
      %swap3A_632 = vector.shape_cast %swap3A_631 : vector<1x16xf32> to vector<16xf32>
      %swap3A_633 = vector.shape_cast %add3A_628 : vector<16xf32> to vector<1x16xf32>
      tpu.vector_store %arg7[%swap3A_629, %swap3A_630], %swap3A_633 {strides = array<i32>} : memref<32x1024xf32, #tpu.memory_space<vmem>>, vector<1x16xf32>,
      %get3A_634 = arith.index_cast %scan3A_46 : i32 to index
      %get3A_635 = arith.constant 672 : index
      %get3A_636 = tpu.vector_load %arg7[%get3A_634, %get3A_635] {strides = array<i32>} : memref<32x1024xf32, #tpu.memory_space<vmem>>, vector<1x16xf32>,
      %get3A_637 = vector.shape_cast %get3A_636 : vector<1x16xf32> to vector<16xf32>
      %get3A_638 = arith.index_cast %scan3A_46 : i32 to index
      %get3A_639 = arith.constant 672 : index
      %get3A_640 = tpu.vector_load %arg8[%get3A_638, %get3A_639] {strides = array<i32>} : memref<32x1024xf32, #tpu.memory_space<vmem>>, vector<1x16xf32>,
      %get3A_641 = vector.shape_cast %get3A_640 : vector<1x16xf32> to vector<16xf32>
      %add3A_642 = arith.addf %get3A_637, %get3A_641 : vector<16xf32>
      %swap3A_643 = arith.index_cast %scan3A_46 : i32 to index
      %swap3A_644 = arith.constant 672 : index
      %swap3A_645 = tpu.vector_load %arg7[%swap3A_643, %swap3A_644] {strides = array<i32>} : memref<32x1024xf32, #tpu.memory_space<vmem>>, vector<1x16xf32>,
      %swap3A_646 = vector.shape_cast %swap3A_645 : vector<1x16xf32> to vector<16xf32>
      %swap3A_647 = vector.shape_cast %add3A_642 : vector<16xf32> to vector<1x16xf32>
      tpu.vector_store %arg7[%swap3A_643, %swap3A_644], %swap3A_647 {strides = array<i32>} : memref<32x1024xf32, #tpu.memory_space<vmem>>, vector<1x16xf32>,
      %get3A_648 = arith.index_cast %scan3A_46 : i32 to index
      %get3A_649 = arith.constant 688 : index
      %get3A_650 = tpu.vector_load %arg7[%get3A_648, %get3A_649] {strides = array<i32>} : memref<32x1024xf32, #tpu.memory_space<vmem>>, vector<1x16xf32>,
      %get3A_651 = vector.shape_cast %get3A_650 : vector<1x16xf32> to vector<16xf32>
      %get3A_652 = arith.index_cast %scan3A_46 : i32 to index
      %get3A_653 = arith.constant 688 : index
      %get3A_654 = tpu.vector_load %arg8[%get3A_652, %get3A_653] {strides = array<i32>} : memref<32x1024xf32, #tpu.memory_space<vmem>>, vector<1x16xf32>,
      %get3A_655 = vector.shape_cast %get3A_654 : vector<1x16xf32> to vector<16xf32>
      %add3A_656 = arith.addf %get3A_651, %get3A_655 : vector<16xf32>
      %swap3A_657 = arith.index_cast %scan3A_46 : i32 to index
      %swap3A_658 = arith.constant 688 : index
      %swap3A_659 = tpu.vector_load %arg7[%swap3A_657, %swap3A_658] {strides = array<i32>} : memref<32x1024xf32, #tpu.memory_space<vmem>>, vector<1x16xf32>,
      %swap3A_660 = vector.shape_cast %swap3A_659 : vector<1x16xf32> to vector<16xf32>
      %swap3A_661 = vector.shape_cast %add3A_656 : vector<16xf32> to vector<1x16xf32>
      tpu.vector_store %arg7[%swap3A_657, %swap3A_658], %swap3A_661 {strides = array<i32>} : memref<32x1024xf32, #tpu.memory_space<vmem>>, vector<1x16xf32>,
      %get3A_662 = arith.index_cast %scan3A_46 : i32 to index
      %get3A_663 = arith.constant 704 : index
      %get3A_664 = tpu.vector_load %arg7[%get3A_662, %get3A_663] {strides = array<i32>} : memref<32x1024xf32, #tpu.memory_space<vmem>>, vector<1x16xf32>,
      %get3A_665 = vector.shape_cast %get3A_664 : vector<1x16xf32> to vector<16xf32>
      %get3A_666 = arith.index_cast %scan3A_46 : i32 to index
      %get3A_667 = arith.constant 704 : index
      %get3A_668 = tpu.vector_load %arg8[%get3A_666, %get3A_667] {strides = array<i32>} : memref<32x1024xf32, #tpu.memory_space<vmem>>, vector<1x16xf32>,
      %get3A_669 = vector.shape_cast %get3A_668 : vector<1x16xf32> to vector<16xf32>
      %add3A_670 = arith.addf %get3A_665, %get3A_669 : vector<16xf32>
      %swap3A_671 = arith.index_cast %scan3A_46 : i32 to index
      %swap3A_672 = arith.constant 704 : index
      %swap3A_673 = tpu.vector_load %arg7[%swap3A_671, %swap3A_672] {strides = array<i32>} : memref<32x1024xf32, #tpu.memory_space<vmem>>, vector<1x16xf32>,
      %swap3A_674 = vector.shape_cast %swap3A_673 : vector<1x16xf32> to vector<16xf32>
      %swap3A_675 = vector.shape_cast %add3A_670 : vector<16xf32> to vector<1x16xf32>
      tpu.vector_store %arg7[%swap3A_671, %swap3A_672], %swap3A_675 {strides = array<i32>} : memref<32x1024xf32, #tpu.memory_space<vmem>>, vector<1x16xf32>,
      %get3A_676 = arith.index_cast %scan3A_46 : i32 to index
      %get3A_677 = arith.constant 720 : index
      %get3A_678 = tpu.vector_load %arg7[%get3A_676, %get3A_677] {strides = array<i32>} : memref<32x1024xf32, #tpu.memory_space<vmem>>, vector<1x16xf32>,
      %get3A_679 = vector.shape_cast %get3A_678 : vector<1x16xf32> to vector<16xf32>
      %get3A_680 = arith.index_cast %scan3A_46 : i32 to index
      %get3A_681 = arith.constant 720 : index
      %get3A_682 = tpu.vector_load %arg8[%get3A_680, %get3A_681] {strides = array<i32>} : memref<32x1024xf32, #tpu.memory_space<vmem>>, vector<1x16xf32>,
      %get3A_683 = vector.shape_cast %get3A_682 : vector<1x16xf32> to vector<16xf32>
      %add3A_684 = arith.addf %get3A_679, %get3A_683 : vector<16xf32>
      %swap3A_685 = arith.index_cast %scan3A_46 : i32 to index
      %swap3A_686 = arith.constant 720 : index
      %swap3A_687 = tpu.vector_load %arg7[%swap3A_685, %swap3A_686] {strides = array<i32>} : memref<32x1024xf32, #tpu.memory_space<vmem>>, vector<1x16xf32>,
      %swap3A_688 = vector.shape_cast %swap3A_687 : vector<1x16xf32> to vector<16xf32>
      %swap3A_689 = vector.shape_cast %add3A_684 : vector<16xf32> to vector<1x16xf32>
      tpu.vector_store %arg7[%swap3A_685, %swap3A_686], %swap3A_689 {strides = array<i32>} : memref<32x1024xf32, #tpu.memory_space<vmem>>, vector<1x16xf32>,
      %get3A_690 = arith.index_cast %scan3A_46 : i32 to index
      %get3A_691 = arith.constant 736 : index
      %get3A_692 = tpu.vector_load %arg7[%get3A_690, %get3A_691] {strides = array<i32>} : memref<32x1024xf32, #tpu.memory_space<vmem>>, vector<1x16xf32>,
      %get3A_693 = vector.shape_cast %get3A_692 : vector<1x16xf32> to vector<16xf32>
      %get3A_694 = arith.index_cast %scan3A_46 : i32 to index
      %get3A_695 = arith.constant 736 : index
      %get3A_696 = tpu.vector_load %arg8[%get3A_694, %get3A_695] {strides = array<i32>} : memref<32x1024xf32, #tpu.memory_space<vmem>>, vector<1x16xf32>,
      %get3A_697 = vector.shape_cast %get3A_696 : vector<1x16xf32> to vector<16xf32>
      %add3A_698 = arith.addf %get3A_693, %get3A_697 : vector<16xf32>
      %swap3A_699 = arith.index_cast %scan3A_46 : i32 to index
      %swap3A_700 = arith.constant 736 : index
      %swap3A_701 = tpu.vector_load %arg7[%swap3A_699, %swap3A_700] {strides = array<i32>} : memref<32x1024xf32, #tpu.memory_space<vmem>>, vector<1x16xf32>,
      %swap3A_702 = vector.shape_cast %swap3A_701 : vector<1x16xf32> to vector<16xf32>
      %swap3A_703 = vector.shape_cast %add3A_698 : vector<16xf32> to vector<1x16xf32>
      tpu.vector_store %arg7[%swap3A_699, %swap3A_700], %swap3A_703 {strides = array<i32>} : memref<32x1024xf32, #tpu.memory_space<vmem>>, vector<1x16xf32>,
      %get3A_704 = arith.index_cast %scan3A_46 : i32 to index
      %get3A_705 = arith.constant 752 : index
      %get3A_706 = tpu.vector_load %arg7[%get3A_704, %get3A_705] {strides = array<i32>} : memref<32x1024xf32, #tpu.memory_space<vmem>>, vector<1x16xf32>,
      %get3A_707 = vector.shape_cast %get3A_706 : vector<1x16xf32> to vector<16xf32>
      %get3A_708 = arith.index_cast %scan3A_46 : i32 to index
      %get3A_709 = arith.constant 752 : index
      %get3A_710 = tpu.vector_load %arg8[%get3A_708, %get3A_709] {strides = array<i32>} : memref<32x1024xf32, #tpu.memory_space<vmem>>, vector<1x16xf32>,
      %get3A_711 = vector.shape_cast %get3A_710 : vector<1x16xf32> to vector<16xf32>
      %add3A_712 = arith.addf %get3A_707, %get3A_711 : vector<16xf32>
      %swap3A_713 = arith.index_cast %scan3A_46 : i32 to index
      %swap3A_714 = arith.constant 752 : index
      %swap3A_715 = tpu.vector_load %arg7[%swap3A_713, %swap3A_714] {strides = array<i32>} : memref<32x1024xf32, #tpu.memory_space<vmem>>, vector<1x16xf32>,
      %swap3A_716 = vector.shape_cast %swap3A_715 : vector<1x16xf32> to vector<16xf32>
      %swap3A_717 = vector.shape_cast %add3A_712 : vector<16xf32> to vector<1x16xf32>
      tpu.vector_store %arg7[%swap3A_713, %swap3A_714], %swap3A_717 {strides = array<i32>} : memref<32x1024xf32, #tpu.memory_space<vmem>>, vector<1x16xf32>,
      %get3A_718 = arith.index_cast %scan3A_46 : i32 to index
      %get3A_719 = arith.constant 768 : index
      %get3A_720 = tpu.vector_load %arg7[%get3A_718, %get3A_719] {strides = array<i32>} : memref<32x1024xf32, #tpu.memory_space<vmem>>, vector<1x16xf32>,
      %get3A_721 = vector.shape_cast %get3A_720 : vector<1x16xf32> to vector<16xf32>
      %get3A_722 = arith.index_cast %scan3A_46 : i32 to index
      %get3A_723 = arith.constant 768 : index
      %get3A_724 = tpu.vector_load %arg8[%get3A_722, %get3A_723] {strides = array<i32>} : memref<32x1024xf32, #tpu.memory_space<vmem>>, vector<1x16xf32>,
      %get3A_725 = vector.shape_cast %get3A_724 : vector<1x16xf32> to vector<16xf32>
      %add3A_726 = arith.addf %get3A_721, %get3A_725 : vector<16xf32>
      %swap3A_727 = arith.index_cast %scan3A_46 : i32 to index
      %swap3A_728 = arith.constant 768 : index
      %swap3A_729 = tpu.vector_load %arg7[%swap3A_727, %swap3A_728] {strides = array<i32>} : memref<32x1024xf32, #tpu.memory_space<vmem>>, vector<1x16xf32>,
      %swap3A_730 = vector.shape_cast %swap3A_729 : vector<1x16xf32> to vector<16xf32>
      %swap3A_731 = vector.shape_cast %add3A_726 : vector<16xf32> to vector<1x16xf32>
      tpu.vector_store %arg7[%swap3A_727, %swap3A_728], %swap3A_731 {strides = array<i32>} : memref<32x1024xf32, #tpu.memory_space<vmem>>, vector<1x16xf32>,
      %get3A_732 = arith.index_cast %scan3A_46 : i32 to index
      %get3A_733 = arith.constant 784 : index
      %get3A_734 = tpu.vector_load %arg7[%get3A_732, %get3A_733] {strides = array<i32>} : memref<32x1024xf32, #tpu.memory_space<vmem>>, vector<1x16xf32>,
      %get3A_735 = vector.shape_cast %get3A_734 : vector<1x16xf32> to vector<16xf32>
      %get3A_736 = arith.index_cast %scan3A_46 : i32 to index
      %get3A_737 = arith.constant 784 : index
      %get3A_738 = tpu.vector_load %arg8[%get3A_736, %get3A_737] {strides = array<i32>} : memref<32x1024xf32, #tpu.memory_space<vmem>>, vector<1x16xf32>,
      %get3A_739 = vector.shape_cast %get3A_738 : vector<1x16xf32> to vector<16xf32>
      %add3A_740 = arith.addf %get3A_735, %get3A_739 : vector<16xf32>
      %swap3A_741 = arith.index_cast %scan3A_46 : i32 to index
      %swap3A_742 = arith.constant 784 : index
      %swap3A_743 = tpu.vector_load %arg7[%swap3A_741, %swap3A_742] {strides = array<i32>} : memref<32x1024xf32, #tpu.memory_space<vmem>>, vector<1x16xf32>,
      %swap3A_744 = vector.shape_cast %swap3A_743 : vector<1x16xf32> to vector<16xf32>
      %swap3A_745 = vector.shape_cast %add3A_740 : vector<16xf32> to vector<1x16xf32>
      tpu.vector_store %arg7[%swap3A_741, %swap3A_742], %swap3A_745 {strides = array<i32>} : memref<32x1024xf32, #tpu.memory_space<vmem>>, vector<1x16xf32>,
      %get3A_746 = arith.index_cast %scan3A_46 : i32 to index
      %get3A_747 = arith.constant 800 : index
      %get3A_748 = tpu.vector_load %arg7[%get3A_746, %get3A_747] {strides = array<i32>} : memref<32x1024xf32, #tpu.memory_space<vmem>>, vector<1x16xf32>,
      %get3A_749 = vector.shape_cast %get3A_748 : vector<1x16xf32> to vector<16xf32>
      %get3A_750 = arith.index_cast %scan3A_46 : i32 to index
      %get3A_751 = arith.constant 800 : index
      %get3A_752 = tpu.vector_load %arg8[%get3A_750, %get3A_751] {strides = array<i32>} : memref<32x1024xf32, #tpu.memory_space<vmem>>, vector<1x16xf32>,
      %get3A_753 = vector.shape_cast %get3A_752 : vector<1x16xf32> to vector<16xf32>
      %add3A_754 = arith.addf %get3A_749, %get3A_753 : vector<16xf32>
      %swap3A_755 = arith.index_cast %scan3A_46 : i32 to index
      %swap3A_756 = arith.constant 800 : index
      %swap3A_757 = tpu.vector_load %arg7[%swap3A_755, %swap3A_756] {strides = array<i32>} : memref<32x1024xf32, #tpu.memory_space<vmem>>, vector<1x16xf32>,
      %swap3A_758 = vector.shape_cast %swap3A_757 : vector<1x16xf32> to vector<16xf32>
      %swap3A_759 = vector.shape_cast %add3A_754 : vector<16xf32> to vector<1x16xf32>
      tpu.vector_store %arg7[%swap3A_755, %swap3A_756], %swap3A_759 {strides = array<i32>} : memref<32x1024xf32, #tpu.memory_space<vmem>>, vector<1x16xf32>,
      %get3A_760 = arith.index_cast %scan3A_46 : i32 to index
      %get3A_761 = arith.constant 816 : index
      %get3A_762 = tpu.vector_load %arg7[%get3A_760, %get3A_761] {strides = array<i32>} : memref<32x1024xf32, #tpu.memory_space<vmem>>, vector<1x16xf32>,
      %get3A_763 = vector.shape_cast %get3A_762 : vector<1x16xf32> to vector<16xf32>
      %get3A_764 = arith.index_cast %scan3A_46 : i32 to index
      %get3A_765 = arith.constant 816 : index
      %get3A_766 = tpu.vector_load %arg8[%get3A_764, %get3A_765] {strides = array<i32>} : memref<32x1024xf32, #tpu.memory_space<vmem>>, vector<1x16xf32>,
      %get3A_767 = vector.shape_cast %get3A_766 : vector<1x16xf32> to vector<16xf32>
      %add3A_768 = arith.addf %get3A_763, %get3A_767 : vector<16xf32>
      %swap3A_769 = arith.index_cast %scan3A_46 : i32 to index
      %swap3A_770 = arith.constant 816 : index
      %swap3A_771 = tpu.vector_load %arg7[%swap3A_769, %swap3A_770] {strides = array<i32>} : memref<32x1024xf32, #tpu.memory_space<vmem>>, vector<1x16xf32>,
      %swap3A_772 = vector.shape_cast %swap3A_771 : vector<1x16xf32> to vector<16xf32>
      %swap3A_773 = vector.shape_cast %add3A_768 : vector<16xf32> to vector<1x16xf32>
      tpu.vector_store %arg7[%swap3A_769, %swap3A_770], %swap3A_773 {strides = array<i32>} : memref<32x1024xf32, #tpu.memory_space<vmem>>, vector<1x16xf32>,
      %get3A_774 = arith.index_cast %scan3A_46 : i32 to index
      %get3A_775 = arith.constant 832 : index
      %get3A_776 = tpu.vector_load %arg7[%get3A_774, %get3A_775] {strides = array<i32>} : memref<32x1024xf32, #tpu.memory_space<vmem>>, vector<1x16xf32>,
      %get3A_777 = vector.shape_cast %get3A_776 : vector<1x16xf32> to vector<16xf32>
      %get3A_778 = arith.index_cast %scan3A_46 : i32 to index
      %get3A_779 = arith.constant 832 : index
      %get3A_780 = tpu.vector_load %arg8[%get3A_778, %get3A_779] {strides = array<i32>} : memref<32x1024xf32, #tpu.memory_space<vmem>>, vector<1x16xf32>,
      %get3A_781 = vector.shape_cast %get3A_780 : vector<1x16xf32> to vector<16xf32>
      %add3A_782 = arith.addf %get3A_777, %get3A_781 : vector<16xf32>
      %swap3A_783 = arith.index_cast %scan3A_46 : i32 to index
      %swap3A_784 = arith.constant 832 : index
      %swap3A_785 = tpu.vector_load %arg7[%swap3A_783, %swap3A_784] {strides = array<i32>} : memref<32x1024xf32, #tpu.memory_space<vmem>>, vector<1x16xf32>,
      %swap3A_786 = vector.shape_cast %swap3A_785 : vector<1x16xf32> to vector<16xf32>
      %swap3A_787 = vector.shape_cast %add3A_782 : vector<16xf32> to vector<1x16xf32>
      tpu.vector_store %arg7[%swap3A_783, %swap3A_784], %swap3A_787 {strides = array<i32>} : memref<32x1024xf32, #tpu.memory_space<vmem>>, vector<1x16xf32>,
      %get3A_788 = arith.index_cast %scan3A_46 : i32 to index
      %get3A_789 = arith.constant 848 : index
      %get3A_790 = tpu.vector_load %arg7[%get3A_788, %get3A_789] {strides = array<i32>} : memref<32x1024xf32, #tpu.memory_space<vmem>>, vector<1x16xf32>,
      %get3A_791 = vector.shape_cast %get3A_790 : vector<1x16xf32> to vector<16xf32>
      %get3A_792 = arith.index_cast %scan3A_46 : i32 to index
      %get3A_793 = arith.constant 848 : index
      %get3A_794 = tpu.vector_load %arg8[%get3A_792, %get3A_793] {strides = array<i32>} : memref<32x1024xf32, #tpu.memory_space<vmem>>, vector<1x16xf32>,
      %get3A_795 = vector.shape_cast %get3A_794 : vector<1x16xf32> to vector<16xf32>
      %add3A_796 = arith.addf %get3A_791, %get3A_795 : vector<16xf32>
      %swap3A_797 = arith.index_cast %scan3A_46 : i32 to index
      %swap3A_798 = arith.constant 848 : index
      %swap3A_799 = tpu.vector_load %arg7[%swap3A_797, %swap3A_798] {strides = array<i32>} : memref<32x1024xf32, #tpu.memory_space<vmem>>, vector<1x16xf32>,
      %swap3A_800 = vector.shape_cast %swap3A_799 : vector<1x16xf32> to vector<16xf32>
      %swap3A_801 = vector.shape_cast %add3A_796 : vector<16xf32> to vector<1x16xf32>
      tpu.vector_store %arg7[%swap3A_797, %swap3A_798], %swap3A_801 {strides = array<i32>} : memref<32x1024xf32, #tpu.memory_space<vmem>>, vector<1x16xf32>,
      %get3A_802 = arith.index_cast %scan3A_46 : i32 to index
      %get3A_803 = arith.constant 864 : index
      %get3A_804 = tpu.vector_load %arg7[%get3A_802, %get3A_803] {strides = array<i32>} : memref<32x1024xf32, #tpu.memory_space<vmem>>, vector<1x16xf32>,
      %get3A_805 = vector.shape_cast %get3A_804 : vector<1x16xf32> to vector<16xf32>
      %get3A_806 = arith.index_cast %scan3A_46 : i32 to index
      %get3A_807 = arith.constant 864 : index
      %get3A_808 = tpu.vector_load %arg8[%get3A_806, %get3A_807] {strides = array<i32>} : memref<32x1024xf32, #tpu.memory_space<vmem>>, vector<1x16xf32>,
      %get3A_809 = vector.shape_cast %get3A_808 : vector<1x16xf32> to vector<16xf32>
      %add3A_810 = arith.addf %get3A_805, %get3A_809 : vector<16xf32>
      %swap3A_811 = arith.index_cast %scan3A_46 : i32 to index
      %swap3A_812 = arith.constant 864 : index
      %swap3A_813 = tpu.vector_load %arg7[%swap3A_811, %swap3A_812] {strides = array<i32>} : memref<32x1024xf32, #tpu.memory_space<vmem>>, vector<1x16xf32>,
      %swap3A_814 = vector.shape_cast %swap3A_813 : vector<1x16xf32> to vector<16xf32>
      %swap3A_815 = vector.shape_cast %add3A_810 : vector<16xf32> to vector<1x16xf32>
      tpu.vector_store %arg7[%swap3A_811, %swap3A_812], %swap3A_815 {strides = array<i32>} : memref<32x1024xf32, #tpu.memory_space<vmem>>, vector<1x16xf32>,
      %get3A_816 = arith.index_cast %scan3A_46 : i32 to index
      %get3A_817 = arith.constant 880 : index
      %get3A_818 = tpu.vector_load %arg7[%get3A_816, %get3A_817] {strides = array<i32>} : memref<32x1024xf32, #tpu.memory_space<vmem>>, vector<1x16xf32>,
      %get3A_819 = vector.shape_cast %get3A_818 : vector<1x16xf32> to vector<16xf32>
      %get3A_820 = arith.index_cast %scan3A_46 : i32 to index
      %get3A_821 = arith.constant 880 : index
      %get3A_822 = tpu.vector_load %arg8[%get3A_820, %get3A_821] {strides = array<i32>} : memref<32x1024xf32, #tpu.memory_space<vmem>>, vector<1x16xf32>,
      %get3A_823 = vector.shape_cast %get3A_822 : vector<1x16xf32> to vector<16xf32>
      %add3A_824 = arith.addf %get3A_819, %get3A_823 : vector<16xf32>
      %swap3A_825 = arith.index_cast %scan3A_46 : i32 to index
      %swap3A_826 = arith.constant 880 : index
      %swap3A_827 = tpu.vector_load %arg7[%swap3A_825, %swap3A_826] {strides = array<i32>} : memref<32x1024xf32, #tpu.memory_space<vmem>>, vector<1x16xf32>,
      %swap3A_828 = vector.shape_cast %swap3A_827 : vector<1x16xf32> to vector<16xf32>
      %swap3A_829 = vector.shape_cast %add3A_824 : vector<16xf32> to vector<1x16xf32>
      tpu.vector_store %arg7[%swap3A_825, %swap3A_826], %swap3A_829 {strides = array<i32>} : memref<32x1024xf32, #tpu.memory_space<vmem>>, vector<1x16xf32>,
      %get3A_830 = arith.index_cast %scan3A_46 : i32 to index
      %get3A_831 = arith.constant 896 : index
      %get3A_832 = tpu.vector_load %arg7[%get3A_830, %get3A_831] {strides = array<i32>} : memref<32x1024xf32, #tpu.memory_space<vmem>>, vector<1x16xf32>,
      %get3A_833 = vector.shape_cast %get3A_832 : vector<1x16xf32> to vector<16xf32>
      %get3A_834 = arith.index_cast %scan3A_46 : i32 to index
      %get3A_835 = arith.constant 896 : index
      %get3A_836 = tpu.vector_load %arg8[%get3A_834, %get3A_835] {strides = array<i32>} : memref<32x1024xf32, #tpu.memory_space<vmem>>, vector<1x16xf32>,
      %get3A_837 = vector.shape_cast %get3A_836 : vector<1x16xf32> to vector<16xf32>
      %add3A_838 = arith.addf %get3A_833, %get3A_837 : vector<16xf32>
      %swap3A_839 = arith.index_cast %scan3A_46 : i32 to index
      %swap3A_840 = arith.constant 896 : index
      %swap3A_841 = tpu.vector_load %arg7[%swap3A_839, %swap3A_840] {strides = array<i32>} : memref<32x1024xf32, #tpu.memory_space<vmem>>, vector<1x16xf32>,
      %swap3A_842 = vector.shape_cast %swap3A_841 : vector<1x16xf32> to vector<16xf32>
      %swap3A_843 = vector.shape_cast %add3A_838 : vector<16xf32> to vector<1x16xf32>
      tpu.vector_store %arg7[%swap3A_839, %swap3A_840], %swap3A_843 {strides = array<i32>} : memref<32x1024xf32, #tpu.memory_space<vmem>>, vector<1x16xf32>,
      %get3A_844 = arith.index_cast %scan3A_46 : i32 to index
      %get3A_845 = arith.constant 912 : index
      %get3A_846 = tpu.vector_load %arg7[%get3A_844, %get3A_845] {strides = array<i32>} : memref<32x1024xf32, #tpu.memory_space<vmem>>, vector<1x16xf32>,
      %get3A_847 = vector.shape_cast %get3A_846 : vector<1x16xf32> to vector<16xf32>
      %get3A_848 = arith.index_cast %scan3A_46 : i32 to index
      %get3A_849 = arith.constant 912 : index
      %get3A_850 = tpu.vector_load %arg8[%get3A_848, %get3A_849] {strides = array<i32>} : memref<32x1024xf32, #tpu.memory_space<vmem>>, vector<1x16xf32>,
      %get3A_851 = vector.shape_cast %get3A_850 : vector<1x16xf32> to vector<16xf32>
      %add3A_852 = arith.addf %get3A_847, %get3A_851 : vector<16xf32>
      %swap3A_853 = arith.index_cast %scan3A_46 : i32 to index
      %swap3A_854 = arith.constant 912 : index
      %swap3A_855 = tpu.vector_load %arg7[%swap3A_853, %swap3A_854] {strides = array<i32>} : memref<32x1024xf32, #tpu.memory_space<vmem>>, vector<1x16xf32>,
      %swap3A_856 = vector.shape_cast %swap3A_855 : vector<1x16xf32> to vector<16xf32>
      %swap3A_857 = vector.shape_cast %add3A_852 : vector<16xf32> to vector<1x16xf32>
      tpu.vector_store %arg7[%swap3A_853, %swap3A_854], %swap3A_857 {strides = array<i32>} : memref<32x1024xf32, #tpu.memory_space<vmem>>, vector<1x16xf32>,
      %get3A_858 = arith.index_cast %scan3A_46 : i32 to index
      %get3A_859 = arith.constant 928 : index
      %get3A_860 = tpu.vector_load %arg7[%get3A_858, %get3A_859] {strides = array<i32>} : memref<32x1024xf32, #tpu.memory_space<vmem>>, vector<1x16xf32>,
      %get3A_861 = vector.shape_cast %get3A_860 : vector<1x16xf32> to vector<16xf32>
      %get3A_862 = arith.index_cast %scan3A_46 : i32 to index
      %get3A_863 = arith.constant 928 : index
      %get3A_864 = tpu.vector_load %arg8[%get3A_862, %get3A_863] {strides = array<i32>} : memref<32x1024xf32, #tpu.memory_space<vmem>>, vector<1x16xf32>,
      %get3A_865 = vector.shape_cast %get3A_864 : vector<1x16xf32> to vector<16xf32>
      %add3A_866 = arith.addf %get3A_861, %get3A_865 : vector<16xf32>
      %swap3A_867 = arith.index_cast %scan3A_46 : i32 to index
      %swap3A_868 = arith.constant 928 : index
      %swap3A_869 = tpu.vector_load %arg7[%swap3A_867, %swap3A_868] {strides = array<i32>} : memref<32x1024xf32, #tpu.memory_space<vmem>>, vector<1x16xf32>,
      %swap3A_870 = vector.shape_cast %swap3A_869 : vector<1x16xf32> to vector<16xf32>
      %swap3A_871 = vector.shape_cast %add3A_866 : vector<16xf32> to vector<1x16xf32>
      tpu.vector_store %arg7[%swap3A_867, %swap3A_868], %swap3A_871 {strides = array<i32>} : memref<32x1024xf32, #tpu.memory_space<vmem>>, vector<1x16xf32>,
      %get3A_872 = arith.index_cast %scan3A_46 : i32 to index
      %get3A_873 = arith.constant 944 : index
      %get3A_874 = tpu.vector_load %arg7[%get3A_872, %get3A_873] {strides = array<i32>} : memref<32x1024xf32, #tpu.memory_space<vmem>>, vector<1x16xf32>,
      %get3A_875 = vector.shape_cast %get3A_874 : vector<1x16xf32> to vector<16xf32>
      %get3A_876 = arith.index_cast %scan3A_46 : i32 to index
      %get3A_877 = arith.constant 944 : index
      %get3A_878 = tpu.vector_load %arg8[%get3A_876, %get3A_877] {strides = array<i32>} : memref<32x1024xf32, #tpu.memory_space<vmem>>, vector<1x16xf32>,
      %get3A_879 = vector.shape_cast %get3A_878 : vector<1x16xf32> to vector<16xf32>
      %add3A_880 = arith.addf %get3A_875, %get3A_879 : vector<16xf32>
      %swap3A_881 = arith.index_cast %scan3A_46 : i32 to index
      %swap3A_882 = arith.constant 944 : index
      %swap3A_883 = tpu.vector_load %arg7[%swap3A_881, %swap3A_882] {strides = array<i32>} : memref<32x1024xf32, #tpu.memory_space<vmem>>, vector<1x16xf32>,
      %swap3A_884 = vector.shape_cast %swap3A_883 : vector<1x16xf32> to vector<16xf32>
      %swap3A_885 = vector.shape_cast %add3A_880 : vector<16xf32> to vector<1x16xf32>
      tpu.vector_store %arg7[%swap3A_881, %swap3A_882], %swap3A_885 {strides = array<i32>} : memref<32x1024xf32, #tpu.memory_space<vmem>>, vector<1x16xf32>,
      %get3A_886 = arith.index_cast %scan3A_46 : i32 to index
      %get3A_887 = arith.constant 960 : index
      %get3A_888 = tpu.vector_load %arg7[%get3A_886, %get3A_887] {strides = array<i32>} : memref<32x1024xf32, #tpu.memory_space<vmem>>, vector<1x16xf32>,
      %get3A_889 = vector.shape_cast %get3A_888 : vector<1x16xf32> to vector<16xf32>
      %get3A_890 = arith.index_cast %scan3A_46 : i32 to index
      %get3A_891 = arith.constant 960 : index
      %get3A_892 = tpu.vector_load %arg8[%get3A_890, %get3A_891] {strides = array<i32>} : memref<32x1024xf32, #tpu.memory_space<vmem>>, vector<1x16xf32>,
      %get3A_893 = vector.shape_cast %get3A_892 : vector<1x16xf32> to vector<16xf32>
      %add3A_894 = arith.addf %get3A_889, %get3A_893 : vector<16xf32>
      %swap3A_895 = arith.index_cast %scan3A_46 : i32 to index
      %swap3A_896 = arith.constant 960 : index
      %swap3A_897 = tpu.vector_load %arg7[%swap3A_895, %swap3A_896] {strides = array<i32>} : memref<32x1024xf32, #tpu.memory_space<vmem>>, vector<1x16xf32>,
      %swap3A_898 = vector.shape_cast %swap3A_897 : vector<1x16xf32> to vector<16xf32>
      %swap3A_899 = vector.shape_cast %add3A_894 : vector<16xf32> to vector<1x16xf32>
      tpu.vector_store %arg7[%swap3A_895, %swap3A_896], %swap3A_899 {strides = array<i32>} : memref<32x1024xf32, #tpu.memory_space<vmem>>, vector<1x16xf32>,
      %get3A_900 = arith.index_cast %scan3A_46 : i32 to index
      %get3A_901 = arith.constant 976 : index
      %get3A_902 = tpu.vector_load %arg7[%get3A_900, %get3A_901] {strides = array<i32>} : memref<32x1024xf32, #tpu.memory_space<vmem>>, vector<1x16xf32>,
      %get3A_903 = vector.shape_cast %get3A_902 : vector<1x16xf32> to vector<16xf32>
      %get3A_904 = arith.index_cast %scan3A_46 : i32 to index
      %get3A_905 = arith.constant 976 : index
      %get3A_906 = tpu.vector_load %arg8[%get3A_904, %get3A_905] {strides = array<i32>} : memref<32x1024xf32, #tpu.memory_space<vmem>>, vector<1x16xf32>,
      %get3A_907 = vector.shape_cast %get3A_906 : vector<1x16xf32> to vector<16xf32>
      %add3A_908 = arith.addf %get3A_903, %get3A_907 : vector<16xf32>
      %swap3A_909 = arith.index_cast %scan3A_46 : i32 to index
      %swap3A_910 = arith.constant 976 : index
      %swap3A_911 = tpu.vector_load %arg7[%swap3A_909, %swap3A_910] {strides = array<i32>} : memref<32x1024xf32, #tpu.memory_space<vmem>>, vector<1x16xf32>,
      %swap3A_912 = vector.shape_cast %swap3A_911 : vector<1x16xf32> to vector<16xf32>
      %swap3A_913 = vector.shape_cast %add3A_908 : vector<16xf32> to vector<1x16xf32>
      tpu.vector_store %arg7[%swap3A_909, %swap3A_910], %swap3A_913 {strides = array<i32>} : memref<32x1024xf32, #tpu.memory_space<vmem>>, vector<1x16xf32>,
      %get3A_914 = arith.index_cast %scan3A_46 : i32 to index
      %get3A_915 = arith.constant 992 : index
      %get3A_916 = tpu.vector_load %arg7[%get3A_914, %get3A_915] {strides = array<i32>} : memref<32x1024xf32, #tpu.memory_space<vmem>>, vector<1x16xf32>,
      %get3A_917 = vector.shape_cast %get3A_916 : vector<1x16xf32> to vector<16xf32>
      %get3A_918 = arith.index_cast %scan3A_46 : i32 to index
      %get3A_919 = arith.constant 992 : index
      %get3A_920 = tpu.vector_load %arg8[%get3A_918, %get3A_919] {strides = array<i32>} : memref<32x1024xf32, #tpu.memory_space<vmem>>, vector<1x16xf32>,
      %get3A_921 = vector.shape_cast %get3A_920 : vector<1x16xf32> to vector<16xf32>
      %add3A_922 = arith.addf %get3A_917, %get3A_921 : vector<16xf32>
      %swap3A_923 = arith.index_cast %scan3A_46 : i32 to index
      %swap3A_924 = arith.constant 992 : index
      %swap3A_925 = tpu.vector_load %arg7[%swap3A_923, %swap3A_924] {strides = array<i32>} : memref<32x1024xf32, #tpu.memory_space<vmem>>, vector<1x16xf32>,
      %swap3A_926 = vector.shape_cast %swap3A_925 : vector<1x16xf32> to vector<16xf32>
      %swap3A_927 = vector.shape_cast %add3A_922 : vector<16xf32> to vector<1x16xf32>
      tpu.vector_store %arg7[%swap3A_923, %swap3A_924], %swap3A_927 {strides = array<i32>} : memref<32x1024xf32, #tpu.memory_space<vmem>>, vector<1x16xf32>,
      %get3A_928 = arith.index_cast %scan3A_46 : i32 to index
      %get3A_929 = arith.constant 1008 : index
      %get3A_930 = tpu.vector_load %arg7[%get3A_928, %get3A_929] {strides = array<i32>} : memref<32x1024xf32, #tpu.memory_space<vmem>>, vector<1x16xf32>,
      %get3A_931 = vector.shape_cast %get3A_930 : vector<1x16xf32> to vector<16xf32>
      %get3A_932 = arith.index_cast %scan3A_46 : i32 to index
      %get3A_933 = arith.constant 1008 : index
      %get3A_934 = tpu.vector_load %arg8[%get3A_932, %get3A_933] {strides = array<i32>} : memref<32x1024xf32, #tpu.memory_space<vmem>>, vector<1x16xf32>,
      %get3A_935 = vector.shape_cast %get3A_934 : vector<1x16xf32> to vector<16xf32>
      %add3A_936 = arith.addf %get3A_931, %get3A_935 : vector<16xf32>
      %swap3A_937 = arith.index_cast %scan3A_46 : i32 to index
      %swap3A_938 = arith.constant 1008 : index
      %swap3A_939 = tpu.vector_load %arg7[%swap3A_937, %swap3A_938] {strides = array<i32>} : memref<32x1024xf32, #tpu.memory_space<vmem>>, vector<1x16xf32>,
      %swap3A_940 = vector.shape_cast %swap3A_939 : vector<1x16xf32> to vector<16xf32>
      %swap3A_941 = vector.shape_cast %add3A_936 : vector<16xf32> to vector<1x16xf32>
      tpu.vector_store %arg7[%swap3A_937, %swap3A_938], %swap3A_941 {strides = array<i32>} : memref<32x1024xf32, #tpu.memory_space<vmem>>, vector<1x16xf32>,
      %scan3A_942 = arith.constant 0 : i32
      scf.yield %scan3A_942 : i32
    }
    %scan3A_22 = arith.constant 32 : i32
    "tpu.region"() ({
      %run_scoped3A = tpu.sem_alloc : memref<!tpu.dma_semaphore, #tpu.memory_space<semaphore_mem>>
      %dma_start3A_46 = arith.constant 0 : i32
      %dma_start3A_47 = tpu.memref_slice %arg4[%add3A_4, %dma_start3A_46] : memref<2048x1024xf32, #tpu.memory_space<hbm>> -> memref<32x1024xf32, #tpu.memory_space<hbm>>
      %dma_start3A_48 = arith.constant 0 : i32
      %dma_start3A_49 = tpu.memref_slice %arg4[%add3A_4, %dma_start3A_48] : memref<2048x1024xf32, #tpu.memory_space<hbm>> -> memref<32x1024xf32, #tpu.memory_space<hbm>>
      tpu.enqueue_dma source(%arg7 : memref<32x1024xf32, #tpu.memory_space<vmem>>) target(%dma_start3A_49 : memref<32x1024xf32, #tpu.memory_space<hbm>>) target_semaphore(%run_scoped3A : memref<!tpu.dma_semaphore, #tpu.memory_space<semaphore_mem>>)
      %dma_wait3A_50 = arith.constant 0 : i32
      %dma_wait3A_51 = tpu.memref_slice %arg4[%add3A_4, %dma_wait3A_50] : memref<2048x1024xf32, #tpu.memory_space<hbm>> -> memref<32x1024xf32, #tpu.memory_space<hbm>>
      %dma_wait3A_52 = arith.constant 0 : i32
      %dma_wait3A_53 = tpu.memref_slice %arg4[%add3A_4, %dma_wait3A_52] : memref<2048x1024xf32, #tpu.memory_space<hbm>> -> memref<32x1024xf32, #tpu.memory_space<hbm>>
      tpu.wait_dma2 semaphore(%run_scoped3A : memref<!tpu.dma_semaphore, #tpu.memory_space<semaphore_mem>>) src(%arg7 : memref<32x1024xf32, #tpu.memory_space<vmem>>) dst(%dma_wait3A_53 : memref<32x1024xf32, #tpu.memory_space<hbm>>)
      tpu.yield
    }) : () -> ()
    %add3A_23 = arith.constant 32 : i32
    %add3A_24 = arith.addi %mul3A_2, %add3A_23 : i32
    "tpu.region"() ({
      %run_scoped3A = tpu.sem_alloc : memref<!tpu.dma_semaphore, #tpu.memory_space<semaphore_mem>>
      %dma_start3A_46 = tpu.memref_slice %arg3[%add3A_24] : memref<4096xi32, #tpu.memory_space<hbm>> -> memref<32xi32, #tpu.memory_space<hbm>>
      %dma_start3A_47 = tpu.memref_slice %arg3[%add3A_24] : memref<4096xi32, #tpu.memory_space<hbm>> -> memref<32xi32, #tpu.memory_space<hbm>>
      tpu.enqueue_dma source(%dma_start3A_47 : memref<32xi32, #tpu.memory_space<hbm>>) target(%arg5 : memref<32xi32, #tpu.memory_space<vmem>>) target_semaphore(%run_scoped3A : memref<!tpu.dma_semaphore, #tpu.memory_space<semaphore_mem>>)
      %dma_wait3A_48 = tpu.memref_slice %arg3[%add3A_24] : memref<4096xi32, #tpu.memory_space<hbm>> -> memref<32xi32, #tpu.memory_space<hbm>>
      %dma_wait3A_49 = tpu.memref_slice %arg3[%add3A_24] : memref<4096xi32, #tpu.memory_space<hbm>> -> memref<32xi32, #tpu.memory_space<hbm>>
      tpu.wait_dma2 semaphore(%run_scoped3A : memref<!tpu.dma_semaphore, #tpu.memory_space<semaphore_mem>>) src(%dma_wait3A_49 : memref<32xi32, #tpu.memory_space<hbm>>) dst(%arg5 : memref<32xi32, #tpu.memory_space<vmem>>)
      tpu.yield
    }) : () -> ()
    %add3A_25 = arith.constant 2048 : i32
    %add3A_26 = arith.addi %add3A_25, %add3A_24 : i32
    "tpu.region"() ({
      %run_scoped3A = tpu.sem_alloc : memref<!tpu.dma_semaphore, #tpu.memory_space<semaphore_mem>>
      %dma_start3A_46 = tpu.memref_slice %arg3[%add3A_26] : memref<4096xi32, #tpu.memory_space<hbm>> -> memref<32xi32, #tpu.memory_space<hbm>>
      %dma_start3A_47 = tpu.memref_slice %arg3[%add3A_26] : memref<4096xi32, #tpu.memory_space<hbm>> -> memref<32xi32, #tpu.memory_space<hbm>>
      tpu.enqueue_dma source(%dma_start3A_47 : memref<32xi32, #tpu.memory_space<hbm>>) target(%arg6 : memref<32xi32, #tpu.memory_space<vmem>>) target_semaphore(%run_scoped3A : memref<!tpu.dma_semaphore, #tpu.memory_space<semaphore_mem>>)
      %dma_wait3A_48 = tpu.memref_slice %arg3[%add3A_26] : memref<4096xi32, #tpu.memory_space<hbm>> -> memref<32xi32, #tpu.memory_space<hbm>>
      %dma_wait3A_49 = tpu.memref_slice %arg3[%add3A_26] : memref<4096xi32, #tpu.memory_space<hbm>> -> memref<32xi32, #tpu.memory_space<hbm>>
      tpu.wait_dma2 semaphore(%run_scoped3A : memref<!tpu.dma_semaphore, #tpu.memory_space<semaphore_mem>>) src(%dma_wait3A_49 : memref<32xi32, #tpu.memory_space<hbm>>) dst(%arg6 : memref<32xi32, #tpu.memory_space<vmem>>)
      tpu.yield
    }) : () -> ()
    %dma_start3A_27 = arith.constant 0 : i32
    %dma_start3A_28 = arith.constant 0 : i32
    %dma_start3A_29 = tpu.memref_slice %arg2[%dma_start3A_27, %dma_start3A_28] : memref<5120x1024xf32, #tpu.memory_space<hbm>> -> memref<5120x1024xf32, #tpu.memory_space<hbm>>
    tpu.enqueue_indirect_dma source(%dma_start3A_29 : memref<5120x1024xf32, #tpu.memory_space<hbm>>) target(%arg7 : memref<32x1024xf32, #tpu.memory_space<vmem>>) offsets(%arg5 : memref<32xi32, #tpu.memory_space<vmem>>) semaphore(%arg9 : memref<!tpu.dma_semaphore, #tpu.memory_space<semaphore_mem>>)
    %dma_start3A_30 = arith.constant 0 : i32
    %dma_start3A_31 = arith.constant 0 : i32
    %dma_start3A_32 = tpu.memref_slice %arg2[%dma_start3A_30, %dma_start3A_31] : memref<5120x1024xf32, #tpu.memory_space<hbm>> -> memref<5120x1024xf32, #tpu.memory_space<hbm>>
    tpu.enqueue_indirect_dma source(%dma_start3A_32 : memref<5120x1024xf32, #tpu.memory_space<hbm>>) target(%arg8 : memref<32x1024xf32, #tpu.memory_space<vmem>>) offsets(%arg6 : memref<32xi32, #tpu.memory_space<vmem>>) semaphore(%arg10 : memref<!tpu.dma_semaphore, #tpu.memory_space<semaphore_mem>>)
    %dma_wait3A_33 = arith.constant 0 : i32
    %dma_wait3A_34 = arith.constant 0 : i32
    %dma_wait3A_35 = tpu.memref_slice %arg2[%dma_wait3A_33, %dma_wait3A_34] : memref<5120x1024xf32, #tpu.memory_space<hbm>> -> memref<5120x1024xf32, #tpu.memory_space<hbm>>
    tpu.wait_indirect_dma semaphore(%arg9 : memref<!tpu.dma_semaphore, #tpu.memory_space<semaphore_mem>>) src(%dma_wait3A_35 : memref<5120x1024xf32, #tpu.memory_space<hbm>>) dst(%arg7 : memref<32x1024xf32, #tpu.memory_space<vmem>>)
    %dma_wait3A_36 = arith.constant 0 : i32
    %dma_wait3A_37 = arith.constant 0 : i32
    %dma_wait3A_38 = tpu.memref_slice %arg2[%dma_wait3A_36, %dma_wait3A_37] : memref<5120x1024xf32, #tpu.memory_space<hbm>> -> memref<5120x1024xf32, #tpu.memory_space<hbm>>
    tpu.wait_indirect_dma semaphore(%arg10 : memref<!tpu.dma_semaphore, #tpu.memory_space<semaphore_mem>>) src(%dma_wait3A_38 : memref<5120x1024xf32, #tpu.memory_space<hbm>>) dst(%arg8 : memref<32x1024xf32, #tpu.memory_space<vmem>>)
    %scan3A_39 = arith.constant 0 : i32
    %scan3A_40 = arith.constant 0 : i32
    %scan3A_41 = arith.constant 32 : i32
    %scan3A_42 = arith.addi %scan3A_40, %scan3A_41 : i32
    %scan3A_43 = arith.constant 1 : i32
    %scan3A_44 = scf.for %scan3A_46 = %scan3A_40 to %scan3A_42 step %scan3A_43 iter_args(%scan3A_47 = %scan3A_39) -> (i32)  : i32 {
      %get3A = arith.index_cast %scan3A_46 : i32 to index
      %get3A_48 = arith.constant 0 : index
      %get3A_49 = tpu.vector_load %arg7[%get3A, %get3A_48] {strides = array<i32>} : memref<32x1024xf32, #tpu.memory_space<vmem>>, vector<1x16xf32>,
      %get3A_50 = vector.shape_cast %get3A_49 : vector<1x16xf32> to vector<16xf32>
      %get3A_51 = arith.index_cast %scan3A_46 : i32 to index
      %get3A_52 = arith.constant 0 : index
      %get3A_53 = tpu.vector_load %arg8[%get3A_51, %get3A_52] {strides = array<i32>} : memref<32x1024xf32, #tpu.memory_space<vmem>>, vector<1x16xf32>,
      %get3A_54 = vector.shape_cast %get3A_53 : vector<1x16xf32> to vector<16xf32>
      %add3A_55 = arith.addf %get3A_50, %get3A_54 : vector<16xf32>
      %swap3A = arith.index_cast %scan3A_46 : i32 to index
      %swap3A_56 = arith.constant 0 : index
      %swap3A_57 = tpu.vector_load %arg7[%swap3A, %swap3A_56] {strides = array<i32>} : memref<32x1024xf32, #tpu.memory_space<vmem>>, vector<1x16xf32>,
      %swap3A_58 = vector.shape_cast %swap3A_57 : vector<1x16xf32> to vector<16xf32>
      %swap3A_59 = vector.shape_cast %add3A_55 : vector<16xf32> to vector<1x16xf32>
      tpu.vector_store %arg7[%swap3A, %swap3A_56], %swap3A_59 {strides = array<i32>} : memref<32x1024xf32, #tpu.memory_space<vmem>>, vector<1x16xf32>,
      %get3A_60 = arith.index_cast %scan3A_46 : i32 to index
      %get3A_61 = arith.constant 16 : index
      %get3A_62 = tpu.vector_load %arg7[%get3A_60, %get3A_61] {strides = array<i32>} : memref<32x1024xf32, #tpu.memory_space<vmem>>, vector<1x16xf32>,
      %get3A_63 = vector.shape_cast %get3A_62 : vector<1x16xf32> to vector<16xf32>
      %get3A_64 = arith.index_cast %scan3A_46 : i32 to index
      %get3A_65 = arith.constant 16 : index
      %get3A_66 = tpu.vector_load %arg8[%get3A_64, %get3A_65] {strides = array<i32>} : memref<32x1024xf32, #tpu.memory_space<vmem>>, vector<1x16xf32>,
      %get3A_67 = vector.shape_cast %get3A_66 : vector<1x16xf32> to vector<16xf32>
      %add3A_68 = arith.addf %get3A_63, %get3A_67 : vector<16xf32>
      %swap3A_69 = arith.index_cast %scan3A_46 : i32 to index
      %swap3A_70 = arith.constant 16 : index
      %swap3A_71 = tpu.vector_load %arg7[%swap3A_69, %swap3A_70] {strides = array<i32>} : memref<32x1024xf32, #tpu.memory_space<vmem>>, vector<1x16xf32>,
      %swap3A_72 = vector.shape_cast %swap3A_71 : vector<1x16xf32> to vector<16xf32>
      %swap3A_73 = vector.shape_cast %add3A_68 : vector<16xf32> to vector<1x16xf32>
      tpu.vector_store %arg7[%swap3A_69, %swap3A_70], %swap3A_73 {strides = array<i32>} : memref<32x1024xf32, #tpu.memory_space<vmem>>, vector<1x16xf32>,
      %get3A_74 = arith.index_cast %scan3A_46 : i32 to index
      %get3A_75 = arith.constant 32 : index
      %get3A_76 = tpu.vector_load %arg7[%get3A_74, %get3A_75] {strides = array<i32>} : memref<32x1024xf32, #tpu.memory_space<vmem>>, vector<1x16xf32>,
      %get3A_77 = vector.shape_cast %get3A_76 : vector<1x16xf32> to vector<16xf32>
      %get3A_78 = arith.index_cast %scan3A_46 : i32 to index
      %get3A_79 = arith.constant 32 : index
      %get3A_80 = tpu.vector_load %arg8[%get3A_78, %get3A_79] {strides = array<i32>} : memref<32x1024xf32, #tpu.memory_space<vmem>>, vector<1x16xf32>,
      %get3A_81 = vector.shape_cast %get3A_80 : vector<1x16xf32> to vector<16xf32>
      %add3A_82 = arith.addf %get3A_77, %get3A_81 : vector<16xf32>
      %swap3A_83 = arith.index_cast %scan3A_46 : i32 to index
      %swap3A_84 = arith.constant 32 : index
      %swap3A_85 = tpu.vector_load %arg7[%swap3A_83, %swap3A_84] {strides = array<i32>} : memref<32x1024xf32, #tpu.memory_space<vmem>>, vector<1x16xf32>,
      %swap3A_86 = vector.shape_cast %swap3A_85 : vector<1x16xf32> to vector<16xf32>
      %swap3A_87 = vector.shape_cast %add3A_82 : vector<16xf32> to vector<1x16xf32>
      tpu.vector_store %arg7[%swap3A_83, %swap3A_84], %swap3A_87 {strides = array<i32>} : memref<32x1024xf32, #tpu.memory_space<vmem>>, vector<1x16xf32>,
      %get3A_88 = arith.index_cast %scan3A_46 : i32 to index
      %get3A_89 = arith.constant 48 : index
      %get3A_90 = tpu.vector_load %arg7[%get3A_88, %get3A_89] {strides = array<i32>} : memref<32x1024xf32, #tpu.memory_space<vmem>>, vector<1x16xf32>,
      %get3A_91 = vector.shape_cast %get3A_90 : vector<1x16xf32> to vector<16xf32>
      %get3A_92 = arith.index_cast %scan3A_46 : i32 to index
      %get3A_93 = arith.constant 48 : index
      %get3A_94 = tpu.vector_load %arg8[%get3A_92, %get3A_93] {strides = array<i32>} : memref<32x1024xf32, #tpu.memory_space<vmem>>, vector<1x16xf32>,
      %get3A_95 = vector.shape_cast %get3A_94 : vector<1x16xf32> to vector<16xf32>
      %add3A_96 = arith.addf %get3A_91, %get3A_95 : vector<16xf32>
      %swap3A_97 = arith.index_cast %scan3A_46 : i32 to index
      %swap3A_98 = arith.constant 48 : index
      %swap3A_99 = tpu.vector_load %arg7[%swap3A_97, %swap3A_98] {strides = array<i32>} : memref<32x1024xf32, #tpu.memory_space<vmem>>, vector<1x16xf32>,
      %swap3A_100 = vector.shape_cast %swap3A_99 : vector<1x16xf32> to vector<16xf32>
      %swap3A_101 = vector.shape_cast %add3A_96 : vector<16xf32> to vector<1x16xf32>
      tpu.vector_store %arg7[%swap3A_97, %swap3A_98], %swap3A_101 {strides = array<i32>} : memref<32x1024xf32, #tpu.memory_space<vmem>>, vector<1x16xf32>,
      %get3A_102 = arith.index_cast %scan3A_46 : i32 to index
      %get3A_103 = arith.constant 64 : index
      %get3A_104 = tpu.vector_load %arg7[%get3A_102, %get3A_103] {strides = array<i32>} : memref<32x1024xf32, #tpu.memory_space<vmem>>, vector<1x16xf32>,
      %get3A_105 = vector.shape_cast %get3A_104 : vector<1x16xf32> to vector<16xf32>
      %get3A_106 = arith.index_cast %scan3A_46 : i32 to index
      %get3A_107 = arith.constant 64 : index
      %get3A_108 = tpu.vector_load %arg8[%get3A_106, %get3A_107] {strides = array<i32>} : memref<32x1024xf32, #tpu.memory_space<vmem>>, vector<1x16xf32>,
      %get3A_109 = vector.shape_cast %get3A_108 : vector<1x16xf32> to vector<16xf32>
      %add3A_110 = arith.addf %get3A_105, %get3A_109 : vector<16xf32>
      %swap3A_111 = arith.index_cast %scan3A_46 : i32 to index
      %swap3A_112 = arith.constant 64 : index
      %swap3A_113 = tpu.vector_load %arg7[%swap3A_111, %swap3A_112] {strides = array<i32>} : memref<32x1024xf32, #tpu.memory_space<vmem>>, vector<1x16xf32>,
      %swap3A_114 = vector.shape_cast %swap3A_113 : vector<1x16xf32> to vector<16xf32>
      %swap3A_115 = vector.shape_cast %add3A_110 : vector<16xf32> to vector<1x16xf32>
      tpu.vector_store %arg7[%swap3A_111, %swap3A_112], %swap3A_115 {strides = array<i32>} : memref<32x1024xf32, #tpu.memory_space<vmem>>, vector<1x16xf32>,
      %get3A_116 = arith.index_cast %scan3A_46 : i32 to index
      %get3A_117 = arith.constant 80 : index
      %get3A_118 = tpu.vector_load %arg7[%get3A_116, %get3A_117] {strides = array<i32>} : memref<32x1024xf32, #tpu.memory_space<vmem>>, vector<1x16xf32>,
      %get3A_119 = vector.shape_cast %get3A_118 : vector<1x16xf32> to vector<16xf32>
      %get3A_120 = arith.index_cast %scan3A_46 : i32 to index
      %get3A_121 = arith.constant 80 : index
      %get3A_122 = tpu.vector_load %arg8[%get3A_120, %get3A_121] {strides = array<i32>} : memref<32x1024xf32, #tpu.memory_space<vmem>>, vector<1x16xf32>,
      %get3A_123 = vector.shape_cast %get3A_122 : vector<1x16xf32> to vector<16xf32>
      %add3A_124 = arith.addf %get3A_119, %get3A_123 : vector<16xf32>
      %swap3A_125 = arith.index_cast %scan3A_46 : i32 to index
      %swap3A_126 = arith.constant 80 : index
      %swap3A_127 = tpu.vector_load %arg7[%swap3A_125, %swap3A_126] {strides = array<i32>} : memref<32x1024xf32, #tpu.memory_space<vmem>>, vector<1x16xf32>,
      %swap3A_128 = vector.shape_cast %swap3A_127 : vector<1x16xf32> to vector<16xf32>
      %swap3A_129 = vector.shape_cast %add3A_124 : vector<16xf32> to vector<1x16xf32>
      tpu.vector_store %arg7[%swap3A_125, %swap3A_126], %swap3A_129 {strides = array<i32>} : memref<32x1024xf32, #tpu.memory_space<vmem>>, vector<1x16xf32>,
      %get3A_130 = arith.index_cast %scan3A_46 : i32 to index
      %get3A_131 = arith.constant 96 : index
      %get3A_132 = tpu.vector_load %arg7[%get3A_130, %get3A_131] {strides = array<i32>} : memref<32x1024xf32, #tpu.memory_space<vmem>>, vector<1x16xf32>,
      %get3A_133 = vector.shape_cast %get3A_132 : vector<1x16xf32> to vector<16xf32>
      %get3A_134 = arith.index_cast %scan3A_46 : i32 to index
      %get3A_135 = arith.constant 96 : index
      %get3A_136 = tpu.vector_load %arg8[%get3A_134, %get3A_135] {strides = array<i32>} : memref<32x1024xf32, #tpu.memory_space<vmem>>, vector<1x16xf32>,
      %get3A_137 = vector.shape_cast %get3A_136 : vector<1x16xf32> to vector<16xf32>
      %add3A_138 = arith.addf %get3A_133, %get3A_137 : vector<16xf32>
      %swap3A_139 = arith.index_cast %scan3A_46 : i32 to index
      %swap3A_140 = arith.constant 96 : index
      %swap3A_141 = tpu.vector_load %arg7[%swap3A_139, %swap3A_140] {strides = array<i32>} : memref<32x1024xf32, #tpu.memory_space<vmem>>, vector<1x16xf32>,
      %swap3A_142 = vector.shape_cast %swap3A_141 : vector<1x16xf32> to vector<16xf32>
      %swap3A_143 = vector.shape_cast %add3A_138 : vector<16xf32> to vector<1x16xf32>
      tpu.vector_store %arg7[%swap3A_139, %swap3A_140], %swap3A_143 {strides = array<i32>} : memref<32x1024xf32, #tpu.memory_space<vmem>>, vector<1x16xf32>,
      %get3A_144 = arith.index_cast %scan3A_46 : i32 to index
      %get3A_145 = arith.constant 112 : index
      %get3A_146 = tpu.vector_load %arg7[%get3A_144, %get3A_145] {strides = array<i32>} : memref<32x1024xf32, #tpu.memory_space<vmem>>, vector<1x16xf32>,
      %get3A_147 = vector.shape_cast %get3A_146 : vector<1x16xf32> to vector<16xf32>
      %get3A_148 = arith.index_cast %scan3A_46 : i32 to index
      %get3A_149 = arith.constant 112 : index
      %get3A_150 = tpu.vector_load %arg8[%get3A_148, %get3A_149] {strides = array<i32>} : memref<32x1024xf32, #tpu.memory_space<vmem>>, vector<1x16xf32>,
      %get3A_151 = vector.shape_cast %get3A_150 : vector<1x16xf32> to vector<16xf32>
      %add3A_152 = arith.addf %get3A_147, %get3A_151 : vector<16xf32>
      %swap3A_153 = arith.index_cast %scan3A_46 : i32 to index
      %swap3A_154 = arith.constant 112 : index
      %swap3A_155 = tpu.vector_load %arg7[%swap3A_153, %swap3A_154] {strides = array<i32>} : memref<32x1024xf32, #tpu.memory_space<vmem>>, vector<1x16xf32>,
      %swap3A_156 = vector.shape_cast %swap3A_155 : vector<1x16xf32> to vector<16xf32>
      %swap3A_157 = vector.shape_cast %add3A_152 : vector<16xf32> to vector<1x16xf32>
      tpu.vector_store %arg7[%swap3A_153, %swap3A_154], %swap3A_157 {strides = array<i32>} : memref<32x1024xf32, #tpu.memory_space<vmem>>, vector<1x16xf32>,
      %get3A_158 = arith.index_cast %scan3A_46 : i32 to index
      %get3A_159 = arith.constant 128 : index
      %get3A_160 = tpu.vector_load %arg7[%get3A_158, %get3A_159] {strides = array<i32>} : memref<32x1024xf32, #tpu.memory_space<vmem>>, vector<1x16xf32>,
      %get3A_161 = vector.shape_cast %get3A_160 : vector<1x16xf32> to vector<16xf32>
      %get3A_162 = arith.index_cast %scan3A_46 : i32 to index
      %get3A_163 = arith.constant 128 : index
      %get3A_164 = tpu.vector_load %arg8[%get3A_162, %get3A_163] {strides = array<i32>} : memref<32x1024xf32, #tpu.memory_space<vmem>>, vector<1x16xf32>,
      %get3A_165 = vector.shape_cast %get3A_164 : vector<1x16xf32> to vector<16xf32>
      %add3A_166 = arith.addf %get3A_161, %get3A_165 : vector<16xf32>
      %swap3A_167 = arith.index_cast %scan3A_46 : i32 to index
      %swap3A_168 = arith.constant 128 : index
      %swap3A_169 = tpu.vector_load %arg7[%swap3A_167, %swap3A_168] {strides = array<i32>} : memref<32x1024xf32, #tpu.memory_space<vmem>>, vector<1x16xf32>,
      %swap3A_170 = vector.shape_cast %swap3A_169 : vector<1x16xf32> to vector<16xf32>
      %swap3A_171 = vector.shape_cast %add3A_166 : vector<16xf32> to vector<1x16xf32>
      tpu.vector_store %arg7[%swap3A_167, %swap3A_168], %swap3A_171 {strides = array<i32>} : memref<32x1024xf32, #tpu.memory_space<vmem>>, vector<1x16xf32>,
      %get3A_172 = arith.index_cast %scan3A_46 : i32 to index
      %get3A_173 = arith.constant 144 : index
      %get3A_174 = tpu.vector_load %arg7[%get3A_172, %get3A_173] {strides = array<i32>} : memref<32x1024xf32, #tpu.memory_space<vmem>>, vector<1x16xf32>,
      %get3A_175 = vector.shape_cast %get3A_174 : vector<1x16xf32> to vector<16xf32>
      %get3A_176 = arith.index_cast %scan3A_46 : i32 to index
      %get3A_177 = arith.constant 144 : index
      %get3A_178 = tpu.vector_load %arg8[%get3A_176, %get3A_177] {strides = array<i32>} : memref<32x1024xf32, #tpu.memory_space<vmem>>, vector<1x16xf32>,
      %get3A_179 = vector.shape_cast %get3A_178 : vector<1x16xf32> to vector<16xf32>
      %add3A_180 = arith.addf %get3A_175, %get3A_179 : vector<16xf32>
      %swap3A_181 = arith.index_cast %scan3A_46 : i32 to index
      %swap3A_182 = arith.constant 144 : index
      %swap3A_183 = tpu.vector_load %arg7[%swap3A_181, %swap3A_182] {strides = array<i32>} : memref<32x1024xf32, #tpu.memory_space<vmem>>, vector<1x16xf32>,
      %swap3A_184 = vector.shape_cast %swap3A_183 : vector<1x16xf32> to vector<16xf32>
      %swap3A_185 = vector.shape_cast %add3A_180 : vector<16xf32> to vector<1x16xf32>
      tpu.vector_store %arg7[%swap3A_181, %swap3A_182], %swap3A_185 {strides = array<i32>} : memref<32x1024xf32, #tpu.memory_space<vmem>>, vector<1x16xf32>,
      %get3A_186 = arith.index_cast %scan3A_46 : i32 to index
      %get3A_187 = arith.constant 160 : index
      %get3A_188 = tpu.vector_load %arg7[%get3A_186, %get3A_187] {strides = array<i32>} : memref<32x1024xf32, #tpu.memory_space<vmem>>, vector<1x16xf32>,
      %get3A_189 = vector.shape_cast %get3A_188 : vector<1x16xf32> to vector<16xf32>
      %get3A_190 = arith.index_cast %scan3A_46 : i32 to index
      %get3A_191 = arith.constant 160 : index
      %get3A_192 = tpu.vector_load %arg8[%get3A_190, %get3A_191] {strides = array<i32>} : memref<32x1024xf32, #tpu.memory_space<vmem>>, vector<1x16xf32>,
      %get3A_193 = vector.shape_cast %get3A_192 : vector<1x16xf32> to vector<16xf32>
      %add3A_194 = arith.addf %get3A_189, %get3A_193 : vector<16xf32>
      %swap3A_195 = arith.index_cast %scan3A_46 : i32 to index
      %swap3A_196 = arith.constant 160 : index
      %swap3A_197 = tpu.vector_load %arg7[%swap3A_195, %swap3A_196] {strides = array<i32>} : memref<32x1024xf32, #tpu.memory_space<vmem>>, vector<1x16xf32>,
      %swap3A_198 = vector.shape_cast %swap3A_197 : vector<1x16xf32> to vector<16xf32>
      %swap3A_199 = vector.shape_cast %add3A_194 : vector<16xf32> to vector<1x16xf32>
      tpu.vector_store %arg7[%swap3A_195, %swap3A_196], %swap3A_199 {strides = array<i32>} : memref<32x1024xf32, #tpu.memory_space<vmem>>, vector<1x16xf32>,
      %get3A_200 = arith.index_cast %scan3A_46 : i32 to index
      %get3A_201 = arith.constant 176 : index
      %get3A_202 = tpu.vector_load %arg7[%get3A_200, %get3A_201] {strides = array<i32>} : memref<32x1024xf32, #tpu.memory_space<vmem>>, vector<1x16xf32>,
      %get3A_203 = vector.shape_cast %get3A_202 : vector<1x16xf32> to vector<16xf32>
      %get3A_204 = arith.index_cast %scan3A_46 : i32 to index
      %get3A_205 = arith.constant 176 : index
      %get3A_206 = tpu.vector_load %arg8[%get3A_204, %get3A_205] {strides = array<i32>} : memref<32x1024xf32, #tpu.memory_space<vmem>>, vector<1x16xf32>,
      %get3A_207 = vector.shape_cast %get3A_206 : vector<1x16xf32> to vector<16xf32>
      %add3A_208 = arith.addf %get3A_203, %get3A_207 : vector<16xf32>
      %swap3A_209 = arith.index_cast %scan3A_46 : i32 to index
      %swap3A_210 = arith.constant 176 : index
      %swap3A_211 = tpu.vector_load %arg7[%swap3A_209, %swap3A_210] {strides = array<i32>} : memref<32x1024xf32, #tpu.memory_space<vmem>>, vector<1x16xf32>,
      %swap3A_212 = vector.shape_cast %swap3A_211 : vector<1x16xf32> to vector<16xf32>
      %swap3A_213 = vector.shape_cast %add3A_208 : vector<16xf32> to vector<1x16xf32>
      tpu.vector_store %arg7[%swap3A_209, %swap3A_210], %swap3A_213 {strides = array<i32>} : memref<32x1024xf32, #tpu.memory_space<vmem>>, vector<1x16xf32>,
      %get3A_214 = arith.index_cast %scan3A_46 : i32 to index
      %get3A_215 = arith.constant 192 : index
      %get3A_216 = tpu.vector_load %arg7[%get3A_214, %get3A_215] {strides = array<i32>} : memref<32x1024xf32, #tpu.memory_space<vmem>>, vector<1x16xf32>,
      %get3A_217 = vector.shape_cast %get3A_216 : vector<1x16xf32> to vector<16xf32>
      %get3A_218 = arith.index_cast %scan3A_46 : i32 to index
      %get3A_219 = arith.constant 192 : index
      %get3A_220 = tpu.vector_load %arg8[%get3A_218, %get3A_219] {strides = array<i32>} : memref<32x1024xf32, #tpu.memory_space<vmem>>, vector<1x16xf32>,
      %get3A_221 = vector.shape_cast %get3A_220 : vector<1x16xf32> to vector<16xf32>
      %add3A_222 = arith.addf %get3A_217, %get3A_221 : vector<16xf32>
      %swap3A_223 = arith.index_cast %scan3A_46 : i32 to index
      %swap3A_224 = arith.constant 192 : index
      %swap3A_225 = tpu.vector_load %arg7[%swap3A_223, %swap3A_224] {strides = array<i32>} : memref<32x1024xf32, #tpu.memory_space<vmem>>, vector<1x16xf32>,
      %swap3A_226 = vector.shape_cast %swap3A_225 : vector<1x16xf32> to vector<16xf32>
      %swap3A_227 = vector.shape_cast %add3A_222 : vector<16xf32> to vector<1x16xf32>
      tpu.vector_store %arg7[%swap3A_223, %swap3A_224], %swap3A_227 {strides = array<i32>} : memref<32x1024xf32, #tpu.memory_space<vmem>>, vector<1x16xf32>,
      %get3A_228 = arith.index_cast %scan3A_46 : i32 to index
      %get3A_229 = arith.constant 208 : index
      %get3A_230 = tpu.vector_load %arg7[%get3A_228, %get3A_229] {strides = array<i32>} : memref<32x1024xf32, #tpu.memory_space<vmem>>, vector<1x16xf32>,
      %get3A_231 = vector.shape_cast %get3A_230 : vector<1x16xf32> to vector<16xf32>
      %get3A_232 = arith.index_cast %scan3A_46 : i32 to index
      %get3A_233 = arith.constant 208 : index
      %get3A_234 = tpu.vector_load %arg8[%get3A_232, %get3A_233] {strides = array<i32>} : memref<32x1024xf32, #tpu.memory_space<vmem>>, vector<1x16xf32>,
      %get3A_235 = vector.shape_cast %get3A_234 : vector<1x16xf32> to vector<16xf32>
      %add3A_236 = arith.addf %get3A_231, %get3A_235 : vector<16xf32>
      %swap3A_237 = arith.index_cast %scan3A_46 : i32 to index
      %swap3A_238 = arith.constant 208 : index
      %swap3A_239 = tpu.vector_load %arg7[%swap3A_237, %swap3A_238] {strides = array<i32>} : memref<32x1024xf32, #tpu.memory_space<vmem>>, vector<1x16xf32>,
      %swap3A_240 = vector.shape_cast %swap3A_239 : vector<1x16xf32> to vector<16xf32>
      %swap3A_241 = vector.shape_cast %add3A_236 : vector<16xf32> to vector<1x16xf32>
      tpu.vector_store %arg7[%swap3A_237, %swap3A_238], %swap3A_241 {strides = array<i32>} : memref<32x1024xf32, #tpu.memory_space<vmem>>, vector<1x16xf32>,
      %get3A_242 = arith.index_cast %scan3A_46 : i32 to index
      %get3A_243 = arith.constant 224 : index
      %get3A_244 = tpu.vector_load %arg7[%get3A_242, %get3A_243] {strides = array<i32>} : memref<32x1024xf32, #tpu.memory_space<vmem>>, vector<1x16xf32>,
      %get3A_245 = vector.shape_cast %get3A_244 : vector<1x16xf32> to vector<16xf32>
      %get3A_246 = arith.index_cast %scan3A_46 : i32 to index
      %get3A_247 = arith.constant 224 : index
      %get3A_248 = tpu.vector_load %arg8[%get3A_246, %get3A_247] {strides = array<i32>} : memref<32x1024xf32, #tpu.memory_space<vmem>>, vector<1x16xf32>,
      %get3A_249 = vector.shape_cast %get3A_248 : vector<1x16xf32> to vector<16xf32>
      %add3A_250 = arith.addf %get3A_245, %get3A_249 : vector<16xf32>
      %swap3A_251 = arith.index_cast %scan3A_46 : i32 to index
      %swap3A_252 = arith.constant 224 : index
      %swap3A_253 = tpu.vector_load %arg7[%swap3A_251, %swap3A_252] {strides = array<i32>} : memref<32x1024xf32, #tpu.memory_space<vmem>>, vector<1x16xf32>,
      %swap3A_254 = vector.shape_cast %swap3A_253 : vector<1x16xf32> to vector<16xf32>
      %swap3A_255 = vector.shape_cast %add3A_250 : vector<16xf32> to vector<1x16xf32>
      tpu.vector_store %arg7[%swap3A_251, %swap3A_252], %swap3A_255 {strides = array<i32>} : memref<32x1024xf32, #tpu.memory_space<vmem>>, vector<1x16xf32>,
      %get3A_256 = arith.index_cast %scan3A_46 : i32 to index
      %get3A_257 = arith.constant 240 : index
      %get3A_258 = tpu.vector_load %arg7[%get3A_256, %get3A_257] {strides = array<i32>} : memref<32x1024xf32, #tpu.memory_space<vmem>>, vector<1x16xf32>,
      %get3A_259 = vector.shape_cast %get3A_258 : vector<1x16xf32> to vector<16xf32>
      %get3A_260 = arith.index_cast %scan3A_46 : i32 to index
      %get3A_261 = arith.constant 240 : index
      %get3A_262 = tpu.vector_load %arg8[%get3A_260, %get3A_261] {strides = array<i32>} : memref<32x1024xf32, #tpu.memory_space<vmem>>, vector<1x16xf32>,
      %get3A_263 = vector.shape_cast %get3A_262 : vector<1x16xf32> to vector<16xf32>
      %add3A_264 = arith.addf %get3A_259, %get3A_263 : vector<16xf32>
      %swap3A_265 = arith.index_cast %scan3A_46 : i32 to index
      %swap3A_266 = arith.constant 240 : index
      %swap3A_267 = tpu.vector_load %arg7[%swap3A_265, %swap3A_266] {strides = array<i32>} : memref<32x1024xf32, #tpu.memory_space<vmem>>, vector<1x16xf32>,
      %swap3A_268 = vector.shape_cast %swap3A_267 : vector<1x16xf32> to vector<16xf32>
      %swap3A_269 = vector.shape_cast %add3A_264 : vector<16xf32> to vector<1x16xf32>
      tpu.vector_store %arg7[%swap3A_265, %swap3A_266], %swap3A_269 {strides = array<i32>} : memref<32x1024xf32, #tpu.memory_space<vmem>>, vector<1x16xf32>,
      %get3A_270 = arith.index_cast %scan3A_46 : i32 to index
      %get3A_271 = arith.constant 256 : index
      %get3A_272 = tpu.vector_load %arg7[%get3A_270, %get3A_271] {strides = array<i32>} : memref<32x1024xf32, #tpu.memory_space<vmem>>, vector<1x16xf32>,
      %get3A_273 = vector.shape_cast %get3A_272 : vector<1x16xf32> to vector<16xf32>
      %get3A_274 = arith.index_cast %scan3A_46 : i32 to index
      %get3A_275 = arith.constant 256 : index
      %get3A_276 = tpu.vector_load %arg8[%get3A_274, %get3A_275] {strides = array<i32>} : memref<32x1024xf32, #tpu.memory_space<vmem>>, vector<1x16xf32>,
      %get3A_277 = vector.shape_cast %get3A_276 : vector<1x16xf32> to vector<16xf32>
      %add3A_278 = arith.addf %get3A_273, %get3A_277 : vector<16xf32>
      %swap3A_279 = arith.index_cast %scan3A_46 : i32 to index
      %swap3A_280 = arith.constant 256 : index
      %swap3A_281 = tpu.vector_load %arg7[%swap3A_279, %swap3A_280] {strides = array<i32>} : memref<32x1024xf32, #tpu.memory_space<vmem>>, vector<1x16xf32>,
      %swap3A_282 = vector.shape_cast %swap3A_281 : vector<1x16xf32> to vector<16xf32>
      %swap3A_283 = vector.shape_cast %add3A_278 : vector<16xf32> to vector<1x16xf32>
      tpu.vector_store %arg7[%swap3A_279, %swap3A_280], %swap3A_283 {strides = array<i32>} : memref<32x1024xf32, #tpu.memory_space<vmem>>, vector<1x16xf32>,
      %get3A_284 = arith.index_cast %scan3A_46 : i32 to index
      %get3A_285 = arith.constant 272 : index
      %get3A_286 = tpu.vector_load %arg7[%get3A_284, %get3A_285] {strides = array<i32>} : memref<32x1024xf32, #tpu.memory_space<vmem>>, vector<1x16xf32>,
      %get3A_287 = vector.shape_cast %get3A_286 : vector<1x16xf32> to vector<16xf32>
      %get3A_288 = arith.index_cast %scan3A_46 : i32 to index
      %get3A_289 = arith.constant 272 : index
      %get3A_290 = tpu.vector_load %arg8[%get3A_288, %get3A_289] {strides = array<i32>} : memref<32x1024xf32, #tpu.memory_space<vmem>>, vector<1x16xf32>,
      %get3A_291 = vector.shape_cast %get3A_290 : vector<1x16xf32> to vector<16xf32>
      %add3A_292 = arith.addf %get3A_287, %get3A_291 : vector<16xf32>
      %swap3A_293 = arith.index_cast %scan3A_46 : i32 to index
      %swap3A_294 = arith.constant 272 : index
      %swap3A_295 = tpu.vector_load %arg7[%swap3A_293, %swap3A_294] {strides = array<i32>} : memref<32x1024xf32, #tpu.memory_space<vmem>>, vector<1x16xf32>,
      %swap3A_296 = vector.shape_cast %swap3A_295 : vector<1x16xf32> to vector<16xf32>
      %swap3A_297 = vector.shape_cast %add3A_292 : vector<16xf32> to vector<1x16xf32>
      tpu.vector_store %arg7[%swap3A_293, %swap3A_294], %swap3A_297 {strides = array<i32>} : memref<32x1024xf32, #tpu.memory_space<vmem>>, vector<1x16xf32>,
      %get3A_298 = arith.index_cast %scan3A_46 : i32 to index
      %get3A_299 = arith.constant 288 : index
      %get3A_300 = tpu.vector_load %arg7[%get3A_298, %get3A_299] {strides = array<i32>} : memref<32x1024xf32, #tpu.memory_space<vmem>>, vector<1x16xf32>,
      %get3A_301 = vector.shape_cast %get3A_300 : vector<1x16xf32> to vector<16xf32>
      %get3A_302 = arith.index_cast %scan3A_46 : i32 to index
      %get3A_303 = arith.constant 288 : index
      %get3A_304 = tpu.vector_load %arg8[%get3A_302, %get3A_303] {strides = array<i32>} : memref<32x1024xf32, #tpu.memory_space<vmem>>, vector<1x16xf32>,
      %get3A_305 = vector.shape_cast %get3A_304 : vector<1x16xf32> to vector<16xf32>
      %add3A_306 = arith.addf %get3A_301, %get3A_305 : vector<16xf32>
      %swap3A_307 = arith.index_cast %scan3A_46 : i32 to index
      %swap3A_308 = arith.constant 288 : index
      %swap3A_309 = tpu.vector_load %arg7[%swap3A_307, %swap3A_308] {strides = array<i32>} : memref<32x1024xf32, #tpu.memory_space<vmem>>, vector<1x16xf32>,
      %swap3A_310 = vector.shape_cast %swap3A_309 : vector<1x16xf32> to vector<16xf32>
      %swap3A_311 = vector.shape_cast %add3A_306 : vector<16xf32> to vector<1x16xf32>
      tpu.vector_store %arg7[%swap3A_307, %swap3A_308], %swap3A_311 {strides = array<i32>} : memref<32x1024xf32, #tpu.memory_space<vmem>>, vector<1x16xf32>,
      %get3A_312 = arith.index_cast %scan3A_46 : i32 to index
      %get3A_313 = arith.constant 304 : index
      %get3A_314 = tpu.vector_load %arg7[%get3A_312, %get3A_313] {strides = array<i32>} : memref<32x1024xf32, #tpu.memory_space<vmem>>, vector<1x16xf32>,
      %get3A_315 = vector.shape_cast %get3A_314 : vector<1x16xf32> to vector<16xf32>
      %get3A_316 = arith.index_cast %scan3A_46 : i32 to index
      %get3A_317 = arith.constant 304 : index
      %get3A_318 = tpu.vector_load %arg8[%get3A_316, %get3A_317] {strides = array<i32>} : memref<32x1024xf32, #tpu.memory_space<vmem>>, vector<1x16xf32>,
      %get3A_319 = vector.shape_cast %get3A_318 : vector<1x16xf32> to vector<16xf32>
      %add3A_320 = arith.addf %get3A_315, %get3A_319 : vector<16xf32>
      %swap3A_321 = arith.index_cast %scan3A_46 : i32 to index
      %swap3A_322 = arith.constant 304 : index
      %swap3A_323 = tpu.vector_load %arg7[%swap3A_321, %swap3A_322] {strides = array<i32>} : memref<32x1024xf32, #tpu.memory_space<vmem>>, vector<1x16xf32>,
      %swap3A_324 = vector.shape_cast %swap3A_323 : vector<1x16xf32> to vector<16xf32>
      %swap3A_325 = vector.shape_cast %add3A_320 : vector<16xf32> to vector<1x16xf32>
      tpu.vector_store %arg7[%swap3A_321, %swap3A_322], %swap3A_325 {strides = array<i32>} : memref<32x1024xf32, #tpu.memory_space<vmem>>, vector<1x16xf32>,
      %get3A_326 = arith.index_cast %scan3A_46 : i32 to index
      %get3A_327 = arith.constant 320 : index
      %get3A_328 = tpu.vector_load %arg7[%get3A_326, %get3A_327] {strides = array<i32>} : memref<32x1024xf32, #tpu.memory_space<vmem>>, vector<1x16xf32>,
      %get3A_329 = vector.shape_cast %get3A_328 : vector<1x16xf32> to vector<16xf32>
      %get3A_330 = arith.index_cast %scan3A_46 : i32 to index
      %get3A_331 = arith.constant 320 : index
      %get3A_332 = tpu.vector_load %arg8[%get3A_330, %get3A_331] {strides = array<i32>} : memref<32x1024xf32, #tpu.memory_space<vmem>>, vector<1x16xf32>,
      %get3A_333 = vector.shape_cast %get3A_332 : vector<1x16xf32> to vector<16xf32>
      %add3A_334 = arith.addf %get3A_329, %get3A_333 : vector<16xf32>
      %swap3A_335 = arith.index_cast %scan3A_46 : i32 to index
      %swap3A_336 = arith.constant 320 : index
      %swap3A_337 = tpu.vector_load %arg7[%swap3A_335, %swap3A_336] {strides = array<i32>} : memref<32x1024xf32, #tpu.memory_space<vmem>>, vector<1x16xf32>,
      %swap3A_338 = vector.shape_cast %swap3A_337 : vector<1x16xf32> to vector<16xf32>
      %swap3A_339 = vector.shape_cast %add3A_334 : vector<16xf32> to vector<1x16xf32>
      tpu.vector_store %arg7[%swap3A_335, %swap3A_336], %swap3A_339 {strides = array<i32>} : memref<32x1024xf32, #tpu.memory_space<vmem>>, vector<1x16xf32>,
      %get3A_340 = arith.index_cast %scan3A_46 : i32 to index
      %get3A_341 = arith.constant 336 : index
      %get3A_342 = tpu.vector_load %arg7[%get3A_340, %get3A_341] {strides = array<i32>} : memref<32x1024xf32, #tpu.memory_space<vmem>>, vector<1x16xf32>,
      %get3A_343 = vector.shape_cast %get3A_342 : vector<1x16xf32> to vector<16xf32>
      %get3A_344 = arith.index_cast %scan3A_46 : i32 to index
      %get3A_345 = arith.constant 336 : index
      %get3A_346 = tpu.vector_load %arg8[%get3A_344, %get3A_345] {strides = array<i32>} : memref<32x1024xf32, #tpu.memory_space<vmem>>, vector<1x16xf32>,
      %get3A_347 = vector.shape_cast %get3A_346 : vector<1x16xf32> to vector<16xf32>
      %add3A_348 = arith.addf %get3A_343, %get3A_347 : vector<16xf32>
      %swap3A_349 = arith.index_cast %scan3A_46 : i32 to index
      %swap3A_350 = arith.constant 336 : index
      %swap3A_351 = tpu.vector_load %arg7[%swap3A_349, %swap3A_350] {strides = array<i32>} : memref<32x1024xf32, #tpu.memory_space<vmem>>, vector<1x16xf32>,
      %swap3A_352 = vector.shape_cast %swap3A_351 : vector<1x16xf32> to vector<16xf32>
      %swap3A_353 = vector.shape_cast %add3A_348 : vector<16xf32> to vector<1x16xf32>
      tpu.vector_store %arg7[%swap3A_349, %swap3A_350], %swap3A_353 {strides = array<i32>} : memref<32x1024xf32, #tpu.memory_space<vmem>>, vector<1x16xf32>,
      %get3A_354 = arith.index_cast %scan3A_46 : i32 to index
      %get3A_355 = arith.constant 352 : index
      %get3A_356 = tpu.vector_load %arg7[%get3A_354, %get3A_355] {strides = array<i32>} : memref<32x1024xf32, #tpu.memory_space<vmem>>, vector<1x16xf32>,
      %get3A_357 = vector.shape_cast %get3A_356 : vector<1x16xf32> to vector<16xf32>
      %get3A_358 = arith.index_cast %scan3A_46 : i32 to index
      %get3A_359 = arith.constant 352 : index
      %get3A_360 = tpu.vector_load %arg8[%get3A_358, %get3A_359] {strides = array<i32>} : memref<32x1024xf32, #tpu.memory_space<vmem>>, vector<1x16xf32>,
      %get3A_361 = vector.shape_cast %get3A_360 : vector<1x16xf32> to vector<16xf32>
      %add3A_362 = arith.addf %get3A_357, %get3A_361 : vector<16xf32>
      %swap3A_363 = arith.index_cast %scan3A_46 : i32 to index
      %swap3A_364 = arith.constant 352 : index
      %swap3A_365 = tpu.vector_load %arg7[%swap3A_363, %swap3A_364] {strides = array<i32>} : memref<32x1024xf32, #tpu.memory_space<vmem>>, vector<1x16xf32>,
      %swap3A_366 = vector.shape_cast %swap3A_365 : vector<1x16xf32> to vector<16xf32>
      %swap3A_367 = vector.shape_cast %add3A_362 : vector<16xf32> to vector<1x16xf32>
      tpu.vector_store %arg7[%swap3A_363, %swap3A_364], %swap3A_367 {strides = array<i32>} : memref<32x1024xf32, #tpu.memory_space<vmem>>, vector<1x16xf32>,
      %get3A_368 = arith.index_cast %scan3A_46 : i32 to index
      %get3A_369 = arith.constant 368 : index
      %get3A_370 = tpu.vector_load %arg7[%get3A_368, %get3A_369] {strides = array<i32>} : memref<32x1024xf32, #tpu.memory_space<vmem>>, vector<1x16xf32>,
      %get3A_371 = vector.shape_cast %get3A_370 : vector<1x16xf32> to vector<16xf32>
      %get3A_372 = arith.index_cast %scan3A_46 : i32 to index
      %get3A_373 = arith.constant 368 : index
      %get3A_374 = tpu.vector_load %arg8[%get3A_372, %get3A_373] {strides = array<i32>} : memref<32x1024xf32, #tpu.memory_space<vmem>>, vector<1x16xf32>,
      %get3A_375 = vector.shape_cast %get3A_374 : vector<1x16xf32> to vector<16xf32>
      %add3A_376 = arith.addf %get3A_371, %get3A_375 : vector<16xf32>
      %swap3A_377 = arith.index_cast %scan3A_46 : i32 to index
      %swap3A_378 = arith.constant 368 : index
      %swap3A_379 = tpu.vector_load %arg7[%swap3A_377, %swap3A_378] {strides = array<i32>} : memref<32x1024xf32, #tpu.memory_space<vmem>>, vector<1x16xf32>,
      %swap3A_380 = vector.shape_cast %swap3A_379 : vector<1x16xf32> to vector<16xf32>
      %swap3A_381 = vector.shape_cast %add3A_376 : vector<16xf32> to vector<1x16xf32>
      tpu.vector_store %arg7[%swap3A_377, %swap3A_378], %swap3A_381 {strides = array<i32>} : memref<32x1024xf32, #tpu.memory_space<vmem>>, vector<1x16xf32>,
      %get3A_382 = arith.index_cast %scan3A_46 : i32 to index
      %get3A_383 = arith.constant 384 : index
      %get3A_384 = tpu.vector_load %arg7[%get3A_382, %get3A_383] {strides = array<i32>} : memref<32x1024xf32, #tpu.memory_space<vmem>>, vector<1x16xf32>,
      %get3A_385 = vector.shape_cast %get3A_384 : vector<1x16xf32> to vector<16xf32>
      %get3A_386 = arith.index_cast %scan3A_46 : i32 to index
      %get3A_387 = arith.constant 384 : index
      %get3A_388 = tpu.vector_load %arg8[%get3A_386, %get3A_387] {strides = array<i32>} : memref<32x1024xf32, #tpu.memory_space<vmem>>, vector<1x16xf32>,
      %get3A_389 = vector.shape_cast %get3A_388 : vector<1x16xf32> to vector<16xf32>
      %add3A_390 = arith.addf %get3A_385, %get3A_389 : vector<16xf32>
      %swap3A_391 = arith.index_cast %scan3A_46 : i32 to index
      %swap3A_392 = arith.constant 384 : index
      %swap3A_393 = tpu.vector_load %arg7[%swap3A_391, %swap3A_392] {strides = array<i32>} : memref<32x1024xf32, #tpu.memory_space<vmem>>, vector<1x16xf32>,
      %swap3A_394 = vector.shape_cast %swap3A_393 : vector<1x16xf32> to vector<16xf32>
      %swap3A_395 = vector.shape_cast %add3A_390 : vector<16xf32> to vector<1x16xf32>
      tpu.vector_store %arg7[%swap3A_391, %swap3A_392], %swap3A_395 {strides = array<i32>} : memref<32x1024xf32, #tpu.memory_space<vmem>>, vector<1x16xf32>,
      %get3A_396 = arith.index_cast %scan3A_46 : i32 to index
      %get3A_397 = arith.constant 400 : index
      %get3A_398 = tpu.vector_load %arg7[%get3A_396, %get3A_397] {strides = array<i32>} : memref<32x1024xf32, #tpu.memory_space<vmem>>, vector<1x16xf32>,
      %get3A_399 = vector.shape_cast %get3A_398 : vector<1x16xf32> to vector<16xf32>
      %get3A_400 = arith.index_cast %scan3A_46 : i32 to index
      %get3A_401 = arith.constant 400 : index
      %get3A_402 = tpu.vector_load %arg8[%get3A_400, %get3A_401] {strides = array<i32>} : memref<32x1024xf32, #tpu.memory_space<vmem>>, vector<1x16xf32>,
      %get3A_403 = vector.shape_cast %get3A_402 : vector<1x16xf32> to vector<16xf32>
      %add3A_404 = arith.addf %get3A_399, %get3A_403 : vector<16xf32>
      %swap3A_405 = arith.index_cast %scan3A_46 : i32 to index
      %swap3A_406 = arith.constant 400 : index
      %swap3A_407 = tpu.vector_load %arg7[%swap3A_405, %swap3A_406] {strides = array<i32>} : memref<32x1024xf32, #tpu.memory_space<vmem>>, vector<1x16xf32>,
      %swap3A_408 = vector.shape_cast %swap3A_407 : vector<1x16xf32> to vector<16xf32>
      %swap3A_409 = vector.shape_cast %add3A_404 : vector<16xf32> to vector<1x16xf32>
      tpu.vector_store %arg7[%swap3A_405, %swap3A_406], %swap3A_409 {strides = array<i32>} : memref<32x1024xf32, #tpu.memory_space<vmem>>, vector<1x16xf32>,
      %get3A_410 = arith.index_cast %scan3A_46 : i32 to index
      %get3A_411 = arith.constant 416 : index
      %get3A_412 = tpu.vector_load %arg7[%get3A_410, %get3A_411] {strides = array<i32>} : memref<32x1024xf32, #tpu.memory_space<vmem>>, vector<1x16xf32>,
      %get3A_413 = vector.shape_cast %get3A_412 : vector<1x16xf32> to vector<16xf32>
      %get3A_414 = arith.index_cast %scan3A_46 : i32 to index
      %get3A_415 = arith.constant 416 : index
      %get3A_416 = tpu.vector_load %arg8[%get3A_414, %get3A_415] {strides = array<i32>} : memref<32x1024xf32, #tpu.memory_space<vmem>>, vector<1x16xf32>,
      %get3A_417 = vector.shape_cast %get3A_416 : vector<1x16xf32> to vector<16xf32>
      %add3A_418 = arith.addf %get3A_413, %get3A_417 : vector<16xf32>
      %swap3A_419 = arith.index_cast %scan3A_46 : i32 to index
      %swap3A_420 = arith.constant 416 : index
      %swap3A_421 = tpu.vector_load %arg7[%swap3A_419, %swap3A_420] {strides = array<i32>} : memref<32x1024xf32, #tpu.memory_space<vmem>>, vector<1x16xf32>,
      %swap3A_422 = vector.shape_cast %swap3A_421 : vector<1x16xf32> to vector<16xf32>
      %swap3A_423 = vector.shape_cast %add3A_418 : vector<16xf32> to vector<1x16xf32>
      tpu.vector_store %arg7[%swap3A_419, %swap3A_420], %swap3A_423 {strides = array<i32>} : memref<32x1024xf32, #tpu.memory_space<vmem>>, vector<1x16xf32>,
      %get3A_424 = arith.index_cast %scan3A_46 : i32 to index
      %get3A_425 = arith.constant 432 : index
      %get3A_426 = tpu.vector_load %arg7[%get3A_424, %get3A_425] {strides = array<i32>} : memref<32x1024xf32, #tpu.memory_space<vmem>>, vector<1x16xf32>,
      %get3A_427 = vector.shape_cast %get3A_426 : vector<1x16xf32> to vector<16xf32>
      %get3A_428 = arith.index_cast %scan3A_46 : i32 to index
      %get3A_429 = arith.constant 432 : index
      %get3A_430 = tpu.vector_load %arg8[%get3A_428, %get3A_429] {strides = array<i32>} : memref<32x1024xf32, #tpu.memory_space<vmem>>, vector<1x16xf32>,
      %get3A_431 = vector.shape_cast %get3A_430 : vector<1x16xf32> to vector<16xf32>
      %add3A_432 = arith.addf %get3A_427, %get3A_431 : vector<16xf32>
      %swap3A_433 = arith.index_cast %scan3A_46 : i32 to index
      %swap3A_434 = arith.constant 432 : index
      %swap3A_435 = tpu.vector_load %arg7[%swap3A_433, %swap3A_434] {strides = array<i32>} : memref<32x1024xf32, #tpu.memory_space<vmem>>, vector<1x16xf32>,
      %swap3A_436 = vector.shape_cast %swap3A_435 : vector<1x16xf32> to vector<16xf32>
      %swap3A_437 = vector.shape_cast %add3A_432 : vector<16xf32> to vector<1x16xf32>
      tpu.vector_store %arg7[%swap3A_433, %swap3A_434], %swap3A_437 {strides = array<i32>} : memref<32x1024xf32, #tpu.memory_space<vmem>>, vector<1x16xf32>,
      %get3A_438 = arith.index_cast %scan3A_46 : i32 to index
      %get3A_439 = arith.constant 448 : index
      %get3A_440 = tpu.vector_load %arg7[%get3A_438, %get3A_439] {strides = array<i32>} : memref<32x1024xf32, #tpu.memory_space<vmem>>, vector<1x16xf32>,
      %get3A_441 = vector.shape_cast %get3A_440 : vector<1x16xf32> to vector<16xf32>
      %get3A_442 = arith.index_cast %scan3A_46 : i32 to index
      %get3A_443 = arith.constant 448 : index
      %get3A_444 = tpu.vector_load %arg8[%get3A_442, %get3A_443] {strides = array<i32>} : memref<32x1024xf32, #tpu.memory_space<vmem>>, vector<1x16xf32>,
      %get3A_445 = vector.shape_cast %get3A_444 : vector<1x16xf32> to vector<16xf32>
      %add3A_446 = arith.addf %get3A_441, %get3A_445 : vector<16xf32>
      %swap3A_447 = arith.index_cast %scan3A_46 : i32 to index
      %swap3A_448 = arith.constant 448 : index
      %swap3A_449 = tpu.vector_load %arg7[%swap3A_447, %swap3A_448] {strides = array<i32>} : memref<32x1024xf32, #tpu.memory_space<vmem>>, vector<1x16xf32>,
      %swap3A_450 = vector.shape_cast %swap3A_449 : vector<1x16xf32> to vector<16xf32>
      %swap3A_451 = vector.shape_cast %add3A_446 : vector<16xf32> to vector<1x16xf32>
      tpu.vector_store %arg7[%swap3A_447, %swap3A_448], %swap3A_451 {strides = array<i32>} : memref<32x1024xf32, #tpu.memory_space<vmem>>, vector<1x16xf32>,
      %get3A_452 = arith.index_cast %scan3A_46 : i32 to index
      %get3A_453 = arith.constant 464 : index
      %get3A_454 = tpu.vector_load %arg7[%get3A_452, %get3A_453] {strides = array<i32>} : memref<32x1024xf32, #tpu.memory_space<vmem>>, vector<1x16xf32>,
      %get3A_455 = vector.shape_cast %get3A_454 : vector<1x16xf32> to vector<16xf32>
      %get3A_456 = arith.index_cast %scan3A_46 : i32 to index
      %get3A_457 = arith.constant 464 : index
      %get3A_458 = tpu.vector_load %arg8[%get3A_456, %get3A_457] {strides = array<i32>} : memref<32x1024xf32, #tpu.memory_space<vmem>>, vector<1x16xf32>,
      %get3A_459 = vector.shape_cast %get3A_458 : vector<1x16xf32> to vector<16xf32>
      %add3A_460 = arith.addf %get3A_455, %get3A_459 : vector<16xf32>
      %swap3A_461 = arith.index_cast %scan3A_46 : i32 to index
      %swap3A_462 = arith.constant 464 : index
      %swap3A_463 = tpu.vector_load %arg7[%swap3A_461, %swap3A_462] {strides = array<i32>} : memref<32x1024xf32, #tpu.memory_space<vmem>>, vector<1x16xf32>,
      %swap3A_464 = vector.shape_cast %swap3A_463 : vector<1x16xf32> to vector<16xf32>
      %swap3A_465 = vector.shape_cast %add3A_460 : vector<16xf32> to vector<1x16xf32>
      tpu.vector_store %arg7[%swap3A_461, %swap3A_462], %swap3A_465 {strides = array<i32>} : memref<32x1024xf32, #tpu.memory_space<vmem>>, vector<1x16xf32>,
      %get3A_466 = arith.index_cast %scan3A_46 : i32 to index
      %get3A_467 = arith.constant 480 : index
      %get3A_468 = tpu.vector_load %arg7[%get3A_466, %get3A_467] {strides = array<i32>} : memref<32x1024xf32, #tpu.memory_space<vmem>>, vector<1x16xf32>,
      %get3A_469 = vector.shape_cast %get3A_468 : vector<1x16xf32> to vector<16xf32>
      %get3A_470 = arith.index_cast %scan3A_46 : i32 to index
      %get3A_471 = arith.constant 480 : index
      %get3A_472 = tpu.vector_load %arg8[%get3A_470, %get3A_471] {strides = array<i32>} : memref<32x1024xf32, #tpu.memory_space<vmem>>, vector<1x16xf32>,
      %get3A_473 = vector.shape_cast %get3A_472 : vector<1x16xf32> to vector<16xf32>
      %add3A_474 = arith.addf %get3A_469, %get3A_473 : vector<16xf32>
      %swap3A_475 = arith.index_cast %scan3A_46 : i32 to index
      %swap3A_476 = arith.constant 480 : index
      %swap3A_477 = tpu.vector_load %arg7[%swap3A_475, %swap3A_476] {strides = array<i32>} : memref<32x1024xf32, #tpu.memory_space<vmem>>, vector<1x16xf32>,
      %swap3A_478 = vector.shape_cast %swap3A_477 : vector<1x16xf32> to vector<16xf32>
      %swap3A_479 = vector.shape_cast %add3A_474 : vector<16xf32> to vector<1x16xf32>
      tpu.vector_store %arg7[%swap3A_475, %swap3A_476], %swap3A_479 {strides = array<i32>} : memref<32x1024xf32, #tpu.memory_space<vmem>>, vector<1x16xf32>,
      %get3A_480 = arith.index_cast %scan3A_46 : i32 to index
      %get3A_481 = arith.constant 496 : index
      %get3A_482 = tpu.vector_load %arg7[%get3A_480, %get3A_481] {strides = array<i32>} : memref<32x1024xf32, #tpu.memory_space<vmem>>, vector<1x16xf32>,
      %get3A_483 = vector.shape_cast %get3A_482 : vector<1x16xf32> to vector<16xf32>
      %get3A_484 = arith.index_cast %scan3A_46 : i32 to index
      %get3A_485 = arith.constant 496 : index
      %get3A_486 = tpu.vector_load %arg8[%get3A_484, %get3A_485] {strides = array<i32>} : memref<32x1024xf32, #tpu.memory_space<vmem>>, vector<1x16xf32>,
      %get3A_487 = vector.shape_cast %get3A_486 : vector<1x16xf32> to vector<16xf32>
      %add3A_488 = arith.addf %get3A_483, %get3A_487 : vector<16xf32>
      %swap3A_489 = arith.index_cast %scan3A_46 : i32 to index
      %swap3A_490 = arith.constant 496 : index
      %swap3A_491 = tpu.vector_load %arg7[%swap3A_489, %swap3A_490] {strides = array<i32>} : memref<32x1024xf32, #tpu.memory_space<vmem>>, vector<1x16xf32>,
      %swap3A_492 = vector.shape_cast %swap3A_491 : vector<1x16xf32> to vector<16xf32>
      %swap3A_493 = vector.shape_cast %add3A_488 : vector<16xf32> to vector<1x16xf32>
      tpu.vector_store %arg7[%swap3A_489, %swap3A_490], %swap3A_493 {strides = array<i32>} : memref<32x1024xf32, #tpu.memory_space<vmem>>, vector<1x16xf32>,
      %get3A_494 = arith.index_cast %scan3A_46 : i32 to index
      %get3A_495 = arith.constant 512 : index
      %get3A_496 = tpu.vector_load %arg7[%get3A_494, %get3A_495] {strides = array<i32>} : memref<32x1024xf32, #tpu.memory_space<vmem>>, vector<1x16xf32>,
      %get3A_497 = vector.shape_cast %get3A_496 : vector<1x16xf32> to vector<16xf32>
      %get3A_498 = arith.index_cast %scan3A_46 : i32 to index
      %get3A_499 = arith.constant 512 : index
      %get3A_500 = tpu.vector_load %arg8[%get3A_498, %get3A_499] {strides = array<i32>} : memref<32x1024xf32, #tpu.memory_space<vmem>>, vector<1x16xf32>,
      %get3A_501 = vector.shape_cast %get3A_500 : vector<1x16xf32> to vector<16xf32>
      %add3A_502 = arith.addf %get3A_497, %get3A_501 : vector<16xf32>
      %swap3A_503 = arith.index_cast %scan3A_46 : i32 to index
      %swap3A_504 = arith.constant 512 : index
      %swap3A_505 = tpu.vector_load %arg7[%swap3A_503, %swap3A_504] {strides = array<i32>} : memref<32x1024xf32, #tpu.memory_space<vmem>>, vector<1x16xf32>,
      %swap3A_506 = vector.shape_cast %swap3A_505 : vector<1x16xf32> to vector<16xf32>
      %swap3A_507 = vector.shape_cast %add3A_502 : vector<16xf32> to vector<1x16xf32>
      tpu.vector_store %arg7[%swap3A_503, %swap3A_504], %swap3A_507 {strides = array<i32>} : memref<32x1024xf32, #tpu.memory_space<vmem>>, vector<1x16xf32>,
      %get3A_508 = arith.index_cast %scan3A_46 : i32 to index
      %get3A_509 = arith.constant 528 : index
      %get3A_510 = tpu.vector_load %arg7[%get3A_508, %get3A_509] {strides = array<i32>} : memref<32x1024xf32, #tpu.memory_space<vmem>>, vector<1x16xf32>,
      %get3A_511 = vector.shape_cast %get3A_510 : vector<1x16xf32> to vector<16xf32>
      %get3A_512 = arith.index_cast %scan3A_46 : i32 to index
      %get3A_513 = arith.constant 528 : index
      %get3A_514 = tpu.vector_load %arg8[%get3A_512, %get3A_513] {strides = array<i32>} : memref<32x1024xf32, #tpu.memory_space<vmem>>, vector<1x16xf32>,
      %get3A_515 = vector.shape_cast %get3A_514 : vector<1x16xf32> to vector<16xf32>
      %add3A_516 = arith.addf %get3A_511, %get3A_515 : vector<16xf32>
      %swap3A_517 = arith.index_cast %scan3A_46 : i32 to index
      %swap3A_518 = arith.constant 528 : index
      %swap3A_519 = tpu.vector_load %arg7[%swap3A_517, %swap3A_518] {strides = array<i32>} : memref<32x1024xf32, #tpu.memory_space<vmem>>, vector<1x16xf32>,
      %swap3A_520 = vector.shape_cast %swap3A_519 : vector<1x16xf32> to vector<16xf32>
      %swap3A_521 = vector.shape_cast %add3A_516 : vector<16xf32> to vector<1x16xf32>
      tpu.vector_store %arg7[%swap3A_517, %swap3A_518], %swap3A_521 {strides = array<i32>} : memref<32x1024xf32, #tpu.memory_space<vmem>>, vector<1x16xf32>,
      %get3A_522 = arith.index_cast %scan3A_46 : i32 to index
      %get3A_523 = arith.constant 544 : index
      %get3A_524 = tpu.vector_load %arg7[%get3A_522, %get3A_523] {strides = array<i32>} : memref<32x1024xf32, #tpu.memory_space<vmem>>, vector<1x16xf32>,
      %get3A_525 = vector.shape_cast %get3A_524 : vector<1x16xf32> to vector<16xf32>
      %get3A_526 = arith.index_cast %scan3A_46 : i32 to index
      %get3A_527 = arith.constant 544 : index
      %get3A_528 = tpu.vector_load %arg8[%get3A_526, %get3A_527] {strides = array<i32>} : memref<32x1024xf32, #tpu.memory_space<vmem>>, vector<1x16xf32>,
      %get3A_529 = vector.shape_cast %get3A_528 : vector<1x16xf32> to vector<16xf32>
      %add3A_530 = arith.addf %get3A_525, %get3A_529 : vector<16xf32>
      %swap3A_531 = arith.index_cast %scan3A_46 : i32 to index
      %swap3A_532 = arith.constant 544 : index
      %swap3A_533 = tpu.vector_load %arg7[%swap3A_531, %swap3A_532] {strides = array<i32>} : memref<32x1024xf32, #tpu.memory_space<vmem>>, vector<1x16xf32>,
      %swap3A_534 = vector.shape_cast %swap3A_533 : vector<1x16xf32> to vector<16xf32>
      %swap3A_535 = vector.shape_cast %add3A_530 : vector<16xf32> to vector<1x16xf32>
      tpu.vector_store %arg7[%swap3A_531, %swap3A_532], %swap3A_535 {strides = array<i32>} : memref<32x1024xf32, #tpu.memory_space<vmem>>, vector<1x16xf32>,
      %get3A_536 = arith.index_cast %scan3A_46 : i32 to index
      %get3A_537 = arith.constant 560 : index
      %get3A_538 = tpu.vector_load %arg7[%get3A_536, %get3A_537] {strides = array<i32>} : memref<32x1024xf32, #tpu.memory_space<vmem>>, vector<1x16xf32>,
      %get3A_539 = vector.shape_cast %get3A_538 : vector<1x16xf32> to vector<16xf32>
      %get3A_540 = arith.index_cast %scan3A_46 : i32 to index
      %get3A_541 = arith.constant 560 : index
      %get3A_542 = tpu.vector_load %arg8[%get3A_540, %get3A_541] {strides = array<i32>} : memref<32x1024xf32, #tpu.memory_space<vmem>>, vector<1x16xf32>,
      %get3A_543 = vector.shape_cast %get3A_542 : vector<1x16xf32> to vector<16xf32>
      %add3A_544 = arith.addf %get3A_539, %get3A_543 : vector<16xf32>
      %swap3A_545 = arith.index_cast %scan3A_46 : i32 to index
      %swap3A_546 = arith.constant 560 : index
      %swap3A_547 = tpu.vector_load %arg7[%swap3A_545, %swap3A_546] {strides = array<i32>} : memref<32x1024xf32, #tpu.memory_space<vmem>>, vector<1x16xf32>,
      %swap3A_548 = vector.shape_cast %swap3A_547 : vector<1x16xf32> to vector<16xf32>
      %swap3A_549 = vector.shape_cast %add3A_544 : vector<16xf32> to vector<1x16xf32>
      tpu.vector_store %arg7[%swap3A_545, %swap3A_546], %swap3A_549 {strides = array<i32>} : memref<32x1024xf32, #tpu.memory_space<vmem>>, vector<1x16xf32>,
      %get3A_550 = arith.index_cast %scan3A_46 : i32 to index
      %get3A_551 = arith.constant 576 : index
      %get3A_552 = tpu.vector_load %arg7[%get3A_550, %get3A_551] {strides = array<i32>} : memref<32x1024xf32, #tpu.memory_space<vmem>>, vector<1x16xf32>,
      %get3A_553 = vector.shape_cast %get3A_552 : vector<1x16xf32> to vector<16xf32>
      %get3A_554 = arith.index_cast %scan3A_46 : i32 to index
      %get3A_555 = arith.constant 576 : index
      %get3A_556 = tpu.vector_load %arg8[%get3A_554, %get3A_555] {strides = array<i32>} : memref<32x1024xf32, #tpu.memory_space<vmem>>, vector<1x16xf32>,
      %get3A_557 = vector.shape_cast %get3A_556 : vector<1x16xf32> to vector<16xf32>
      %add3A_558 = arith.addf %get3A_553, %get3A_557 : vector<16xf32>
      %swap3A_559 = arith.index_cast %scan3A_46 : i32 to index
      %swap3A_560 = arith.constant 576 : index
      %swap3A_561 = tpu.vector_load %arg7[%swap3A_559, %swap3A_560] {strides = array<i32>} : memref<32x1024xf32, #tpu.memory_space<vmem>>, vector<1x16xf32>,
      %swap3A_562 = vector.shape_cast %swap3A_561 : vector<1x16xf32> to vector<16xf32>
      %swap3A_563 = vector.shape_cast %add3A_558 : vector<16xf32> to vector<1x16xf32>
      tpu.vector_store %arg7[%swap3A_559, %swap3A_560], %swap3A_563 {strides = array<i32>} : memref<32x1024xf32, #tpu.memory_space<vmem>>, vector<1x16xf32>,
      %get3A_564 = arith.index_cast %scan3A_46 : i32 to index
      %get3A_565 = arith.constant 592 : index
      %get3A_566 = tpu.vector_load %arg7[%get3A_564, %get3A_565] {strides = array<i32>} : memref<32x1024xf32, #tpu.memory_space<vmem>>, vector<1x16xf32>,
      %get3A_567 = vector.shape_cast %get3A_566 : vector<1x16xf32> to vector<16xf32>
      %get3A_568 = arith.index_cast %scan3A_46 : i32 to index
      %get3A_569 = arith.constant 592 : index
      %get3A_570 = tpu.vector_load %arg8[%get3A_568, %get3A_569] {strides = array<i32>} : memref<32x1024xf32, #tpu.memory_space<vmem>>, vector<1x16xf32>,
      %get3A_571 = vector.shape_cast %get3A_570 : vector<1x16xf32> to vector<16xf32>
      %add3A_572 = arith.addf %get3A_567, %get3A_571 : vector<16xf32>
      %swap3A_573 = arith.index_cast %scan3A_46 : i32 to index
      %swap3A_574 = arith.constant 592 : index
      %swap3A_575 = tpu.vector_load %arg7[%swap3A_573, %swap3A_574] {strides = array<i32>} : memref<32x1024xf32, #tpu.memory_space<vmem>>, vector<1x16xf32>,
      %swap3A_576 = vector.shape_cast %swap3A_575 : vector<1x16xf32> to vector<16xf32>
      %swap3A_577 = vector.shape_cast %add3A_572 : vector<16xf32> to vector<1x16xf32>
      tpu.vector_store %arg7[%swap3A_573, %swap3A_574], %swap3A_577 {strides = array<i32>} : memref<32x1024xf32, #tpu.memory_space<vmem>>, vector<1x16xf32>,
      %get3A_578 = arith.index_cast %scan3A_46 : i32 to index
      %get3A_579 = arith.constant 608 : index
      %get3A_580 = tpu.vector_load %arg7[%get3A_578, %get3A_579] {strides = array<i32>} : memref<32x1024xf32, #tpu.memory_space<vmem>>, vector<1x16xf32>,
      %get3A_581 = vector.shape_cast %get3A_580 : vector<1x16xf32> to vector<16xf32>
      %get3A_582 = arith.index_cast %scan3A_46 : i32 to index
      %get3A_583 = arith.constant 608 : index
      %get3A_584 = tpu.vector_load %arg8[%get3A_582, %get3A_583] {strides = array<i32>} : memref<32x1024xf32, #tpu.memory_space<vmem>>, vector<1x16xf32>,
      %get3A_585 = vector.shape_cast %get3A_584 : vector<1x16xf32> to vector<16xf32>
      %add3A_586 = arith.addf %get3A_581, %get3A_585 : vector<16xf32>
      %swap3A_587 = arith.index_cast %scan3A_46 : i32 to index
      %swap3A_588 = arith.constant 608 : index
      %swap3A_589 = tpu.vector_load %arg7[%swap3A_587, %swap3A_588] {strides = array<i32>} : memref<32x1024xf32, #tpu.memory_space<vmem>>, vector<1x16xf32>,
      %swap3A_590 = vector.shape_cast %swap3A_589 : vector<1x16xf32> to vector<16xf32>
      %swap3A_591 = vector.shape_cast %add3A_586 : vector<16xf32> to vector<1x16xf32>
      tpu.vector_store %arg7[%swap3A_587, %swap3A_588], %swap3A_591 {strides = array<i32>} : memref<32x1024xf32, #tpu.memory_space<vmem>>, vector<1x16xf32>,
      %get3A_592 = arith.index_cast %scan3A_46 : i32 to index
      %get3A_593 = arith.constant 624 : index
      %get3A_594 = tpu.vector_load %arg7[%get3A_592, %get3A_593] {strides = array<i32>} : memref<32x1024xf32, #tpu.memory_space<vmem>>, vector<1x16xf32>,
      %get3A_595 = vector.shape_cast %get3A_594 : vector<1x16xf32> to vector<16xf32>
      %get3A_596 = arith.index_cast %scan3A_46 : i32 to index
      %get3A_597 = arith.constant 624 : index
      %get3A_598 = tpu.vector_load %arg8[%get3A_596, %get3A_597] {strides = array<i32>} : memref<32x1024xf32, #tpu.memory_space<vmem>>, vector<1x16xf32>,
      %get3A_599 = vector.shape_cast %get3A_598 : vector<1x16xf32> to vector<16xf32>
      %add3A_600 = arith.addf %get3A_595, %get3A_599 : vector<16xf32>
      %swap3A_601 = arith.index_cast %scan3A_46 : i32 to index
      %swap3A_602 = arith.constant 624 : index
      %swap3A_603 = tpu.vector_load %arg7[%swap3A_601, %swap3A_602] {strides = array<i32>} : memref<32x1024xf32, #tpu.memory_space<vmem>>, vector<1x16xf32>,
      %swap3A_604 = vector.shape_cast %swap3A_603 : vector<1x16xf32> to vector<16xf32>
      %swap3A_605 = vector.shape_cast %add3A_600 : vector<16xf32> to vector<1x16xf32>
      tpu.vector_store %arg7[%swap3A_601, %swap3A_602], %swap3A_605 {strides = array<i32>} : memref<32x1024xf32, #tpu.memory_space<vmem>>, vector<1x16xf32>,
      %get3A_606 = arith.index_cast %scan3A_46 : i32 to index
      %get3A_607 = arith.constant 640 : index
      %get3A_608 = tpu.vector_load %arg7[%get3A_606, %get3A_607] {strides = array<i32>} : memref<32x1024xf32, #tpu.memory_space<vmem>>, vector<1x16xf32>,
      %get3A_609 = vector.shape_cast %get3A_608 : vector<1x16xf32> to vector<16xf32>
      %get3A_610 = arith.index_cast %scan3A_46 : i32 to index
      %get3A_611 = arith.constant 640 : index
      %get3A_612 = tpu.vector_load %arg8[%get3A_610, %get3A_611] {strides = array<i32>} : memref<32x1024xf32, #tpu.memory_space<vmem>>, vector<1x16xf32>,
      %get3A_613 = vector.shape_cast %get3A_612 : vector<1x16xf32> to vector<16xf32>
      %add3A_614 = arith.addf %get3A_609, %get3A_613 : vector<16xf32>
      %swap3A_615 = arith.index_cast %scan3A_46 : i32 to index
      %swap3A_616 = arith.constant 640 : index
      %swap3A_617 = tpu.vector_load %arg7[%swap3A_615, %swap3A_616] {strides = array<i32>} : memref<32x1024xf32, #tpu.memory_space<vmem>>, vector<1x16xf32>,
      %swap3A_618 = vector.shape_cast %swap3A_617 : vector<1x16xf32> to vector<16xf32>
      %swap3A_619 = vector.shape_cast %add3A_614 : vector<16xf32> to vector<1x16xf32>
      tpu.vector_store %arg7[%swap3A_615, %swap3A_616], %swap3A_619 {strides = array<i32>} : memref<32x1024xf32, #tpu.memory_space<vmem>>, vector<1x16xf32>,
      %get3A_620 = arith.index_cast %scan3A_46 : i32 to index
      %get3A_621 = arith.constant 656 : index
      %get3A_622 = tpu.vector_load %arg7[%get3A_620, %get3A_621] {strides = array<i32>} : memref<32x1024xf32, #tpu.memory_space<vmem>>, vector<1x16xf32>,
      %get3A_623 = vector.shape_cast %get3A_622 : vector<1x16xf32> to vector<16xf32>
      %get3A_624 = arith.index_cast %scan3A_46 : i32 to index
      %get3A_625 = arith.constant 656 : index
      %get3A_626 = tpu.vector_load %arg8[%get3A_624, %get3A_625] {strides = array<i32>} : memref<32x1024xf32, #tpu.memory_space<vmem>>, vector<1x16xf32>,
      %get3A_627 = vector.shape_cast %get3A_626 : vector<1x16xf32> to vector<16xf32>
      %add3A_628 = arith.addf %get3A_623, %get3A_627 : vector<16xf32>
      %swap3A_629 = arith.index_cast %scan3A_46 : i32 to index
      %swap3A_630 = arith.constant 656 : index
      %swap3A_631 = tpu.vector_load %arg7[%swap3A_629, %swap3A_630] {strides = array<i32>} : memref<32x1024xf32, #tpu.memory_space<vmem>>, vector<1x16xf32>,
      %swap3A_632 = vector.shape_cast %swap3A_631 : vector<1x16xf32> to vector<16xf32>
      %swap3A_633 = vector.shape_cast %add3A_628 : vector<16xf32> to vector<1x16xf32>
      tpu.vector_store %arg7[%swap3A_629, %swap3A_630], %swap3A_633 {strides = array<i32>} : memref<32x1024xf32, #tpu.memory_space<vmem>>, vector<1x16xf32>,
      %get3A_634 = arith.index_cast %scan3A_46 : i32 to index
      %get3A_635 = arith.constant 672 : index
      %get3A_636 = tpu.vector_load %arg7[%get3A_634, %get3A_635] {strides = array<i32>} : memref<32x1024xf32, #tpu.memory_space<vmem>>, vector<1x16xf32>,
      %get3A_637 = vector.shape_cast %get3A_636 : vector<1x16xf32> to vector<16xf32>
      %get3A_638 = arith.index_cast %scan3A_46 : i32 to index
      %get3A_639 = arith.constant 672 : index
      %get3A_640 = tpu.vector_load %arg8[%get3A_638, %get3A_639] {strides = array<i32>} : memref<32x1024xf32, #tpu.memory_space<vmem>>, vector<1x16xf32>,
      %get3A_641 = vector.shape_cast %get3A_640 : vector<1x16xf32> to vector<16xf32>
      %add3A_642 = arith.addf %get3A_637, %get3A_641 : vector<16xf32>
      %swap3A_643 = arith.index_cast %scan3A_46 : i32 to index
      %swap3A_644 = arith.constant 672 : index
      %swap3A_645 = tpu.vector_load %arg7[%swap3A_643, %swap3A_644] {strides = array<i32>} : memref<32x1024xf32, #tpu.memory_space<vmem>>, vector<1x16xf32>,
      %swap3A_646 = vector.shape_cast %swap3A_645 : vector<1x16xf32> to vector<16xf32>
      %swap3A_647 = vector.shape_cast %add3A_642 : vector<16xf32> to vector<1x16xf32>
      tpu.vector_store %arg7[%swap3A_643, %swap3A_644], %swap3A_647 {strides = array<i32>} : memref<32x1024xf32, #tpu.memory_space<vmem>>, vector<1x16xf32>,
      %get3A_648 = arith.index_cast %scan3A_46 : i32 to index
      %get3A_649 = arith.constant 688 : index
      %get3A_650 = tpu.vector_load %arg7[%get3A_648, %get3A_649] {strides = array<i32>} : memref<32x1024xf32, #tpu.memory_space<vmem>>, vector<1x16xf32>,
      %get3A_651 = vector.shape_cast %get3A_650 : vector<1x16xf32> to vector<16xf32>
      %get3A_652 = arith.index_cast %scan3A_46 : i32 to index
      %get3A_653 = arith.constant 688 : index
      %get3A_654 = tpu.vector_load %arg8[%get3A_652, %get3A_653] {strides = array<i32>} : memref<32x1024xf32, #tpu.memory_space<vmem>>, vector<1x16xf32>,
      %get3A_655 = vector.shape_cast %get3A_654 : vector<1x16xf32> to vector<16xf32>
      %add3A_656 = arith.addf %get3A_651, %get3A_655 : vector<16xf32>
      %swap3A_657 = arith.index_cast %scan3A_46 : i32 to index
      %swap3A_658 = arith.constant 688 : index
      %swap3A_659 = tpu.vector_load %arg7[%swap3A_657, %swap3A_658] {strides = array<i32>} : memref<32x1024xf32, #tpu.memory_space<vmem>>, vector<1x16xf32>,
      %swap3A_660 = vector.shape_cast %swap3A_659 : vector<1x16xf32> to vector<16xf32>
      %swap3A_661 = vector.shape_cast %add3A_656 : vector<16xf32> to vector<1x16xf32>
      tpu.vector_store %arg7[%swap3A_657, %swap3A_658], %swap3A_661 {strides = array<i32>} : memref<32x1024xf32, #tpu.memory_space<vmem>>, vector<1x16xf32>,
      %get3A_662 = arith.index_cast %scan3A_46 : i32 to index
      %get3A_663 = arith.constant 704 : index
      %get3A_664 = tpu.vector_load %arg7[%get3A_662, %get3A_663] {strides = array<i32>} : memref<32x1024xf32, #tpu.memory_space<vmem>>, vector<1x16xf32>,
      %get3A_665 = vector.shape_cast %get3A_664 : vector<1x16xf32> to vector<16xf32>
      %get3A_666 = arith.index_cast %scan3A_46 : i32 to index
      %get3A_667 = arith.constant 704 : index
      %get3A_668 = tpu.vector_load %arg8[%get3A_666, %get3A_667] {strides = array<i32>} : memref<32x1024xf32, #tpu.memory_space<vmem>>, vector<1x16xf32>,
      %get3A_669 = vector.shape_cast %get3A_668 : vector<1x16xf32> to vector<16xf32>
      %add3A_670 = arith.addf %get3A_665, %get3A_669 : vector<16xf32>
      %swap3A_671 = arith.index_cast %scan3A_46 : i32 to index
      %swap3A_672 = arith.constant 704 : index
      %swap3A_673 = tpu.vector_load %arg7[%swap3A_671, %swap3A_672] {strides = array<i32>} : memref<32x1024xf32, #tpu.memory_space<vmem>>, vector<1x16xf32>,
      %swap3A_674 = vector.shape_cast %swap3A_673 : vector<1x16xf32> to vector<16xf32>
      %swap3A_675 = vector.shape_cast %add3A_670 : vector<16xf32> to vector<1x16xf32>
      tpu.vector_store %arg7[%swap3A_671, %swap3A_672], %swap3A_675 {strides = array<i32>} : memref<32x1024xf32, #tpu.memory_space<vmem>>, vector<1x16xf32>,
      %get3A_676 = arith.index_cast %scan3A_46 : i32 to index
      %get3A_677 = arith.constant 720 : index
      %get3A_678 = tpu.vector_load %arg7[%get3A_676, %get3A_677] {strides = array<i32>} : memref<32x1024xf32, #tpu.memory_space<vmem>>, vector<1x16xf32>,
      %get3A_679 = vector.shape_cast %get3A_678 : vector<1x16xf32> to vector<16xf32>
      %get3A_680 = arith.index_cast %scan3A_46 : i32 to index
      %get3A_681 = arith.constant 720 : index
      %get3A_682 = tpu.vector_load %arg8[%get3A_680, %get3A_681] {strides = array<i32>} : memref<32x1024xf32, #tpu.memory_space<vmem>>, vector<1x16xf32>,
      %get3A_683 = vector.shape_cast %get3A_682 : vector<1x16xf32> to vector<16xf32>
      %add3A_684 = arith.addf %get3A_679, %get3A_683 : vector<16xf32>
      %swap3A_685 = arith.index_cast %scan3A_46 : i32 to index
      %swap3A_686 = arith.constant 720 : index
      %swap3A_687 = tpu.vector_load %arg7[%swap3A_685, %swap3A_686] {strides = array<i32>} : memref<32x1024xf32, #tpu.memory_space<vmem>>, vector<1x16xf32>,
      %swap3A_688 = vector.shape_cast %swap3A_687 : vector<1x16xf32> to vector<16xf32>
      %swap3A_689 = vector.shape_cast %add3A_684 : vector<16xf32> to vector<1x16xf32>
      tpu.vector_store %arg7[%swap3A_685, %swap3A_686], %swap3A_689 {strides = array<i32>} : memref<32x1024xf32, #tpu.memory_space<vmem>>, vector<1x16xf32>,
      %get3A_690 = arith.index_cast %scan3A_46 : i32 to index
      %get3A_691 = arith.constant 736 : index
      %get3A_692 = tpu.vector_load %arg7[%get3A_690, %get3A_691] {strides = array<i32>} : memref<32x1024xf32, #tpu.memory_space<vmem>>, vector<1x16xf32>,
      %get3A_693 = vector.shape_cast %get3A_692 : vector<1x16xf32> to vector<16xf32>
      %get3A_694 = arith.index_cast %scan3A_46 : i32 to index
      %get3A_695 = arith.constant 736 : index
      %get3A_696 = tpu.vector_load %arg8[%get3A_694, %get3A_695] {strides = array<i32>} : memref<32x1024xf32, #tpu.memory_space<vmem>>, vector<1x16xf32>,
      %get3A_697 = vector.shape_cast %get3A_696 : vector<1x16xf32> to vector<16xf32>
      %add3A_698 = arith.addf %get3A_693, %get3A_697 : vector<16xf32>
      %swap3A_699 = arith.index_cast %scan3A_46 : i32 to index
      %swap3A_700 = arith.constant 736 : index
      %swap3A_701 = tpu.vector_load %arg7[%swap3A_699, %swap3A_700] {strides = array<i32>} : memref<32x1024xf32, #tpu.memory_space<vmem>>, vector<1x16xf32>,
      %swap3A_702 = vector.shape_cast %swap3A_701 : vector<1x16xf32> to vector<16xf32>
      %swap3A_703 = vector.shape_cast %add3A_698 : vector<16xf32> to vector<1x16xf32>
      tpu.vector_store %arg7[%swap3A_699, %swap3A_700], %swap3A_703 {strides = array<i32>} : memref<32x1024xf32, #tpu.memory_space<vmem>>, vector<1x16xf32>,
      %get3A_704 = arith.index_cast %scan3A_46 : i32 to index
      %get3A_705 = arith.constant 752 : index
      %get3A_706 = tpu.vector_load %arg7[%get3A_704, %get3A_705] {strides = array<i32>} : memref<32x1024xf32, #tpu.memory_space<vmem>>, vector<1x16xf32>,
      %get3A_707 = vector.shape_cast %get3A_706 : vector<1x16xf32> to vector<16xf32>
      %get3A_708 = arith.index_cast %scan3A_46 : i32 to index
      %get3A_709 = arith.constant 752 : index
      %get3A_710 = tpu.vector_load %arg8[%get3A_708, %get3A_709] {strides = array<i32>} : memref<32x1024xf32, #tpu.memory_space<vmem>>, vector<1x16xf32>,
      %get3A_711 = vector.shape_cast %get3A_710 : vector<1x16xf32> to vector<16xf32>
      %add3A_712 = arith.addf %get3A_707, %get3A_711 : vector<16xf32>
      %swap3A_713 = arith.index_cast %scan3A_46 : i32 to index
      %swap3A_714 = arith.constant 752 : index
      %swap3A_715 = tpu.vector_load %arg7[%swap3A_713, %swap3A_714] {strides = array<i32>} : memref<32x1024xf32, #tpu.memory_space<vmem>>, vector<1x16xf32>,
      %swap3A_716 = vector.shape_cast %swap3A_715 : vector<1x16xf32> to vector<16xf32>
      %swap3A_717 = vector.shape_cast %add3A_712 : vector<16xf32> to vector<1x16xf32>
      tpu.vector_store %arg7[%swap3A_713, %swap3A_714], %swap3A_717 {strides = array<i32>} : memref<32x1024xf32, #tpu.memory_space<vmem>>, vector<1x16xf32>,
      %get3A_718 = arith.index_cast %scan3A_46 : i32 to index
      %get3A_719 = arith.constant 768 : index
      %get3A_720 = tpu.vector_load %arg7[%get3A_718, %get3A_719] {strides = array<i32>} : memref<32x1024xf32, #tpu.memory_space<vmem>>, vector<1x16xf32>,
      %get3A_721 = vector.shape_cast %get3A_720 : vector<1x16xf32> to vector<16xf32>
      %get3A_722 = arith.index_cast %scan3A_46 : i32 to index
      %get3A_723 = arith.constant 768 : index
      %get3A_724 = tpu.vector_load %arg8[%get3A_722, %get3A_723] {strides = array<i32>} : memref<32x1024xf32, #tpu.memory_space<vmem>>, vector<1x16xf32>,
      %get3A_725 = vector.shape_cast %get3A_724 : vector<1x16xf32> to vector<16xf32>
      %add3A_726 = arith.addf %get3A_721, %get3A_725 : vector<16xf32>
      %swap3A_727 = arith.index_cast %scan3A_46 : i32 to index
      %swap3A_728 = arith.constant 768 : index
      %swap3A_729 = tpu.vector_load %arg7[%swap3A_727, %swap3A_728] {strides = array<i32>} : memref<32x1024xf32, #tpu.memory_space<vmem>>, vector<1x16xf32>,
      %swap3A_730 = vector.shape_cast %swap3A_729 : vector<1x16xf32> to vector<16xf32>
      %swap3A_731 = vector.shape_cast %add3A_726 : vector<16xf32> to vector<1x16xf32>
      tpu.vector_store %arg7[%swap3A_727, %swap3A_728], %swap3A_731 {strides = array<i32>} : memref<32x1024xf32, #tpu.memory_space<vmem>>, vector<1x16xf32>,
      %get3A_732 = arith.index_cast %scan3A_46 : i32 to index
      %get3A_733 = arith.constant 784 : index
      %get3A_734 = tpu.vector_load %arg7[%get3A_732, %get3A_733] {strides = array<i32>} : memref<32x1024xf32, #tpu.memory_space<vmem>>, vector<1x16xf32>,
      %get3A_735 = vector.shape_cast %get3A_734 : vector<1x16xf32> to vector<16xf32>
      %get3A_736 = arith.index_cast %scan3A_46 : i32 to index
      %get3A_737 = arith.constant 784 : index
      %get3A_738 = tpu.vector_load %arg8[%get3A_736, %get3A_737] {strides = array<i32>} : memref<32x1024xf32, #tpu.memory_space<vmem>>, vector<1x16xf32>,
      %get3A_739 = vector.shape_cast %get3A_738 : vector<1x16xf32> to vector<16xf32>
      %add3A_740 = arith.addf %get3A_735, %get3A_739 : vector<16xf32>
      %swap3A_741 = arith.index_cast %scan3A_46 : i32 to index
      %swap3A_742 = arith.constant 784 : index
      %swap3A_743 = tpu.vector_load %arg7[%swap3A_741, %swap3A_742] {strides = array<i32>} : memref<32x1024xf32, #tpu.memory_space<vmem>>, vector<1x16xf32>,
      %swap3A_744 = vector.shape_cast %swap3A_743 : vector<1x16xf32> to vector<16xf32>
      %swap3A_745 = vector.shape_cast %add3A_740 : vector<16xf32> to vector<1x16xf32>
      tpu.vector_store %arg7[%swap3A_741, %swap3A_742], %swap3A_745 {strides = array<i32>} : memref<32x1024xf32, #tpu.memory_space<vmem>>, vector<1x16xf32>,
      %get3A_746 = arith.index_cast %scan3A_46 : i32 to index
      %get3A_747 = arith.constant 800 : index
      %get3A_748 = tpu.vector_load %arg7[%get3A_746, %get3A_747] {strides = array<i32>} : memref<32x1024xf32, #tpu.memory_space<vmem>>, vector<1x16xf32>,
      %get3A_749 = vector.shape_cast %get3A_748 : vector<1x16xf32> to vector<16xf32>
      %get3A_750 = arith.index_cast %scan3A_46 : i32 to index
      %get3A_751 = arith.constant 800 : index
      %get3A_752 = tpu.vector_load %arg8[%get3A_750, %get3A_751] {strides = array<i32>} : memref<32x1024xf32, #tpu.memory_space<vmem>>, vector<1x16xf32>,
      %get3A_753 = vector.shape_cast %get3A_752 : vector<1x16xf32> to vector<16xf32>
      %add3A_754 = arith.addf %get3A_749, %get3A_753 : vector<16xf32>
      %swap3A_755 = arith.index_cast %scan3A_46 : i32 to index
      %swap3A_756 = arith.constant 800 : index
      %swap3A_757 = tpu.vector_load %arg7[%swap3A_755, %swap3A_756] {strides = array<i32>} : memref<32x1024xf32, #tpu.memory_space<vmem>>, vector<1x16xf32>,
      %swap3A_758 = vector.shape_cast %swap3A_757 : vector<1x16xf32> to vector<16xf32>
      %swap3A_759 = vector.shape_cast %add3A_754 : vector<16xf32> to vector<1x16xf32>
      tpu.vector_store %arg7[%swap3A_755, %swap3A_756], %swap3A_759 {strides = array<i32>} : memref<32x1024xf32, #tpu.memory_space<vmem>>, vector<1x16xf32>,
      %get3A_760 = arith.index_cast %scan3A_46 : i32 to index
      %get3A_761 = arith.constant 816 : index
      %get3A_762 = tpu.vector_load %arg7[%get3A_760, %get3A_761] {strides = array<i32>} : memref<32x1024xf32, #tpu.memory_space<vmem>>, vector<1x16xf32>,
      %get3A_763 = vector.shape_cast %get3A_762 : vector<1x16xf32> to vector<16xf32>
      %get3A_764 = arith.index_cast %scan3A_46 : i32 to index
      %get3A_765 = arith.constant 816 : index
      %get3A_766 = tpu.vector_load %arg8[%get3A_764, %get3A_765] {strides = array<i32>} : memref<32x1024xf32, #tpu.memory_space<vmem>>, vector<1x16xf32>,
      %get3A_767 = vector.shape_cast %get3A_766 : vector<1x16xf32> to vector<16xf32>
      %add3A_768 = arith.addf %get3A_763, %get3A_767 : vector<16xf32>
      %swap3A_769 = arith.index_cast %scan3A_46 : i32 to index
      %swap3A_770 = arith.constant 816 : index
      %swap3A_771 = tpu.vector_load %arg7[%swap3A_769, %swap3A_770] {strides = array<i32>} : memref<32x1024xf32, #tpu.memory_space<vmem>>, vector<1x16xf32>,
      %swap3A_772 = vector.shape_cast %swap3A_771 : vector<1x16xf32> to vector<16xf32>
      %swap3A_773 = vector.shape_cast %add3A_768 : vector<16xf32> to vector<1x16xf32>
      tpu.vector_store %arg7[%swap3A_769, %swap3A_770], %swap3A_773 {strides = array<i32>} : memref<32x1024xf32, #tpu.memory_space<vmem>>, vector<1x16xf32>,
      %get3A_774 = arith.index_cast %scan3A_46 : i32 to index
      %get3A_775 = arith.constant 832 : index
      %get3A_776 = tpu.vector_load %arg7[%get3A_774, %get3A_775] {strides = array<i32>} : memref<32x1024xf32, #tpu.memory_space<vmem>>, vector<1x16xf32>,
      %get3A_777 = vector.shape_cast %get3A_776 : vector<1x16xf32> to vector<16xf32>
      %get3A_778 = arith.index_cast %scan3A_46 : i32 to index
      %get3A_779 = arith.constant 832 : index
      %get3A_780 = tpu.vector_load %arg8[%get3A_778, %get3A_779] {strides = array<i32>} : memref<32x1024xf32, #tpu.memory_space<vmem>>, vector<1x16xf32>,
      %get3A_781 = vector.shape_cast %get3A_780 : vector<1x16xf32> to vector<16xf32>
      %add3A_782 = arith.addf %get3A_777, %get3A_781 : vector<16xf32>
      %swap3A_783 = arith.index_cast %scan3A_46 : i32 to index
      %swap3A_784 = arith.constant 832 : index
      %swap3A_785 = tpu.vector_load %arg7[%swap3A_783, %swap3A_784] {strides = array<i32>} : memref<32x1024xf32, #tpu.memory_space<vmem>>, vector<1x16xf32>,
      %swap3A_786 = vector.shape_cast %swap3A_785 : vector<1x16xf32> to vector<16xf32>
      %swap3A_787 = vector.shape_cast %add3A_782 : vector<16xf32> to vector<1x16xf32>
      tpu.vector_store %arg7[%swap3A_783, %swap3A_784], %swap3A_787 {strides = array<i32>} : memref<32x1024xf32, #tpu.memory_space<vmem>>, vector<1x16xf32>,
      %get3A_788 = arith.index_cast %scan3A_46 : i32 to index
      %get3A_789 = arith.constant 848 : index
      %get3A_790 = tpu.vector_load %arg7[%get3A_788, %get3A_789] {strides = array<i32>} : memref<32x1024xf32, #tpu.memory_space<vmem>>, vector<1x16xf32>,
      %get3A_791 = vector.shape_cast %get3A_790 : vector<1x16xf32> to vector<16xf32>
      %get3A_792 = arith.index_cast %scan3A_46 : i32 to index
      %get3A_793 = arith.constant 848 : index
      %get3A_794 = tpu.vector_load %arg8[%get3A_792, %get3A_793] {strides = array<i32>} : memref<32x1024xf32, #tpu.memory_space<vmem>>, vector<1x16xf32>,
      %get3A_795 = vector.shape_cast %get3A_794 : vector<1x16xf32> to vector<16xf32>
      %add3A_796 = arith.addf %get3A_791, %get3A_795 : vector<16xf32>
      %swap3A_797 = arith.index_cast %scan3A_46 : i32 to index
      %swap3A_798 = arith.constant 848 : index
      %swap3A_799 = tpu.vector_load %arg7[%swap3A_797, %swap3A_798] {strides = array<i32>} : memref<32x1024xf32, #tpu.memory_space<vmem>>, vector<1x16xf32>,
      %swap3A_800 = vector.shape_cast %swap3A_799 : vector<1x16xf32> to vector<16xf32>
      %swap3A_801 = vector.shape_cast %add3A_796 : vector<16xf32> to vector<1x16xf32>
      tpu.vector_store %arg7[%swap3A_797, %swap3A_798], %swap3A_801 {strides = array<i32>} : memref<32x1024xf32, #tpu.memory_space<vmem>>, vector<1x16xf32>,
      %get3A_802 = arith.index_cast %scan3A_46 : i32 to index
      %get3A_803 = arith.constant 864 : index
      %get3A_804 = tpu.vector_load %arg7[%get3A_802, %get3A_803] {strides = array<i32>} : memref<32x1024xf32, #tpu.memory_space<vmem>>, vector<1x16xf32>,
      %get3A_805 = vector.shape_cast %get3A_804 : vector<1x16xf32> to vector<16xf32>
      %get3A_806 = arith.index_cast %scan3A_46 : i32 to index
      %get3A_807 = arith.constant 864 : index
      %get3A_808 = tpu.vector_load %arg8[%get3A_806, %get3A_807] {strides = array<i32>} : memref<32x1024xf32, #tpu.memory_space<vmem>>, vector<1x16xf32>,
      %get3A_809 = vector.shape_cast %get3A_808 : vector<1x16xf32> to vector<16xf32>
      %add3A_810 = arith.addf %get3A_805, %get3A_809 : vector<16xf32>
      %swap3A_811 = arith.index_cast %scan3A_46 : i32 to index
      %swap3A_812 = arith.constant 864 : index
      %swap3A_813 = tpu.vector_load %arg7[%swap3A_811, %swap3A_812] {strides = array<i32>} : memref<32x1024xf32, #tpu.memory_space<vmem>>, vector<1x16xf32>,
      %swap3A_814 = vector.shape_cast %swap3A_813 : vector<1x16xf32> to vector<16xf32>
      %swap3A_815 = vector.shape_cast %add3A_810 : vector<16xf32> to vector<1x16xf32>
      tpu.vector_store %arg7[%swap3A_811, %swap3A_812], %swap3A_815 {strides = array<i32>} : memref<32x1024xf32, #tpu.memory_space<vmem>>, vector<1x16xf32>,
      %get3A_816 = arith.index_cast %scan3A_46 : i32 to index
      %get3A_817 = arith.constant 880 : index
      %get3A_818 = tpu.vector_load %arg7[%get3A_816, %get3A_817] {strides = array<i32>} : memref<32x1024xf32, #tpu.memory_space<vmem>>, vector<1x16xf32>,
      %get3A_819 = vector.shape_cast %get3A_818 : vector<1x16xf32> to vector<16xf32>
      %get3A_820 = arith.index_cast %scan3A_46 : i32 to index
      %get3A_821 = arith.constant 880 : index
      %get3A_822 = tpu.vector_load %arg8[%get3A_820, %get3A_821] {strides = array<i32>} : memref<32x1024xf32, #tpu.memory_space<vmem>>, vector<1x16xf32>,
      %get3A_823 = vector.shape_cast %get3A_822 : vector<1x16xf32> to vector<16xf32>
      %add3A_824 = arith.addf %get3A_819, %get3A_823 : vector<16xf32>
      %swap3A_825 = arith.index_cast %scan3A_46 : i32 to index
      %swap3A_826 = arith.constant 880 : index
      %swap3A_827 = tpu.vector_load %arg7[%swap3A_825, %swap3A_826] {strides = array<i32>} : memref<32x1024xf32, #tpu.memory_space<vmem>>, vector<1x16xf32>,
      %swap3A_828 = vector.shape_cast %swap3A_827 : vector<1x16xf32> to vector<16xf32>
      %swap3A_829 = vector.shape_cast %add3A_824 : vector<16xf32> to vector<1x16xf32>
      tpu.vector_store %arg7[%swap3A_825, %swap3A_826], %swap3A_829 {strides = array<i32>} : memref<32x1024xf32, #tpu.memory_space<vmem>>, vector<1x16xf32>,
      %get3A_830 = arith.index_cast %scan3A_46 : i32 to index
      %get3A_831 = arith.constant 896 : index
      %get3A_832 = tpu.vector_load %arg7[%get3A_830, %get3A_831] {strides = array<i32>} : memref<32x1024xf32, #tpu.memory_space<vmem>>, vector<1x16xf32>,
      %get3A_833 = vector.shape_cast %get3A_832 : vector<1x16xf32> to vector<16xf32>
      %get3A_834 = arith.index_cast %scan3A_46 : i32 to index
      %get3A_835 = arith.constant 896 : index
      %get3A_836 = tpu.vector_load %arg8[%get3A_834, %get3A_835] {strides = array<i32>} : memref<32x1024xf32, #tpu.memory_space<vmem>>, vector<1x16xf32>,
      %get3A_837 = vector.shape_cast %get3A_836 : vector<1x16xf32> to vector<16xf32>
      %add3A_838 = arith.addf %get3A_833, %get3A_837 : vector<16xf32>
      %swap3A_839 = arith.index_cast %scan3A_46 : i32 to index
      %swap3A_840 = arith.constant 896 : index
      %swap3A_841 = tpu.vector_load %arg7[%swap3A_839, %swap3A_840] {strides = array<i32>} : memref<32x1024xf32, #tpu.memory_space<vmem>>, vector<1x16xf32>,
      %swap3A_842 = vector.shape_cast %swap3A_841 : vector<1x16xf32> to vector<16xf32>
      %swap3A_843 = vector.shape_cast %add3A_838 : vector<16xf32> to vector<1x16xf32>
      tpu.vector_store %arg7[%swap3A_839, %swap3A_840], %swap3A_843 {strides = array<i32>} : memref<32x1024xf32, #tpu.memory_space<vmem>>, vector<1x16xf32>,
      %get3A_844 = arith.index_cast %scan3A_46 : i32 to index
      %get3A_845 = arith.constant 912 : index
      %get3A_846 = tpu.vector_load %arg7[%get3A_844, %get3A_845] {strides = array<i32>} : memref<32x1024xf32, #tpu.memory_space<vmem>>, vector<1x16xf32>,
      %get3A_847 = vector.shape_cast %get3A_846 : vector<1x16xf32> to vector<16xf32>
      %get3A_848 = arith.index_cast %scan3A_46 : i32 to index
      %get3A_849 = arith.constant 912 : index
      %get3A_850 = tpu.vector_load %arg8[%get3A_848, %get3A_849] {strides = array<i32>} : memref<32x1024xf32, #tpu.memory_space<vmem>>, vector<1x16xf32>,
      %get3A_851 = vector.shape_cast %get3A_850 : vector<1x16xf32> to vector<16xf32>
      %add3A_852 = arith.addf %get3A_847, %get3A_851 : vector<16xf32>
      %swap3A_853 = arith.index_cast %scan3A_46 : i32 to index
      %swap3A_854 = arith.constant 912 : index
      %swap3A_855 = tpu.vector_load %arg7[%swap3A_853, %swap3A_854] {strides = array<i32>} : memref<32x1024xf32, #tpu.memory_space<vmem>>, vector<1x16xf32>,
      %swap3A_856 = vector.shape_cast %swap3A_855 : vector<1x16xf32> to vector<16xf32>
      %swap3A_857 = vector.shape_cast %add3A_852 : vector<16xf32> to vector<1x16xf32>
      tpu.vector_store %arg7[%swap3A_853, %swap3A_854], %swap3A_857 {strides = array<i32>} : memref<32x1024xf32, #tpu.memory_space<vmem>>, vector<1x16xf32>,
      %get3A_858 = arith.index_cast %scan3A_46 : i32 to index
      %get3A_859 = arith.constant 928 : index
      %get3A_860 = tpu.vector_load %arg7[%get3A_858, %get3A_859] {strides = array<i32>} : memref<32x1024xf32, #tpu.memory_space<vmem>>, vector<1x16xf32>,
      %get3A_861 = vector.shape_cast %get3A_860 : vector<1x16xf32> to vector<16xf32>
      %get3A_862 = arith.index_cast %scan3A_46 : i32 to index
      %get3A_863 = arith.constant 928 : index
      %get3A_864 = tpu.vector_load %arg8[%get3A_862, %get3A_863] {strides = array<i32>} : memref<32x1024xf32, #tpu.memory_space<vmem>>, vector<1x16xf32>,
      %get3A_865 = vector.shape_cast %get3A_864 : vector<1x16xf32> to vector<16xf32>
      %add3A_866 = arith.addf %get3A_861, %get3A_865 : vector<16xf32>
      %swap3A_867 = arith.index_cast %scan3A_46 : i32 to index
      %swap3A_868 = arith.constant 928 : index
      %swap3A_869 = tpu.vector_load %arg7[%swap3A_867, %swap3A_868] {strides = array<i32>} : memref<32x1024xf32, #tpu.memory_space<vmem>>, vector<1x16xf32>,
      %swap3A_870 = vector.shape_cast %swap3A_869 : vector<1x16xf32> to vector<16xf32>
      %swap3A_871 = vector.shape_cast %add3A_866 : vector<16xf32> to vector<1x16xf32>
      tpu.vector_store %arg7[%swap3A_867, %swap3A_868], %swap3A_871 {strides = array<i32>} : memref<32x1024xf32, #tpu.memory_space<vmem>>, vector<1x16xf32>,
      %get3A_872 = arith.index_cast %scan3A_46 : i32 to index
      %get3A_873 = arith.constant 944 : index
      %get3A_874 = tpu.vector_load %arg7[%get3A_872, %get3A_873] {strides = array<i32>} : memref<32x1024xf32, #tpu.memory_space<vmem>>, vector<1x16xf32>,
      %get3A_875 = vector.shape_cast %get3A_874 : vector<1x16xf32> to vector<16xf32>
      %get3A_876 = arith.index_cast %scan3A_46 : i32 to index
      %get3A_877 = arith.constant 944 : index
      %get3A_878 = tpu.vector_load %arg8[%get3A_876, %get3A_877] {strides = array<i32>} : memref<32x1024xf32, #tpu.memory_space<vmem>>, vector<1x16xf32>,
      %get3A_879 = vector.shape_cast %get3A_878 : vector<1x16xf32> to vector<16xf32>
      %add3A_880 = arith.addf %get3A_875, %get3A_879 : vector<16xf32>
      %swap3A_881 = arith.index_cast %scan3A_46 : i32 to index
      %swap3A_882 = arith.constant 944 : index
      %swap3A_883 = tpu.vector_load %arg7[%swap3A_881, %swap3A_882] {strides = array<i32>} : memref<32x1024xf32, #tpu.memory_space<vmem>>, vector<1x16xf32>,
      %swap3A_884 = vector.shape_cast %swap3A_883 : vector<1x16xf32> to vector<16xf32>
      %swap3A_885 = vector.shape_cast %add3A_880 : vector<16xf32> to vector<1x16xf32>
      tpu.vector_store %arg7[%swap3A_881, %swap3A_882], %swap3A_885 {strides = array<i32>} : memref<32x1024xf32, #tpu.memory_space<vmem>>, vector<1x16xf32>,
      %get3A_886 = arith.index_cast %scan3A_46 : i32 to index
      %get3A_887 = arith.constant 960 : index
      %get3A_888 = tpu.vector_load %arg7[%get3A_886, %get3A_887] {strides = array<i32>} : memref<32x1024xf32, #tpu.memory_space<vmem>>, vector<1x16xf32>,
      %get3A_889 = vector.shape_cast %get3A_888 : vector<1x16xf32> to vector<16xf32>
      %get3A_890 = arith.index_cast %scan3A_46 : i32 to index
      %get3A_891 = arith.constant 960 : index
      %get3A_892 = tpu.vector_load %arg8[%get3A_890, %get3A_891] {strides = array<i32>} : memref<32x1024xf32, #tpu.memory_space<vmem>>, vector<1x16xf32>,
      %get3A_893 = vector.shape_cast %get3A_892 : vector<1x16xf32> to vector<16xf32>
      %add3A_894 = arith.addf %get3A_889, %get3A_893 : vector<16xf32>
      %swap3A_895 = arith.index_cast %scan3A_46 : i32 to index
      %swap3A_896 = arith.constant 960 : index
      %swap3A_897 = tpu.vector_load %arg7[%swap3A_895, %swap3A_896] {strides = array<i32>} : memref<32x1024xf32, #tpu.memory_space<vmem>>, vector<1x16xf32>,
      %swap3A_898 = vector.shape_cast %swap3A_897 : vector<1x16xf32> to vector<16xf32>
      %swap3A_899 = vector.shape_cast %add3A_894 : vector<16xf32> to vector<1x16xf32>
      tpu.vector_store %arg7[%swap3A_895, %swap3A_896], %swap3A_899 {strides = array<i32>} : memref<32x1024xf32, #tpu.memory_space<vmem>>, vector<1x16xf32>,
      %get3A_900 = arith.index_cast %scan3A_46 : i32 to index
      %get3A_901 = arith.constant 976 : index
      %get3A_902 = tpu.vector_load %arg7[%get3A_900, %get3A_901] {strides = array<i32>} : memref<32x1024xf32, #tpu.memory_space<vmem>>, vector<1x16xf32>,
      %get3A_903 = vector.shape_cast %get3A_902 : vector<1x16xf32> to vector<16xf32>
      %get3A_904 = arith.index_cast %scan3A_46 : i32 to index
      %get3A_905 = arith.constant 976 : index
      %get3A_906 = tpu.vector_load %arg8[%get3A_904, %get3A_905] {strides = array<i32>} : memref<32x1024xf32, #tpu.memory_space<vmem>>, vector<1x16xf32>,
      %get3A_907 = vector.shape_cast %get3A_906 : vector<1x16xf32> to vector<16xf32>
      %add3A_908 = arith.addf %get3A_903, %get3A_907 : vector<16xf32>
      %swap3A_909 = arith.index_cast %scan3A_46 : i32 to index
      %swap3A_910 = arith.constant 976 : index
      %swap3A_911 = tpu.vector_load %arg7[%swap3A_909, %swap3A_910] {strides = array<i32>} : memref<32x1024xf32, #tpu.memory_space<vmem>>, vector<1x16xf32>,
      %swap3A_912 = vector.shape_cast %swap3A_911 : vector<1x16xf32> to vector<16xf32>
      %swap3A_913 = vector.shape_cast %add3A_908 : vector<16xf32> to vector<1x16xf32>
      tpu.vector_store %arg7[%swap3A_909, %swap3A_910], %swap3A_913 {strides = array<i32>} : memref<32x1024xf32, #tpu.memory_space<vmem>>, vector<1x16xf32>,
      %get3A_914 = arith.index_cast %scan3A_46 : i32 to index
      %get3A_915 = arith.constant 992 : index
      %get3A_916 = tpu.vector_load %arg7[%get3A_914, %get3A_915] {strides = array<i32>} : memref<32x1024xf32, #tpu.memory_space<vmem>>, vector<1x16xf32>,
      %get3A_917 = vector.shape_cast %get3A_916 : vector<1x16xf32> to vector<16xf32>
      %get3A_918 = arith.index_cast %scan3A_46 : i32 to index
      %get3A_919 = arith.constant 992 : index
      %get3A_920 = tpu.vector_load %arg8[%get3A_918, %get3A_919] {strides = array<i32>} : memref<32x1024xf32, #tpu.memory_space<vmem>>, vector<1x16xf32>,
      %get3A_921 = vector.shape_cast %get3A_920 : vector<1x16xf32> to vector<16xf32>
      %add3A_922 = arith.addf %get3A_917, %get3A_921 : vector<16xf32>
      %swap3A_923 = arith.index_cast %scan3A_46 : i32 to index
      %swap3A_924 = arith.constant 992 : index
      %swap3A_925 = tpu.vector_load %arg7[%swap3A_923, %swap3A_924] {strides = array<i32>} : memref<32x1024xf32, #tpu.memory_space<vmem>>, vector<1x16xf32>,
      %swap3A_926 = vector.shape_cast %swap3A_925 : vector<1x16xf32> to vector<16xf32>
      %swap3A_927 = vector.shape_cast %add3A_922 : vector<16xf32> to vector<1x16xf32>
      tpu.vector_store %arg7[%swap3A_923, %swap3A_924], %swap3A_927 {strides = array<i32>} : memref<32x1024xf32, #tpu.memory_space<vmem>>, vector<1x16xf32>,
      %get3A_928 = arith.index_cast %scan3A_46 : i32 to index
      %get3A_929 = arith.constant 1008 : index
      %get3A_930 = tpu.vector_load %arg7[%get3A_928, %get3A_929] {strides = array<i32>} : memref<32x1024xf32, #tpu.memory_space<vmem>>, vector<1x16xf32>,
      %get3A_931 = vector.shape_cast %get3A_930 : vector<1x16xf32> to vector<16xf32>
      %get3A_932 = arith.index_cast %scan3A_46 : i32 to index
      %get3A_933 = arith.constant 1008 : index
      %get3A_934 = tpu.vector_load %arg8[%get3A_932, %get3A_933] {strides = array<i32>} : memref<32x1024xf32, #tpu.memory_space<vmem>>, vector<1x16xf32>,
      %get3A_935 = vector.shape_cast %get3A_934 : vector<1x16xf32> to vector<16xf32>
      %add3A_936 = arith.addf %get3A_931, %get3A_935 : vector<16xf32>
      %swap3A_937 = arith.index_cast %scan3A_46 : i32 to index
      %swap3A_938 = arith.constant 1008 : index
      %swap3A_939 = tpu.vector_load %arg7[%swap3A_937, %swap3A_938] {strides = array<i32>} : memref<32x1024xf32, #tpu.memory_space<vmem>>, vector<1x16xf32>,
      %swap3A_940 = vector.shape_cast %swap3A_939 : vector<1x16xf32> to vector<16xf32>
      %swap3A_941 = vector.shape_cast %add3A_936 : vector<16xf32> to vector<1x16xf32>
      tpu.vector_store %arg7[%swap3A_937, %swap3A_938], %swap3A_941 {strides = array<i32>} : memref<32x1024xf32, #tpu.memory_space<vmem>>, vector<1x16xf32>,
      %scan3A_942 = arith.constant 0 : i32
      scf.yield %scan3A_942 : i32
    }
    %scan3A_45 = arith.constant 32 : i32
    "tpu.region"() ({
      %run_scoped3A = tpu.sem_alloc : memref<!tpu.dma_semaphore, #tpu.memory_space<semaphore_mem>>
      %dma_start3A_46 = arith.constant 0 : i32
      %dma_start3A_47 = tpu.memref_slice %arg4[%add3A_24, %dma_start3A_46] : memref<2048x1024xf32, #tpu.memory_space<hbm>> -> memref<32x1024xf32, #tpu.memory_space<hbm>>
      %dma_start3A_48 = arith.constant 0 : i32
      %dma_start3A_49 = tpu.memref_slice %arg4[%add3A_24, %dma_start3A_48] : memref<2048x1024xf32, #tpu.memory_space<hbm>> -> memref<32x1024xf32, #tpu.memory_space<hbm>>
      tpu.enqueue_dma source(%arg7 : memref<32x1024xf32, #tpu.memory_space<vmem>>) target(%dma_start3A_49 : memref<32x1024xf32, #tpu.memory_space<hbm>>) target_semaphore(%run_scoped3A : memref<!tpu.dma_semaphore, #tpu.memory_space<semaphore_mem>>)
      %dma_wait3A_50 = arith.constant 0 : i32
      %dma_wait3A_51 = tpu.memref_slice %arg4[%add3A_24, %dma_wait3A_50] : memref<2048x1024xf32, #tpu.memory_space<hbm>> -> memref<32x1024xf32, #tpu.memory_space<hbm>>
      %dma_wait3A_52 = arith.constant 0 : i32
      %dma_wait3A_53 = tpu.memref_slice %arg4[%add3A_24, %dma_wait3A_52] : memref<2048x1024xf32, #tpu.memory_space<hbm>> -> memref<32x1024xf32, #tpu.memory_space<hbm>>
      tpu.wait_dma2 semaphore(%run_scoped3A : memref<!tpu.dma_semaphore, #tpu.memory_space<semaphore_mem>>) src(%arg7 : memref<32x1024xf32, #tpu.memory_space<vmem>>) dst(%dma_wait3A_53 : memref<32x1024xf32, #tpu.memory_space<hbm>>)
      tpu.yield
    }) : () -> ()
    return
  }
}

module attributes {stable_mosaic.version = 14 : i64} {
  func.func @_ffn_body(%arg0: i32, %arg1: i32, %arg2: memref<2048x1024xf32, #tpu.memory_space<vmem>>, %arg3: memref<1024x8xf32, #tpu.memory_space<vmem>>, %arg4: memref<1x1024x1024xf32, #tpu.memory_space<vmem>>, %arg5: memref<1x1024x1024xf32, #tpu.memory_space<vmem>>, %arg6: memref<1x640x1024xf32, #tpu.memory_space<vmem>>, %arg7: memref<2x2048xi32, #tpu.memory_space<vmem>>, %arg8: memref<8x2048xf32, #tpu.memory_space<vmem>>, %arg9: memref<8x2048xf32, #tpu.memory_space<vmem>>, %arg10: memref<640x1024xbf16, #tpu.memory_space<vmem>>, %arg11: memref<640x1xf32, #tpu.memory_space<vmem>>) attributes {dimension_semantics = [#tpu.dimension_semantics<arbitrary>, #tpu.dimension_semantics<arbitrary>], iteration_bounds = array<i64: 8, 2>, scalar_prefetch = 0 : i64, scratch_operands = 4 : i64, tpu.core_type = #tpu.core_type<tc>, window_params = [{pipeline_mode = #tpu.pipeline_mode<synchronous>, transform_indices = @transform_0, window_bounds = array<i64: 2048, 1024>}, {pipeline_mode = #tpu.pipeline_mode<synchronous>, transform_indices = @transform_1, window_bounds = array<i64: 1024, 8>}, {transform_indices = @transform_2, window_bounds = array<i64: 1, 1024, 1024>}, {transform_indices = @transform_3, window_bounds = array<i64: 1, 1024, 1024>}, {transform_indices = @transform_4, window_bounds = array<i64: 1, 640, 1024>}, {pipeline_mode = #tpu.pipeline_mode<synchronous>, transform_indices = @transform_5, window_bounds = array<i64: 2, 2048>}]} {
    %eq3A = arith.constant 0 : i32
    %eq3A_0 = arith.cmpi eq, %arg0, %eq3A : i32
    %eq3A_1 = arith.constant 0 : i32
    %eq3A_2 = arith.cmpi eq, %arg1, %eq3A_1 : i32
    %and3A = arith.andi %eq3A_0, %eq3A_2 : i1
    %convert_element_type3A = arith.extui %and3A : i1 to i32
    %cond3A = arith.constant 0 : i32
    %cond3A_3 = arith.cmpi ne, %convert_element_type3A, %cond3A : i32
    scf.if %cond3A_3 {
      %get3A_42 = arith.constant 0 : index
      %get3A_43 = arith.constant 0 : index
      %get3A_44 = vector.load %arg2[%get3A_42, %get3A_43] : memref<2048x1024xf32, #tpu.memory_space<vmem>>, vector<2048x1024xf32>
      %convert_element_type3A_45 = arith.truncf %get3A_44 : vector<2048x1024xf32> to vector<2048x1024xbf16>
      %get3A_46 = arith.constant 0 : index
      %get3A_47 = arith.constant 0 : index
      %get3A_48 = vector.load %arg3[%get3A_46, %get3A_47] : memref<1024x8xf32, #tpu.memory_space<vmem>>, vector<1024x8xf32>
      %convert_element_type3A_49 = arith.truncf %get3A_48 : vector<1024x8xf32> to vector<1024x8xbf16>
      %dot_general3A_50 = arith.constant dense<0.000000e+00> : vector<8x2048xf32>
      %dot_general3A_51 = tpu.matmul %convert_element_type3A_49, %convert_element_type3A_45, %dot_general3A_50 {dimension_numbers = #tpu.dot_dimension_numbers<[0], [1], [1], [0], [0, 1, 1, 0], [], []>, transpose_lhs_hint = false} : vector<1024x8xbf16>, vector<2048x1024xbf16>, vector<8x2048xf32> -> vector<8x2048xf32>
      %reduce_max3A = arith.constant dense<0xFF800000> : vector<2048xf32>
      %reduce_max3A_52 = vector.multi_reduction <maximumf>, %dot_general3A_51, %reduce_max3A [0] : vector<8x2048xf32> to vector<2048xf32>
      %broadcast_in_dim3A = vector.shape_cast %reduce_max3A_52 : vector<2048xf32> to vector<1x2048xf32>
      %sub3A = vector.broadcast %broadcast_in_dim3A : vector<1x2048xf32> to vector<8x2048xf32>
      %sub3A_53 = arith.subf %dot_general3A_51, %sub3A : vector<8x2048xf32>
      %exp3A = math.exp %sub3A_53 : vector<8x2048xf32>
      %reduce_sum3A = arith.constant dense<0.000000e+00> : vector<2048xf32>
      %reduce_sum3A_54 = vector.multi_reduction <add>, %exp3A, %reduce_sum3A [0] : vector<8x2048xf32> to vector<2048xf32>
      %broadcast_in_dim3A_55 = vector.shape_cast %reduce_sum3A_54 : vector<2048xf32> to vector<1x2048xf32>
      %div3A = vector.broadcast %broadcast_in_dim3A_55 : vector<1x2048xf32> to vector<8x2048xf32>
      %div3A_56 = arith.divf %exp3A, %div3A : vector<8x2048xf32>
      %reduce_max3A_57 = arith.constant dense<0xFF800000> : vector<2048xf32>
      %reduce_max3A_58 = vector.multi_reduction <maximumf>, %div3A_56, %reduce_max3A_57 [0] : vector<8x2048xf32> to vector<2048xf32>
      %broadcast_in_dim3A_59 = vector.shape_cast %reduce_max3A_58 : vector<2048xf32> to vector<1x2048xf32>
      %eq3A_60 = vector.broadcast %broadcast_in_dim3A_59 : vector<1x2048xf32> to vector<8x2048xf32>
      %eq3A_61 = arith.cmpf oeq, %div3A_56, %eq3A_60 : vector<8x2048xf32>
      %jit3A = arith.constant -1.000000e+00 : f32
      %broadcast_in_dim3A_62 = vector.broadcast %jit3A : f32 to vector<8x2048xf32>
      %select_n3A = arith.select %eq3A_61, %broadcast_in_dim3A_62, %div3A_56 : vector<8x2048xi1>, vector<8x2048xf32>
      %reduce_max3A_63 = arith.constant dense<0xFF800000> : vector<2048xf32>
      %reduce_max3A_64 = vector.multi_reduction <maximumf>, %select_n3A, %reduce_max3A_63 [0] : vector<8x2048xf32> to vector<2048xf32>
      %broadcast_in_dim3A_65 = vector.shape_cast %reduce_max3A_64 : vector<2048xf32> to vector<1x2048xf32>
      %ge3A = vector.broadcast %broadcast_in_dim3A_65 : vector<1x2048xf32> to vector<8x2048xf32>
      %ge3A_66 = arith.cmpf oge, %div3A_56, %ge3A : vector<8x2048xf32>
      %add3A = arith.addf %broadcast_in_dim3A_59, %broadcast_in_dim3A_65 : vector<1x2048xf32>
      %div3A_67 = vector.broadcast %add3A : vector<1x2048xf32> to vector<8x2048xf32>
      %div3A_68 = arith.divf %div3A_56, %div3A_67 : vector<8x2048xf32>
      %jit3A_69 = arith.constant 0.000000e+00 : f32
      %broadcast_in_dim3A_70 = vector.broadcast %jit3A_69 : f32 to vector<8x2048xf32>
      %select_n3A_71 = arith.select %ge3A_66, %div3A_68, %broadcast_in_dim3A_70 : vector<8x2048xi1>, vector<8x2048xf32>
      %broadcast_in_dim3A_72 = arith.constant 0.000000e+00 : f32
      %broadcast_in_dim3A_73 = vector.broadcast %broadcast_in_dim3A_72 : f32 to vector<8x1xf32>
      %reduce_max3A_74 = arith.constant dense<0xFF800000> : vector<8xf32>
      %reduce_max3A_75 = vector.multi_reduction <maximumf>, %select_n3A_71, %reduce_max3A_74 [1] : vector<8x2048xf32> to vector<8xf32>
      %broadcast_in_dim3A_76 = vector.shape_cast %reduce_max3A_75 : vector<8xf32> to vector<8x1xf32>
      %add3A_77 = arith.constant 1.000000e+00 : f32
      %add3A_78 = vector.broadcast %add3A_77 : f32 to vector<8x1xf32>
      %add3A_79 = arith.addf %broadcast_in_dim3A_76, %add3A_78 : vector<8x1xf32>
      %scan3A = arith.constant 0 : i32
      %scan3A_80 = arith.constant 40 : i32
      %scan3A_81 = arith.addi %scan3A, %scan3A_80 : i32
      %scan3A_82 = arith.constant 1 : i32
      %scan3A_83:2 = scf.for %scan3A_172 = %scan3A to %scan3A_81 step %scan3A_82 iter_args(%scan3A_173 = %broadcast_in_dim3A_73, %scan3A_174 = %add3A_79) -> (vector<8x1xf32>, vector<8x1xf32>)  : i32 {
        %add3A_175 = arith.addf %scan3A_173, %scan3A_174 : vector<8x1xf32>
        %mul3A_176 = arith.constant 5.000000e-01 : f32
        %mul3A_177 = vector.broadcast %mul3A_176 : f32 to vector<8x1xf32>
        %mul3A_178 = arith.mulf %mul3A_177, %add3A_175 : vector<8x1xf32>
        %ge3A_179 = vector.broadcast %mul3A_178 : vector<8x1xf32> to vector<8x2048xf32>
        %ge3A_180 = arith.cmpf oge, %select_n3A_71, %ge3A_179 : vector<8x2048xf32>
        %convert_element_type3A_181 = arith.extui %ge3A_180 : vector<8x2048xi1> to vector<8x2048xi32>
        %convert_element_type3A_182 = arith.sitofp %convert_element_type3A_181 : vector<8x2048xi32> to vector<8x2048xf32>
        %reduce_sum3A_183 = arith.constant dense<0.000000e+00> : vector<8xf32>
        %reduce_sum3A_184 = vector.multi_reduction <add>, %convert_element_type3A_182, %reduce_sum3A_183 [1] : vector<8x2048xf32> to vector<8xf32>
        %broadcast_in_dim3A_185 = vector.shape_cast %reduce_sum3A_184 : vector<8xf32> to vector<8x1xf32>
        %ge3A_186 = arith.constant 6.400000e+02 : f32
        %ge3A_187 = vector.broadcast %ge3A_186 : f32 to vector<8x1xf32>
        %ge3A_188 = arith.cmpf oge, %broadcast_in_dim3A_185, %ge3A_187 : vector<8x1xf32>
        %select_n3A_189 = arith.select %ge3A_188, %mul3A_178, %scan3A_173 : vector<8x1xi1>, vector<8x1xf32>
        %select_n3A_190 = arith.select %ge3A_188, %scan3A_174, %mul3A_178 : vector<8x1xi1>, vector<8x1xf32>
        scf.yield %select_n3A_189, %select_n3A_190 : vector<8x1xf32>, vector<8x1xf32>
      }
      %ge3A_84 = vector.broadcast %scan3A_83#0 : vector<8x1xf32> to vector<8x2048xf32>
      %ge3A_85 = arith.cmpf oge, %select_n3A_71, %ge3A_84 : vector<8x2048xf32>
      %jit3A_86 = arith.constant 0.000000e+00 : f32
      %broadcast_in_dim3A_87 = vector.broadcast %jit3A_86 : f32 to vector<8x2048xf32>
      %select_n3A_88 = arith.select %ge3A_85, %select_n3A_71, %broadcast_in_dim3A_87 : vector<8x2048xi1>, vector<8x2048xf32>
      %gt3A = arith.constant 0.000000e+00 : f32
      %gt3A_89 = vector.broadcast %gt3A : f32 to vector<8x2048xf32>
      %gt3A_90 = arith.cmpf ogt, %select_n3A_88, %gt3A_89 : vector<8x2048xf32>
      %convert_element_type3A_91 = arith.extui %gt3A_90 : vector<8x2048xi1> to vector<8x2048xi32>
      %convert_element_type3A_92 = arith.sitofp %convert_element_type3A_91 : vector<8x2048xi32> to vector<8x2048xf32>
      %iota3A = tpu.iota {dimensions = array<i32: 0>} : vector<2048x2048xi32>
      %iota3A_93 = tpu.iota {dimensions = array<i32: 1>} : vector<2048x2048xi32>
      %le3A = arith.cmpi sle, %iota3A, %iota3A_93 : vector<2048x2048xi32>
      %convert_element_type3A_94 = arith.extui %le3A : vector<2048x2048xi1> to vector<2048x2048xi32>
      %convert_element_type3A_95 = arith.sitofp %convert_element_type3A_94 : vector<2048x2048xi32> to vector<2048x2048xf32>
      %convert_element_type3A_96 = arith.truncf %convert_element_type3A_95 : vector<2048x2048xf32> to vector<2048x2048xbf16>
      %convert_element_type3A_97 = arith.truncf %convert_element_type3A_92 : vector<8x2048xf32> to vector<8x2048xbf16>
      %dot_general3A_98 = arith.constant dense<0.000000e+00> : vector<8x2048xf32>
      %dot_general3A_99 = tpu.matmul %convert_element_type3A_97, %convert_element_type3A_96, %dot_general3A_98 {dimension_numbers = #tpu.dot_dimension_numbers<[1], [0], [0], [1], [0, 0, 1, 1], [], []>, transpose_lhs_hint = false} : vector<8x2048xbf16>, vector<2048x2048xbf16>, vector<8x2048xf32> -> vector<8x2048xf32>
      %le3A_100 = arith.constant 6.400000e+02 : f32
      %le3A_101 = vector.broadcast %le3A_100 : f32 to vector<8x2048xf32>
      %le3A_102 = arith.cmpf ole, %dot_general3A_99, %le3A_101 : vector<8x2048xf32>
      %convert_element_type3A_103 = arith.extui %le3A_102 : vector<8x2048xi1> to vector<8x2048xi32>
      %convert_element_type3A_104 = arith.sitofp %convert_element_type3A_103 : vector<8x2048xi32> to vector<8x2048xf32>
      %mul3A_105 = arith.mulf %convert_element_type3A_92, %convert_element_type3A_104 : vector<8x2048xf32>
      %swap3A = arith.constant 0 : index
      %swap3A_106 = arith.constant 0 : index
      %swap3A_107 = vector.load %arg8[%swap3A, %swap3A_106] : memref<8x2048xf32, #tpu.memory_space<vmem>>, vector<8x2048xf32>
      tpu.vector_store %arg8[%swap3A, %swap3A_106], %dot_general3A_99 {strides = array<i32>} : memref<8x2048xf32, #tpu.memory_space<vmem>>, vector<8x2048xf32>,
      %gt3A_108 = arith.constant 0.000000e+00 : f32
      %gt3A_109 = vector.broadcast %gt3A_108 : f32 to vector<8x2048xf32>
      %gt3A_110 = arith.cmpf ogt, %mul3A_105, %gt3A_109 : vector<8x2048xf32>
      %jit3A_111 = arith.constant 0.000000e+00 : f32
      %broadcast_in_dim3A_112 = vector.broadcast %jit3A_111 : f32 to vector<8x2048xf32>
      %select_n3A_113 = arith.select %gt3A_110, %select_n3A_88, %broadcast_in_dim3A_112 : vector<8x2048xi1>, vector<8x2048xf32>
      %swap3A_114 = arith.constant 0 : index
      %swap3A_115 = arith.constant 0 : index
      %swap3A_116 = vector.load %arg9[%swap3A_114, %swap3A_115] : memref<8x2048xf32, #tpu.memory_space<vmem>>, vector<8x2048xf32>
      tpu.vector_store %arg9[%swap3A_114, %swap3A_115], %select_n3A_113 {strides = array<i32>} : memref<8x2048xf32, #tpu.memory_space<vmem>>, vector<8x2048xf32>,
      %iota3A_117 = tpu.iota {dimensions = array<i32: 0>} : vector<8x1xi32>
      %convert_element_type3A_118 = arith.sitofp %iota3A_117 : vector<8x1xi32> to vector<8x1xf32>
      %slice3A = vector.extract_strided_slice %dot_general3A_99 {offsets = [0, 2047], sizes = [8, 1], strides = [1, 1]} : vector<8x2048xf32> to vector<8x1xf32>
      %reduce_min3A = arith.constant dense<0x7F800000> : vector<1xf32>
      %reduce_min3A_119 = vector.multi_reduction <minimumf>, %slice3A, %reduce_min3A [0] : vector<8x1xf32> to vector<1xf32>
      %broadcast_in_dim3A_120 = vector.shape_cast %reduce_min3A_119 : vector<1xf32> to vector<1x1xf32>
      %eq3A_121 = vector.broadcast %broadcast_in_dim3A_120 : vector<1x1xf32> to vector<8x1xf32>
      %eq3A_122 = arith.cmpf oeq, %slice3A, %eq3A_121 : vector<8x1xf32>
      %jit3A_123 = arith.constant 8.000000e+00 : f32
      %broadcast_in_dim3A_124 = vector.broadcast %jit3A_123 : f32 to vector<8x1xf32>
      %select_n3A_125 = arith.select %eq3A_122, %convert_element_type3A_118, %broadcast_in_dim3A_124 : vector<8x1xi1>, vector<8x1xf32>
      %reduce_min3A_126 = arith.constant dense<0x7F800000> : vector<1xf32>
      %reduce_min3A_127 = vector.multi_reduction <minimumf>, %select_n3A_125, %reduce_min3A_126 [0] : vector<8x1xf32> to vector<1xf32>
      %broadcast_in_dim3A_128 = vector.shape_cast %reduce_min3A_127 : vector<1xf32> to vector<1x1xf32>
      %mul3A_129 = arith.constant 6.400000e+02 : f32
      %mul3A_130 = vector.broadcast %mul3A_129 : f32 to vector<1x1xf32>
      %mul3A_131 = arith.mulf %broadcast_in_dim3A_128, %mul3A_130 : vector<1x1xf32>
      %add3A_132 = arith.constant 6.390000e+02 : f32
      %add3A_133 = vector.broadcast %add3A_132 : f32 to vector<1x1xf32>
      %add3A_134 = arith.addf %mul3A_131, %add3A_133 : vector<1x1xf32>
      %gt3A_135 = arith.constant 0.000000e+00 : f32
      %gt3A_136 = vector.broadcast %gt3A_135 : f32 to vector<8x2048xf32>
      %gt3A_137 = arith.cmpf ogt, %mul3A_105, %gt3A_136 : vector<8x2048xf32>
      %mul3A_138 = arith.constant 6.400000e+02 : f32
      %mul3A_139 = vector.broadcast %mul3A_138 : f32 to vector<8x1xf32>
      %mul3A_140 = arith.mulf %convert_element_type3A_118, %mul3A_139 : vector<8x1xf32>
      %add3A_141 = vector.broadcast %mul3A_140 : vector<8x1xf32> to vector<8x2048xf32>
      %add3A_142 = arith.addf %add3A_141, %dot_general3A_99 : vector<8x2048xf32>
      %sub3A_143 = arith.constant 1.000000e+00 : f32
      %sub3A_144 = vector.broadcast %sub3A_143 : f32 to vector<8x2048xf32>
      %sub3A_145 = arith.subf %add3A_142, %sub3A_144 : vector<8x2048xf32>
      %broadcast_in_dim3A_146 = vector.shape_cast %add3A_134 : vector<1x1xf32> to vector<1x1xf32>
      %broadcast_in_dim3A_147 = vector.broadcast %broadcast_in_dim3A_146 : vector<1x1xf32> to vector<8x2048xf32>
      %select_n3A_148 = arith.select %gt3A_137, %sub3A_145, %broadcast_in_dim3A_147 : vector<8x2048xi1>, vector<8x2048xf32>
      %eq3A_149 = vector.broadcast %broadcast_in_dim3A_59 : vector<1x2048xf32> to vector<8x2048xf32>
      %eq3A_150 = arith.cmpf oeq, %div3A_56, %eq3A_149 : vector<8x2048xf32>
      %convert_element_type3A_151 = arith.extui %eq3A_150 : vector<8x2048xi1> to vector<8x2048xi32>
      %convert_element_type3A_152 = arith.sitofp %convert_element_type3A_151 : vector<8x2048xi32> to vector<8x2048xf32>
      %ge3A_153 = vector.broadcast %broadcast_in_dim3A_65 : vector<1x2048xf32> to vector<8x2048xf32>
      %ge3A_154 = arith.cmpf oge, %div3A_56, %ge3A_153 : vector<8x2048xf32>
      %ne3A_155 = vector.broadcast %broadcast_in_dim3A_59 : vector<1x2048xf32> to vector<8x2048xf32>
      %ne3A_156 = arith.cmpf one, %div3A_56, %ne3A_155 : vector<8x2048xf32>
      %and3A_157 = arith.andi %ge3A_154, %ne3A_156 : vector<8x2048xi1>
      %convert_element_type3A_158 = arith.extui %and3A_157 : vector<8x2048xi1> to vector<8x2048xi32>
      %convert_element_type3A_159 = arith.sitofp %convert_element_type3A_158 : vector<8x2048xi32> to vector<8x2048xf32>
      %mul3A_160 = arith.mulf %convert_element_type3A_152, %select_n3A_148 : vector<8x2048xf32>
      %reduce_sum3A_161 = arith.constant dense<0.000000e+00> : vector<2048xf32>
      %reduce_sum3A_162 = vector.multi_reduction <add>, %mul3A_160, %reduce_sum3A_161 [0] : vector<8x2048xf32> to vector<2048xf32>
      %broadcast_in_dim3A_163 = vector.shape_cast %reduce_sum3A_162 : vector<2048xf32> to vector<1x2048xf32>
      %mul3A_164 = arith.mulf %convert_element_type3A_159, %select_n3A_148 : vector<8x2048xf32>
      %reduce_sum3A_165 = arith.constant dense<0.000000e+00> : vector<2048xf32>
      %reduce_sum3A_166 = vector.multi_reduction <add>, %mul3A_164, %reduce_sum3A_165 [0] : vector<8x2048xf32> to vector<2048xf32>
      %broadcast_in_dim3A_167 = vector.shape_cast %reduce_sum3A_166 : vector<2048xf32> to vector<1x2048xf32>
      %concatenate3A = tpu.concatenate %broadcast_in_dim3A_163, %broadcast_in_dim3A_167 in 0 : vector<1x2048xf32>, vector<1x2048xf32> -> vector<2x2048xf32>
      %convert_element_type3A_168 = arith.fptosi %concatenate3A : vector<2x2048xf32> to vector<2x2048xi32>
      %swap3A_169 = arith.constant 0 : index
      %swap3A_170 = arith.constant 0 : index
      %swap3A_171 = vector.load %arg7[%swap3A_169, %swap3A_170] : memref<2x2048xi32, #tpu.memory_space<vmem>>, vector<2x2048xi32>
      tpu.vector_store %arg7[%swap3A_169, %swap3A_170], %convert_element_type3A_168 {strides = array<i32>} : memref<2x2048xi32, #tpu.memory_space<vmem>>, vector<2x2048xi32>,
    } else {
    }
    %eq3A_4 = arith.constant 0 : i32
    %eq3A_5 = arith.cmpi eq, %arg1, %eq3A_4 : i32
    %convert_element_type3A_6 = arith.extui %eq3A_5 : i1 to i32
    %cond3A_7 = arith.constant 0 : i32
    %cond3A_8 = arith.cmpi ne, %convert_element_type3A_6, %cond3A_7 : i32
    scf.if %cond3A_8 {
      %iota3A = tpu.iota {dimensions = array<i32: 1>} : vector<1x8xi32>
      %eq3A_42 = vector.broadcast %arg0 : i32 to vector<1x8xi32>
      %eq3A_43 = arith.cmpi eq, %iota3A, %eq3A_42 : vector<1x8xi32>
      %convert_element_type3A_44 = arith.extui %eq3A_43 : vector<1x8xi1> to vector<1x8xi32>
      %convert_element_type3A_45 = arith.sitofp %convert_element_type3A_44 : vector<1x8xi32> to vector<1x8xf32>
      %convert_element_type3A_46 = arith.truncf %convert_element_type3A_45 : vector<1x8xf32> to vector<1x8xbf16>
      %get3A_47 = arith.constant 0 : index
      %get3A_48 = arith.constant 0 : index
      %get3A_49 = vector.load %arg8[%get3A_47, %get3A_48] : memref<8x2048xf32, #tpu.memory_space<vmem>>, vector<8x2048xf32>
      %mul3A_50 = arith.constant 1.562500e-02 : f32
      %mul3A_51 = vector.broadcast %mul3A_50 : f32 to vector<8x2048xf32>
      %mul3A_52 = arith.mulf %get3A_49, %mul3A_51 : vector<8x2048xf32>
      %floor3A = math.floor %mul3A_52 : vector<8x2048xf32>
      %mul3A_53 = arith.constant 6.400000e+01 : f32
      %mul3A_54 = vector.broadcast %mul3A_53 : f32 to vector<8x2048xf32>
      %mul3A_55 = arith.mulf %mul3A_54, %floor3A : vector<8x2048xf32>
      %sub3A = arith.subf %get3A_49, %mul3A_55 : vector<8x2048xf32>
      %convert_element_type3A_56 = arith.truncf %floor3A : vector<8x2048xf32> to vector<8x2048xbf16>
      %dot_general3A_57 = arith.constant dense<0.000000e+00> : vector<1x2048xf32>
      %dot_general3A_58 = tpu.matmul %convert_element_type3A_46, %convert_element_type3A_56, %dot_general3A_57 {dimension_numbers = #tpu.dot_dimension_numbers<[1], [0], [0], [1], [0, 0, 1, 1], [], []>, transpose_lhs_hint = false} : vector<1x8xbf16>, vector<8x2048xbf16>, vector<1x2048xf32> -> vector<1x2048xf32>
      %mul3A_59 = arith.constant 6.400000e+01 : f32
      %mul3A_60 = vector.broadcast %mul3A_59 : f32 to vector<1x2048xf32>
      %mul3A_61 = arith.mulf %mul3A_60, %dot_general3A_58 : vector<1x2048xf32>
      %convert_element_type3A_62 = arith.truncf %sub3A : vector<8x2048xf32> to vector<8x2048xbf16>
      %dot_general3A_63 = arith.constant dense<0.000000e+00> : vector<1x2048xf32>
      %dot_general3A_64 = tpu.matmul %convert_element_type3A_46, %convert_element_type3A_62, %dot_general3A_63 {dimension_numbers = #tpu.dot_dimension_numbers<[1], [0], [0], [1], [0, 0, 1, 1], [], []>, transpose_lhs_hint = false} : vector<1x8xbf16>, vector<8x2048xbf16>, vector<1x2048xf32> -> vector<1x2048xf32>
      %add3A = arith.addf %mul3A_61, %dot_general3A_64 : vector<1x2048xf32>
      %get3A_65 = arith.constant 0 : index
      %get3A_66 = arith.constant 0 : index
      %get3A_67 = vector.load %arg9[%get3A_65, %get3A_66] : memref<8x2048xf32, #tpu.memory_space<vmem>>, vector<8x2048xf32>
      %convert_element_type3A_68 = arith.truncf %get3A_67 : vector<8x2048xf32> to vector<8x2048xbf16>
      %convert_element_type3A_69 = arith.extf %convert_element_type3A_68 : vector<8x2048xbf16> to vector<8x2048xf32>
      %convert_element_type3A_70 = arith.truncf %convert_element_type3A_69 : vector<8x2048xf32> to vector<8x2048xbf16>
      %dot_general3A_71 = arith.constant dense<0.000000e+00> : vector<1x2048xf32>
      %dot_general3A_72 = tpu.matmul %convert_element_type3A_46, %convert_element_type3A_70, %dot_general3A_71 {dimension_numbers = #tpu.dot_dimension_numbers<[1], [0], [0], [1], [0, 0, 1, 1], [], []>, transpose_lhs_hint = false} : vector<1x8xbf16>, vector<8x2048xbf16>, vector<1x2048xf32> -> vector<1x2048xf32>
      %sub3A_73 = arith.subf %get3A_67, %convert_element_type3A_69 : vector<8x2048xf32>
      %convert_element_type3A_74 = arith.truncf %sub3A_73 : vector<8x2048xf32> to vector<8x2048xbf16>
      %dot_general3A_75 = arith.constant dense<0.000000e+00> : vector<1x2048xf32>
      %dot_general3A_76 = tpu.matmul %convert_element_type3A_46, %convert_element_type3A_74, %dot_general3A_75 {dimension_numbers = #tpu.dot_dimension_numbers<[1], [0], [0], [1], [0, 0, 1, 1], [], []>, transpose_lhs_hint = false} : vector<1x8xbf16>, vector<8x2048xbf16>, vector<1x2048xf32> -> vector<1x2048xf32>
      %add3A_77 = arith.addf %dot_general3A_72, %dot_general3A_76 : vector<1x2048xf32>
      %iota3A_78 = tpu.iota {dimensions = array<i32: 0>} : vector<640x1xi32>
      %convert_element_type3A_79 = arith.sitofp %iota3A_78 : vector<640x1xi32> to vector<640x1xf32>
      %add3A_80 = arith.constant 1.000000e+00 : f32
      %add3A_81 = vector.broadcast %add3A_80 : f32 to vector<640x1xf32>
      %add3A_82 = arith.addf %convert_element_type3A_79, %add3A_81 : vector<640x1xf32>
      %eq3A_83 = vector.broadcast %add3A_82 : vector<640x1xf32> to vector<640x2048xf32>
      %eq3A_84 = vector.broadcast %add3A : vector<1x2048xf32> to vector<640x2048xf32>
      %eq3A_85 = arith.cmpf oeq, %eq3A_83, %eq3A_84 : vector<640x2048xf32>
      %gt3A = arith.constant 0.000000e+00 : f32
      %gt3A_86 = vector.broadcast %gt3A : f32 to vector<1x2048xf32>
      %gt3A_87 = arith.cmpf ogt, %add3A_77, %gt3A_86 : vector<1x2048xf32>
      %and3A_88 = vector.broadcast %gt3A_87 : vector<1x2048xi1> to vector<640x2048xi1>
      %and3A_89 = arith.andi %eq3A_85, %and3A_88 : vector<640x2048xi1>
      %jit3A = arith.constant 1.000000e+00 : f32
      %jit3A_90 = arith.constant 0.000000e+00 : f32
      %broadcast_in_dim3A = vector.broadcast %jit3A : f32 to vector<640x2048xf32>
      %broadcast_in_dim3A_91 = vector.broadcast %jit3A_90 : f32 to vector<640x2048xf32>
      %select_n3A = arith.select %and3A_89, %broadcast_in_dim3A, %broadcast_in_dim3A_91 : vector<640x2048xi1>, vector<640x2048xf32>
      %convert_element_type3A_92 = arith.truncf %select_n3A : vector<640x2048xf32> to vector<640x2048xbf16>
      %get3A_93 = arith.constant 0 : index
      %get3A_94 = arith.constant 0 : index
      %get3A_95 = vector.load %arg2[%get3A_93, %get3A_94] : memref<2048x1024xf32, #tpu.memory_space<vmem>>, vector<2048x1024xf32>
      %convert_element_type3A_96 = arith.truncf %get3A_95 : vector<2048x1024xf32> to vector<2048x1024xbf16>
      %dot_general3A_97 = arith.constant dense<0.000000e+00> : vector<640x1024xf32>
      %dot_general3A_98 = tpu.matmul %convert_element_type3A_92, %convert_element_type3A_96, %dot_general3A_97 {dimension_numbers = #tpu.dot_dimension_numbers<[1], [0], [0], [1], [0, 0, 1, 1], [], []>, transpose_lhs_hint = false} : vector<640x2048xbf16>, vector<2048x1024xbf16>, vector<640x1024xf32> -> vector<640x1024xf32>
      %convert_element_type3A_99 = arith.truncf %dot_general3A_98 : vector<640x1024xf32> to vector<640x1024xbf16>
      %swap3A = arith.constant 0 : index
      %swap3A_100 = arith.constant 0 : index
      %swap3A_101 = vector.load %arg10[%swap3A, %swap3A_100] : memref<640x1024xbf16, #tpu.memory_space<vmem>>, vector<640x1024xbf16>
      tpu.vector_store %arg10[%swap3A, %swap3A_100], %convert_element_type3A_99 {strides = array<i32>} : memref<640x1024xbf16, #tpu.memory_space<vmem>>, vector<640x1024xbf16>,
      %convert_element_type3A_102 = arith.truncf %add3A_77 : vector<1x2048xf32> to vector<1x2048xbf16>
      %convert_element_type3A_103 = arith.extf %convert_element_type3A_102 : vector<1x2048xbf16> to vector<1x2048xf32>
      %sub3A_104 = arith.subf %add3A_77, %convert_element_type3A_103 : vector<1x2048xf32>
      %concatenate3A = tpu.concatenate %convert_element_type3A_103, %sub3A_104 in 0 : vector<1x2048xf32>, vector<1x2048xf32> -> vector<2x2048xf32>
      %convert_element_type3A_105 = arith.truncf %concatenate3A : vector<2x2048xf32> to vector<2x2048xbf16>
      %dot_general3A_106 = arith.constant dense<0.000000e+00> : vector<640x2xf32>
      %dot_general3A_107 = tpu.matmul %convert_element_type3A_92, %convert_element_type3A_105, %dot_general3A_106 {dimension_numbers = #tpu.dot_dimension_numbers<[1], [1], [0], [0], [0, 0, 1, 0], [], []>, transpose_lhs_hint = false} : vector<640x2048xbf16>, vector<2x2048xbf16>, vector<640x2xf32> -> vector<640x2xf32>
      %slice3A = vector.extract_strided_slice %dot_general3A_107 {offsets = [0, 0], sizes = [640, 1], strides = [1, 1]} : vector<640x2xf32> to vector<640x1xf32>
      %slice3A_108 = vector.extract_strided_slice %dot_general3A_107 {offsets = [0, 1], sizes = [640, 1], strides = [1, 1]} : vector<640x2xf32> to vector<640x1xf32>
      %add3A_109 = arith.addf %slice3A, %slice3A_108 : vector<640x1xf32>
      %swap3A_110 = arith.constant 0 : index
      %swap3A_111 = arith.constant 0 : index
      %swap3A_112 = vector.load %arg11[%swap3A_110, %swap3A_111] : memref<640x1xf32, #tpu.memory_space<vmem>>, vector<640x1xf32>
      tpu.vector_store %arg11[%swap3A_110, %swap3A_111], %add3A_109 {strides = array<i32>} : memref<640x1xf32, #tpu.memory_space<vmem>>, vector<640x1xf32>,
    } else {
    }
    %get3A = arith.constant 0 : index
    %get3A_9 = arith.constant 0 : index
    %get3A_10 = vector.load %arg10[%get3A, %get3A_9] : memref<640x1024xbf16, #tpu.memory_space<vmem>>, vector<640x1024xbf16>
    %get3A_11 = arith.constant 0 : index
    %get3A_12 = arith.constant 0 : index
    %get3A_13 = arith.constant 0 : index
    %get3A_14 = vector.load %arg4[%get3A_11, %get3A_12, %get3A_13] : memref<1x1024x1024xf32, #tpu.memory_space<vmem>>, vector<1x1024x1024xf32>
    %get3A_15 = vector.shape_cast %get3A_14 : vector<1x1024x1024xf32> to vector<1024x1024xf32>
    %convert_element_type3A_16 = arith.truncf %get3A_15 : vector<1024x1024xf32> to vector<1024x1024xbf16>
    %dot_general3A = arith.constant dense<0.000000e+00> : vector<640x1024xf32>
    %dot_general3A_17 = tpu.matmul %get3A_10, %convert_element_type3A_16, %dot_general3A {dimension_numbers = #tpu.dot_dimension_numbers<[1], [0], [0], [1], [0, 0, 1, 1], [], []>, transpose_lhs_hint = false} : vector<640x1024xbf16>, vector<1024x1024xbf16>, vector<640x1024xf32> -> vector<640x1024xf32>
    %max3A = arith.constant 0.000000e+00 : f32
    %max3A_18 = vector.broadcast %max3A : f32 to vector<640x1024xf32>
    %max3A_19 = arith.maximumf %dot_general3A_17, %max3A_18 : vector<640x1024xf32>
    %get3A_20 = arith.constant 0 : index
    %get3A_21 = arith.constant 0 : index
    %get3A_22 = vector.load %arg11[%get3A_20, %get3A_21] : memref<640x1xf32, #tpu.memory_space<vmem>>, vector<640x1xf32>
    %mul3A = vector.broadcast %get3A_22 : vector<640x1xf32> to vector<640x1024xf32>
    %mul3A_23 = arith.mulf %max3A_19, %mul3A : vector<640x1024xf32>
    %convert_element_type3A_24 = arith.truncf %mul3A_23 : vector<640x1024xf32> to vector<640x1024xbf16>
    %get3A_25 = arith.constant 0 : index
    %get3A_26 = arith.constant 0 : index
    %get3A_27 = arith.constant 0 : index
    %get3A_28 = vector.load %arg5[%get3A_25, %get3A_26, %get3A_27] : memref<1x1024x1024xf32, #tpu.memory_space<vmem>>, vector<1x1024x1024xf32>
    %get3A_29 = vector.shape_cast %get3A_28 : vector<1x1024x1024xf32> to vector<1024x1024xf32>
    %convert_element_type3A_30 = arith.truncf %get3A_29 : vector<1024x1024xf32> to vector<1024x1024xbf16>
    %dot_general3A_31 = arith.constant dense<0.000000e+00> : vector<640x1024xf32>
    %dot_general3A_32 = tpu.matmul %convert_element_type3A_24, %convert_element_type3A_30, %dot_general3A_31 {dimension_numbers = #tpu.dot_dimension_numbers<[1], [0], [0], [1], [0, 0, 1, 1], [], []>, transpose_lhs_hint = false} : vector<640x1024xbf16>, vector<1024x1024xbf16>, vector<640x1024xf32> -> vector<640x1024xf32>
    %eq3A_33 = arith.constant 0 : i32
    %eq3A_34 = arith.cmpi eq, %arg1, %eq3A_33 : i32
    %convert_element_type3A_35 = arith.extui %eq3A_34 : i1 to i32
    %cond3A_36 = arith.constant 0 : i32
    %cond3A_37 = arith.cmpi ne, %convert_element_type3A_35, %cond3A_36 : i32
    scf.if %cond3A_37 {
      %swap3A = arith.constant 0 : index
      %swap3A_42 = arith.constant 0 : index
      %swap3A_43 = arith.constant 0 : index
      %swap3A_44 = vector.load %arg6[%swap3A, %swap3A_42, %swap3A_43] : memref<1x640x1024xf32, #tpu.memory_space<vmem>>, vector<1x640x1024xf32>
      %swap3A_45 = vector.shape_cast %swap3A_44 : vector<1x640x1024xf32> to vector<640x1024xf32>
      %swap3A_46 = vector.shape_cast %dot_general3A_32 : vector<640x1024xf32> to vector<1x640x1024xf32>
      tpu.vector_store %arg6[%swap3A, %swap3A_42, %swap3A_43], %swap3A_46 {strides = array<i32>} : memref<1x640x1024xf32, #tpu.memory_space<vmem>>, vector<1x640x1024xf32>,
    } else {
    }
    %ne3A = arith.constant 0 : i32
    %ne3A_38 = arith.cmpi ne, %arg1, %ne3A : i32
    %convert_element_type3A_39 = arith.extui %ne3A_38 : i1 to i32
    %cond3A_40 = arith.constant 0 : i32
    %cond3A_41 = arith.cmpi ne, %convert_element_type3A_39, %cond3A_40 : i32
    scf.if %cond3A_41 {
      %get3A_42 = arith.constant 0 : index
      %get3A_43 = arith.constant 0 : index
      %get3A_44 = arith.constant 0 : index
      %get3A_45 = vector.load %arg6[%get3A_42, %get3A_43, %get3A_44] : memref<1x640x1024xf32, #tpu.memory_space<vmem>>, vector<1x640x1024xf32>
      %get3A_46 = vector.shape_cast %get3A_45 : vector<1x640x1024xf32> to vector<640x1024xf32>
      %add3A = arith.addf %get3A_46, %dot_general3A_32 : vector<640x1024xf32>
      %swap3A = arith.constant 0 : index
      %swap3A_47 = arith.constant 0 : index
      %swap3A_48 = arith.constant 0 : index
      %swap3A_49 = vector.load %arg6[%swap3A, %swap3A_47, %swap3A_48] : memref<1x640x1024xf32, #tpu.memory_space<vmem>>, vector<1x640x1024xf32>
      %swap3A_50 = vector.shape_cast %swap3A_49 : vector<1x640x1024xf32> to vector<640x1024xf32>
      %swap3A_51 = vector.shape_cast %add3A : vector<640x1024xf32> to vector<1x640x1024xf32>
      tpu.vector_store %arg6[%swap3A, %swap3A_47, %swap3A_48], %swap3A_51 {strides = array<i32>} : memref<1x640x1024xf32, #tpu.memory_space<vmem>>, vector<1x640x1024xf32>,
    } else {
    }
    return
  }
  func.func @transform_0(%arg0: i32, %arg1: i32) -> (i32, i32) {
    %c0_i32 = arith.constant 0 : i32
    %c0_i32_0 = arith.constant 0 : i32
    %c0_i32_1 = arith.constant 0 : i32
    return %c0_i32, %c0_i32_0 : i32, i32
  }
  func.func @transform_1(%arg0: i32, %arg1: i32) -> (i32, i32) {
    %c0_i32 = arith.constant 0 : i32
    %c0_i32_0 = arith.constant 0 : i32
    %c0_i32_1 = arith.constant 0 : i32
    return %c0_i32, %c0_i32_0 : i32, i32
  }
  func.func @transform_2(%arg0: i32, %arg1: i32) -> (i32, i32, i32) {
    %c0_i32 = arith.constant 0 : i32
    %c0_i32_0 = arith.constant 0 : i32
    return %arg0, %c0_i32, %arg1 : i32, i32, i32
  }
  func.func @transform_3(%arg0: i32, %arg1: i32) -> (i32, i32, i32) {
    %c0_i32 = arith.constant 0 : i32
    %c0_i32_0 = arith.constant 0 : i32
    return %arg0, %arg1, %c0_i32 : i32, i32, i32
  }
  func.func @transform_4(%arg0: i32, %arg1: i32) -> (i32, i32, i32) {
    %c0_i32 = arith.constant 0 : i32
    %c0_i32_0 = arith.constant 0 : i32
    %c0_i32_1 = arith.constant 0 : i32
    return %arg0, %c0_i32, %c0_i32_0 : i32, i32, i32
  }
  func.func @transform_5(%arg0: i32, %arg1: i32) -> (i32, i32) {
    %c0_i32 = arith.constant 0 : i32
    %c0_i32_0 = arith.constant 0 : i32
    %c0_i32_1 = arith.constant 0 : i32
    return %c0_i32, %c0_i32_0 : i32, i32
  }
}

</mosaic_0001>

<sc_bundles>
// kernel: kernel.4.cloned.1.call-start
scs
__scs_entry_jumppad:
0x0: {  	(pc) =	sbr.rel $0x88, $3  }
0x1: {  	(tag) =	ssettag $0x0;
	lr =	simm.s32 $0x1  }
0x2: {  	[smem:$0x3F9D] =	sst lr;
	_ =	strace $0xD0000000  }
0x3: {  	_ = 	snop  }
0x4: {  	_ = 	snop  }
0x5: {  	_ = 	snop  }
0x6: {  	_ = 	snop  }
0x7: {  	_ = 	snop  }
__scs_overlays_trampoline_lowered:
0x8: {  	[smem:$0x3FAC] =	sst s0  }
0x9: {  	[smem:$0x3FAD] =	sst s1  }
0xa: {  	[smem:$0x3FAE] =	sst s2  }
0xb: {  	[smem:$0x3FAF] =	sst s3  }
0xc: {  	[smem:$0x3FB0] =	sst s4  }
0xd: {  	[smem:$0x3FB1] =	sst s5  }
0xe: {  	[smem:$0x3FB2] =	sst s6  }
0xf: {  	[smem:$0x3FB3] =	sst s7  }
0x10: {  	[smem:$0x3FB4] =	sst s8  }
0x11: {  	[smem:$0x3FB5] =	sst s9;
	s0 =	simm.s32 @!p0 $0x0  }
0x12: {  	s1 =	sld [smem:$0x3F9B];
	s0 =	simm.s32 @p0 $0x1  }
0x13: {  	[smem:$0x3FB6] =	sst s0;
	s0 =	simm.s32 @!p1 $0x0  }
0x14: {  	s2 =	sld [smem:$0x3F9A];
	s0 =	simm.s32 @p1 $0x1  }
0x15: {  	[smem:$0x3FB7] =	sst s0;
	s0 =	simm.s32 @!p2 $0x0  }
0x16: {  	s3 =	sld [smem:$0x3FDB];
	s0 =	simm.s32 @p2 $0x1  }
0x17: {  	s4 =	simm.s32 $0x1BF5;
	[smem:$0x3FB9] =	sst s0  }
0x18: {  	s0 =	sld [smem:$0x3F9C];
	_ =	swait.ge [sflag:s4], $0x0  }
0x19: {  	s7 =	sld [smem:$0x3F9D]  }
0x1a: {  	s8 =	sadd.s32 $0xFFFFE003, lr  }
0x1b: {  	s9 =	sadd.s32 $0xFFFFFEF7, lr;
	s5 =	simm.s32 $0xFFFFFFFF;
	p2 =	slt.u32 s8, $0xFFFFF086  }
0x1c: {  	p1 =	slt.u32 s9, $0xF7A;
	s5 =	simm.s32 @!p2 $0x0  }
0x1d: {  	s5 =	simm.s32 @p1 $0x1;
	p0 =	seq.s32 s7, s2  }
0x1e: {  	s7 =	smul.u32 @!p0 $0xF7A, s2;
	p2 =	seq.s32 @!p0 s5, $0x0  }
0x1f: {  	s9 =	smul.u32 $0xF7A, s1;
	s8 =	simm.s32 @!p0 $0x1BF5;
	p2 =	por !p2, p0  }
0x20: {  	[sflag:s8] =	ssyncset.s32 @!p0 $0xFFFFF086;
	s6 =	sadd.s32 @!p0 s3, s7;
	s7 =	simm.s32 @!p0 $0x108  }
0x21: {  	s3 =	sadd.s32 s3, s9;
	s6 =	sadd.s32 @!p0 $0x88, s6;
	s7 =	simm.s32 @p2 $0x1082  }
0x22: {  	[simem:s7], [sflag:s8] =	dma.local @!p0 [hbm:s6], $0xF7A  }
0x23: {  	s9 =	sor.u32 $0xD0000000, s2;
	s6 =	simm.s32 $0x108;
	_ =	swait.ge @!p0 [sflag:s8], $0x0  }
0x24: {  	s3 =	sadd.s32 $0x88, s3;
	s6 =	simm.s32 @!p1 $0x1082;
	[sflag:s4] =	ssyncset.s32 $0xFFFFF086  }
0x25: {  	[simem:s6], [sflag:s4] =	dma.local [hbm:s3], $0xF7A  }
0x26: {  	[smem:$0x3F9D] =	sst s1;
	(tag) =	ssettag s2;
	_ =	strace s9  }
0x27: {  	s1 =	sld [smem:$0x3FAD]  }
0x28: {  	s2 =	sld [smem:$0x3FAE]  }
0x29: {  	s4 =	sld [smem:$0x3FB0]  }
0x2a: {  	p0 =	seq.s32 s5, $0x0;
	s5 =	sld [smem:$0x3FB1]  }
0x2b: {  	s6 =	sld [smem:$0x3FB2]  }
0x2c: {  	s7 =	sld [smem:$0x3FB3]  }
0x2d: {  	s3 =	simm.s32 $0x108;
	s8 =	sld [smem:$0x3FB4]  }
0x2e: {  	s3 =	simm.s32 @!p0 $0x1082;
	s9 =	sld [smem:$0x3FB5]  }
0x2f: {  	lr =	sadd.s32 s0, s3;
	s0 =	sld [smem:$0x3FAC]  }
0x30: {  	s3 =	sld [smem:$0x3FAF]  }
0x31: {  	[smem:$0x3FB8] =	sst s10  }
0x32: {  	s10 =	sld [smem:$0x3FB6];
	_ =	sdelay $0x3  }
0x33: {  	p0 =	seq.s32 s10, $0x1;
	s10 =	sld [smem:$0x3FB8];
	_ =	sdelay $0x3  }
0x34: {  	[smem:$0x3FB8] =	sst s10  }
0x35: {  	s10 =	sld [smem:$0x3FB7];
	_ =	sdelay $0x3  }
0x36: {  	p1 =	seq.s32 s10, $0x1;
	s10 =	sld [smem:$0x3FB8];
	_ =	sdelay $0x3  }
0x37: {  	[smem:$0x3FB8] =	sst s10  }
0x38: {  	s10 =	sld [smem:$0x3FB9]  }
0x39: {  	_ = 	snop;
	(pc) =	sbr.ind lr, $3  }
0x3a: {  	_ = 	snop  }
0x3b: {  	_ = 	snop  }
0x3c: {  	p2 =	seq.s32 s10, $0x1;
	s10 =	sld [smem:$0x3FB8]  }
0x3d: {  	_ =	shalt  }
0x3e: {  	_ =	shalt  }
0x3f: {  	_ =	shalt  }
0x40: {  	_ =	shalt  }
0x41: {  	_ =	shalt  }
0x42: {  	_ =	shalt  }
0x43: {  	_ =	shalt  }
0x44: {  	_ =	shalt  }
0x45: {  	_ =	shalt  }
0x46: {  	_ =	shalt  }
0x47: {  	_ =	shalt  }
0x48: {  	_ =	shalt  }
0x49: {  	_ =	shalt  }
0x4a: {  	_ =	shalt  }
0x4b: {  	_ =	shalt  }
0x4c: {  	_ =	shalt  }
0x4d: {  	_ =	shalt  }
0x4e: {  	_ =	shalt  }
0x4f: {  	_ =	shalt  }
0x50: {  	_ =	shalt  }
0x51: {  	_ =	shalt  }
0x52: {  	_ =	shalt  }
0x53: {  	_ =	shalt  }
0x54: {  	_ =	shalt  }
0x55: {  	_ =	shalt  }
0x56: {  	_ =	shalt  }
0x57: {  	_ =	shalt  }
0x58: {  	_ =	shalt  }
0x59: {  	_ =	shalt  }
0x5a: {  	_ =	shalt  }
0x5b: {  	_ =	shalt  }
0x5c: {  	_ =	shalt  }
0x5d: {  	_ =	shalt  }
0x5e: {  	_ =	shalt  }
0x5f: {  	_ =	shalt  }
0x60: {  	_ =	shalt  }
0x61: {  	_ =	shalt  }
0x62: {  	_ =	shalt  }
0x63: {  	_ =	shalt  }
0x64: {  	_ =	shalt  }
0x65: {  	_ =	shalt  }
0x66: {  	_ =	shalt  }
0x67: {  	_ =	shalt  }
0x68: {  	_ =	shalt  }
0x69: {  	_ =	shalt  }
0x6a: {  	_ =	shalt  }
0x6b: {  	_ =	shalt  }
0x6c: {  	_ =	shalt  }
0x6d: {  	_ =	shalt  }
0x6e: {  	_ =	shalt  }
0x6f: {  	_ =	shalt  }
0x70: {  	_ =	shalt  }
0x71: {  	_ =	shalt  }
0x72: {  	_ =	shalt  }
0x73: {  	_ =	shalt  }
0x74: {  	_ =	shalt  }
0x75: {  	_ =	shalt  }
0x76: {  	_ =	shalt  }
0x77: {  	_ =	shalt  }
0x78: {  	_ =	shalt  }
0x79: {  	_ =	shalt  }
0x7a: {  	_ =	shalt  }
0x7b: {  	_ =	shalt  }
0x7c: {  	_ =	shalt  }
0x7d: {  	_ =	shalt  }
0x7e: {  	_ =	shalt  }
0x7f: {  	_ =	shalt  }
0x80: {  	_ =	shalt  }
0x81: {  	_ =	shalt  }
0x82: {  	_ =	shalt  }
0x83: {  	_ =	shalt  }
0x84: {  	_ =	shalt  }
0x85: {  	_ =	shalt  }
0x86: {  	_ =	shalt  }
0x87: {  	_ =	shalt  }
.Lfunc_end0:
.L_simem_size_0:
called_computation_lowered:
.L_overlay_start_0:
0x88: {  	s2 =	sld [smem:$0x3FD9]  }
0x89: {  	s3 =	sld [smem:$0x3FFE];
	_ =	sdelay $0x1  }
0x8a: {  	s1 =	srdreg.scid  }
0x8b: {  	s0 =	sand.u32 $0x1, s1  }
0x8c: {  	s17 =	sshll.u32 s0, $0xA;
	s2 =	sadd.s32 s3, s2  }
0x8d: {  	s2 =	sadd.s32 s2, s17  }
0x8e: {  	[smem:$0x3FC4] =	sst s2  }
0x8f: {  	_ = 	snop  }
0x90: {  	s2 =	sld [smem:$0x3FD0];
	(tm) =	ssettm $0x1  }
0x91: {  	s18 =	sld [smem:$0x3FFB];
	_ =	sdelay $0x3  }
0x92: {  	_ =	strace s18  }
0x93: {  	s3 =	sld [smem:$0x3FFC];
	_ =	sdelay $0x3  }
0x94: {  	_ =	strace s3  }
0x95: {  	s3 =	sld [smem:$0x3FFD];
	_ =	sdelay $0x3  }
0x96: {  	_ =	strace s3  }
0x97: {  	_ =	strace $0x8FFFFFFF  }
0x98: {  	s19 =	sld [smem:$0x3FDB];
	_ =	sdelay $0x1  }
0x99: {  	s4 =	simm.s32 $_scs_section_size  }
0x9a: {  	s5 =	simm.s32 $_size__tile_overlayer_lowered;
	s6 =	simm.s32 $_tile_overlayer_lowered  }
0x9b: {  	s22 =	simm.s32 $0x1BFF;
	s21 =	sshll.u32 s6, $0x1;
	s3 =	sadd.s32 s4, s19  }
0x9c: {  	s7 =	simm.s32 $0x0;
	s20 =	sshll.u32 s5, $0x1;
	s5 =	sadd.s32 s21, s3  }
0x9d: {  	[timem:s7], [sflag:s22] =	dma.local [hbm:s5], s20  }
0x9e: {  	_ =	swait.ge [sflag:s22], s20  }
0x9f: {  	s4 =	ssub.s32 $0x0, s20;
	[sflag:s22] =	ssyncset.done $0x0  }
0xa0: {  	[sflag:s22] =	ssyncadd.s32 s4;
	_ =	sdelay $0x1  }
0xa1: {  	s23 =	simm.s32 $0x1B8B  }
0xa2: {  	_ =	swait.ge [sflag:s23], $0x1  }
0xa3: {  	[sflag:s23] =	ssyncset.done $0x0  }
0xa4: {  	s25 =	simm.s32 $0x1B8E;
	s24 =	sld [smem:$0x3FFE];
	[sflag:s23] =	ssyncadd.s32 $0xFFFFFFFF  }
0xa5: {  	s26 =	simm.s32 $execute0_lowered;
	[smem:$0x3FD2] =	sst s25  }
0xa6: {  	s5 =	sshll.u32 s26, $0x1;
	_ =	strace $0x80000046;
	[dreg:$0x1] =	wrdreg $0xFFFFFFFF  }
0xa7: {  	s28 =	simm.s32 $_size_execute0_lowered;
	s3 =	sadd.s32 s3, s5;
	[dreg:$0x0] =	wrdreg $0x0  }
0xa8: {  	s5 =	sshll.u32 s28, $0x1;
	[dreg:$0x2] =	wrdreg s3  }
0xa9: {  	[dreg:$0x3] =	wrdreg s5  }
0xaa: {  	[dreg:$0x4] =	wrdreg $0xC0  }
0xab: {  	_ =	task [dreg:s7], $0x5FFFF  }
0xac: {  	[dreg:$0x1] =	wrdreg $0xFFFFFFFF  }
0xad: {  	[dreg:$0x0] =	wrdreg $0x60  }
0xae: {  	[dreg:$0x2] =	wrdreg s24  }
0xaf: {  	[dreg:$0x3] =	wrdreg s2  }
0xb0: {  	[dreg:$0x4] =	wrdreg $0x9  }
0xb1: {  	_ =	task.clear_ibuf [dreg:s7], $0x5FFFF;
	_ =	strace $0x90000046  }
0xb2: {  	s29 =	simm.s32 $0x9;
	_ =	strace $0x80000048  }
0xb3: {  	_ =	swait.ge [sflag:s29], $0x1  }
0xb4: {  	[sflag:s29] =	ssyncadd.s32 $0xFFFFFFFF  }
0xb5: {  	_ =	strace $0x90000048  }
0xb6: {  	_ =	sfence  }
0xb7: {  	s30 =	sld [smem:$0x0];
	_ =	sdelay $0x2  }
0xb8: {  	s31 =	sshll.u32 s1, $0xD;
	s1 =	sshrl.u32 s1, $0x2  }
0xb9: {  	s3 =	sand.u32 $0x4000, s31;
	s1 =	sadd.s32 s1, s30  }
0xba: {  	s0 =	sor.u32 s3, s0;
	s1 =	sshll.u32 s1, $0x11  }
0xbb: {  	s0 =	sor.u32 s1, s0  }
0xbc: {  	s0 =	sadd.s32 $0x8F2B, s0  }
0xbd: {  	[sflag:s0] =	ssyncadd.remote.s32 $0x1  }
0xbe: {  	_ =	sfence.sel $0xFFFF  }
0xbf: {  	[dreg:$0x0] =	wrdreg $0xFFFFFFFF;
	(pc) =	sbr.abs _section_cstart, $3  }
0xc0: {  	[dreg:$0x1] =	wrdreg $0xFFFFFFFF  }
0xc1: {  	_ =	task.clear_ibuf [dreg:s7], $0x2FFFF;
	_ =	strace $0x9FFFFFFF  }
0xc2: {  	(tm) =	ssettm $0x7FFFFFFF  }
0xc3: {  	_ =	shalt  }
tec
execute0_lowered:
.L_overlay_start_1:
0x0: {  	(tag) =	ssettag $0x1  }
0x1: {  	s0 =	rddreg [dreg:$0x0]  }
0x2: {  	s1 =	rddreg [dreg:$0x1];
	s3 =	srdreg.scid;
	s2 =	simm.s32 $0x0  }
0x3: {  	s4 =	stileid.u32;
	s14 =	simm.s32 $0x3;
	s16 =	simm.s32 $0x100  }
0x4: {  	s17 =	simm.s32 $0x9900;
	s18 =	simm.s32 $0xA100;
	s19 =	simm.s32 $0xA900  }
0x5: {  	s20 =	simm.s32 $0xB900;
	s21 =	simm.s32 $0xC100;
	s22 =	simm.s32 $0xD100  }
0x6: {  	s23 =	simm.s32 $0xE100;
	s12 =	simm.s32 $0xF100;
	s13 =	simm.s32 $0x1  }
0x7: {  	s28 =	simm.s32 $0x0;
	s3 =	sand.u32 $0x1, s3;
	[smem:$0x7FF] =	sst s2  }
0x8: {  	s4 =	sshll.u32 s4, $0x7;
	s9 =	sadd.s32 $0xA0800, s0;
	s8 =	sadd.s32 $0xB00, s0  }
0x9: {  	s5 =	sshll.u32 s3, $0x6;
	_ =	strace $0x80000047;
	s6 =	ssub.s32 $0x2, s3  }
0xa: {  	s3 =	sadd.s32 $0x800, s0;
	s5 =	sor.u32 s5, s4;
	s7 =	sshrl.u32 s6, $0x1  }
0xb: {  	s4 =	sshrl.u32 s5, $0x3;
	s10 =	ssub.s32 s6, s7;
	s6 =	sadd.s32 $0x900, s0  }
0xc: {  	s7 =	sadd.s32 $0xA00, s0;
	s11 =	sshll.u32 s5, $0x7;
	s5 =	sor.u32 $0x20, s5  }
0xd: {  	s4 =	sadd.s32 s9, s4;
	s25 =	sadd.s32 s1, s11;
	s26 =	sshrl.u32 s5, $0x3  }
0xe: {  	s30 =	sshll.u32 s5, $0x7;
	s31 =	smax.u32 s10, $0x1;
	[dreg:$0x4] =	wrdreg s25  }
0xf: {  	s10 =	simm.s32 $0xC900;
	s24 =	sadd.s32 $0x100, s4;
	[dreg:$0x8] =	wrdreg s31  }
0x10: {  	s11 =	simm.s32 $0xD900;
	s0 =	sadd.s32 s9, s26;
	[dreg:$0x3] =	wrdreg s24  }
0x11: {  	v2 =	vlaneseq.u32;
	s29 =	sadd.s32 $0x104, s4;
	s9 =	simm.s32 $0xB100;
	[dreg:$0x5] =	wrdreg s0  }
0x12: {  	vm0 =	vmmov $0xffff;
	v1 =	vshrl.u32 v2, $0x3;
	s25 =	simm.s32 $0xF900;
	[dreg:$0x6] =	wrdreg s29;
	s0 =	sadd.s32 s1, s30  }
0x13: {  	v0 =	vand.u32 $0x7, v2;
	v2 =	vor.u32 $0x8, v2;
	v1 =	vmul.u32 $0x8, v1;
	s26 =	simm.s32 $0x2;
	s24 =	simm.s32 $0xE900;
	[dreg:$0x7] =	wrdreg s0  }
.LBB2_1:
0x14: {  	[tilespmem:s2], [sflag:$0x3] =	stream.linear.gather [hbm4b:s4+s2], $0x20, $0x38;
	[tilespmem:$0x10100] =	vst v63  }
0x15: {  	_ =	swait.ge [sflag:s14], $0x20  }
0x16: {  	[sflag:s14] =	ssyncset.done $0x0  }
0x17: {  	s1 =	simm.s32 $0x80;
	s0 =	rddreg [dreg:$0x3];
	[sflag:s14] =	ssyncadd.s32 $0xFFFFFFE0  }
0x18: {  	[tilespmem:s1], [sflag:$0x3] =	stream.linear.gather [hbm4b:s0+s2], $0x20, $0x38;
	[tilespmem:$0x10100] =	vst v63  }
0x19: {  	_ =	swait.ge [sflag:s14], $0x20  }
0x1a: {  	[sflag:s14] =	ssyncset.done $0x0  }
0x1b: {  	[sflag:s14] =	ssyncadd.s32 $0xFFFFFFE0  }
0x1c: {  	v3 =	vld [tilespmem:$0x0];
	_ =	sdelay $0x4  }
0x1d: {  	v4 =	vshll.u32 v3, $0x3  }
0x1e: {  	v3 =	vand.u32 $0x7, v3;
	v4 =	vand.u32 $0xFFFFFFC0, v4  }
0x1f: {  	v3 =	vor.u32 v3, v4  }
0x20: {  	v4 =	vperm.xlane v3, v0;
	_ =	sdelay $0x1  }
0x21: {  	v4 =	vadd.s32 v1, v4;
	_ =	sdelay $0x4  }
0x22: {  	[tilespmem:s16], [sflag:$0x1] =	stream.indirect_vreg.gather [hbm4b:s3+s2], $0x80, v4, vm0, $0xb8;
	[tilespmem:$0x10100] =	vst v63  }
0x23: {  	s1 =	simm.s32 $0x900;
	v3 =	vperm.xlane v3, v2  }
0x24: {  	[tilespmem:s1], [sflag:$0x1] =	stream.indirect_vreg.gather [hbm4b:s6+s2], $0x80, v4, vm0, $0xb8;
	[tilespmem:$0x10100] =	vst v63  }
0x25: {  	s5 =	simm.s32 $0x1100;
	v3 =	vadd.s32 v1, v3  }
0x26: {  	[tilespmem:s5], [sflag:$0x1] =	stream.indirect_vreg.gather [hbm4b:s7+s2], $0x80, v4, vm0, $0xb8;
	[tilespmem:$0x10100] =	vst v63  }
0x27: {  	s15 =	simm.s32 $0x1900  }
0x28: {  	[tilespmem:s15], [sflag:$0x1] =	stream.indirect_vreg.gather [hbm4b:s8+s2], $0x80, v4, vm0, $0xb8;
	[tilespmem:$0x10100] =	vst v63  }
0x29: {  	s1 =	simm.s32 $0x2100  }
0x2a: {  	[tilespmem:s1], [sflag:$0x1] =	stream.indirect_vreg.gather [hbm4b:s3+s2], $0x80, v3, vm0, $0xb8;
	[tilespmem:$0x10100] =	vst v63  }
0x2b: {  	s5 =	simm.s32 $0x2900  }
0x2c: {  	[tilespmem:s5], [sflag:$0x1] =	stream.indirect_vreg.gather [hbm4b:s6+s2], $0x80, v3, vm0, $0xb8;
	[tilespmem:$0x10100] =	vst v63  }
0x2d: {  	s15 =	simm.s32 $0x3100  }
0x2e: {  	[tilespmem:s15], [sflag:$0x1] =	stream.indirect_vreg.gather [hbm4b:s7+s2], $0x80, v3, vm0, $0xb8;
	[tilespmem:$0x10100] =	vst v63  }
0x2f: {  	s1 =	simm.s32 $0x3900  }
0x30: {  	[tilespmem:s1], [sflag:$0x1] =	stream.indirect_vreg.gather [hbm4b:s8+s2], $0x80, v3, vm0, $0xb8;
	[tilespmem:$0x10100] =	vst v63  }
0x31: {  	v3 =	vld [tilespmem:$0x10];
	_ =	sdelay $0x4  }
0x32: {  	v61 =	vshll.u32 v3, $0x3  }
0x33: {  	v3 =	vand.u32 $0x7, v3;
	v4 =	vand.u32 $0xFFFFFFC0, v61  }
0x34: {  	v3 =	vor.u32 v3, v4  }
0x35: {  	v4 =	vperm.xlane v3, v0;
	_ =	sdelay $0x1  }
0x36: {  	v4 =	vadd.s32 v1, v4;
	_ =	sdelay $0x3  }
0x37: {  	s5 =	simm.s32 $0x4100  }
0x38: {  	[tilespmem:s5], [sflag:$0x1] =	stream.indirect_vreg.gather [hbm4b:s3+s2], $0x80, v4, vm0, $0xb8;
	[tilespmem:$0x10100] =	vst v63  }
0x39: {  	s15 =	simm.s32 $0x4900;
	v3 =	vperm.xlane v3, v2  }
0x3a: {  	[tilespmem:s15], [sflag:$0x1] =	stream.indirect_vreg.gather [hbm4b:s6+s2], $0x80, v4, vm0, $0xb8;
	[tilespmem:$0x10100] =	vst v63  }
0x3b: {  	s1 =	simm.s32 $0x5100;
	v3 =	vadd.s32 v1, v3  }
0x3c: {  	[tilespmem:s1], [sflag:$0x1] =	stream.indirect_vreg.gather [hbm4b:s7+s2], $0x80, v4, vm0, $0xb8;
	[tilespmem:$0x10100] =	vst v63  }
0x3d: {  	s5 =	simm.s32 $0x5900  }
0x3e: {  	[tilespmem:s5], [sflag:$0x1] =	stream.indirect_vreg.gather [hbm4b:s8+s2], $0x80, v4, vm0, $0xb8;
	[tilespmem:$0x10100] =	vst v63  }
0x3f: {  	s15 =	simm.s32 $0x6100  }
0x40: {  	[tilespmem:s15], [sflag:$0x1] =	stream.indirect_vreg.gather [hbm4b:s3+s2], $0x80, v3, vm0, $0xb8;
	[tilespmem:$0x10100] =	vst v63  }
0x41: {  	s1 =	simm.s32 $0x6900  }
0x42: {  	[tilespmem:s1], [sflag:$0x1] =	stream.indirect_vreg.gather [hbm4b:s6+s2], $0x80, v3, vm0, $0xb8;
	[tilespmem:$0x10100] =	vst v63  }
0x43: {  	s5 =	simm.s32 $0x7100  }
0x44: {  	[tilespmem:s5], [sflag:$0x1] =	stream.indirect_vreg.gather [hbm4b:s7+s2], $0x80, v3, vm0, $0xb8;
	[tilespmem:$0x10100] =	vst v63  }
0x45: {  	s15 =	simm.s32 $0x7900  }
0x46: {  	[tilespmem:s15], [sflag:$0x1] =	stream.indirect_vreg.gather [hbm4b:s8+s2], $0x80, v3, vm0, $0xb8;
	[tilespmem:$0x10100] =	vst v63  }
0x47: {  	v3 =	vld [tilespmem:$0x80];
	_ =	sdelay $0x4  }
0x48: {  	v62 =	vshll.u32 v3, $0x3  }
0x49: {  	v3 =	vand.u32 $0x7, v3;
	v4 =	vand.u32 $0xFFFFFFC0, v62  }
0x4a: {  	v3 =	vor.u32 v3, v4  }
0x4b: {  	v4 =	vperm.xlane v3, v0;
	_ =	sdelay $0x1  }
0x4c: {  	v4 =	vadd.s32 v1, v4;
	_ =	sdelay $0x3  }
0x4d: {  	s1 =	simm.s32 $0x8100  }
0x4e: {  	[tilespmem:s1], [sflag:$0x2] =	stream.indirect_vreg.gather [hbm4b:s3+s2], $0x80, v4, vm0, $0xb8;
	[tilespmem:$0x10100] =	vst v63  }
0x4f: {  	s5 =	simm.s32 $0x8900;
	v3 =	vperm.xlane v3, v2  }
0x50: {  	[tilespmem:s5], [sflag:$0x2] =	stream.indirect_vreg.gather [hbm4b:s6+s2], $0x80, v4, vm0, $0xb8;
	[tilespmem:$0x10100] =	vst v63  }
0x51: {  	s15 =	simm.s32 $0x9100;
	v3 =	vadd.s32 v1, v3  }
0x52: {  	[tilespmem:s15], [sflag:$0x2] =	stream.indirect_vreg.gather [hbm4b:s7+s2], $0x80, v4, vm0, $0xb8;
	[tilespmem:$0x10100] =	vst v63  }
0x53: {  	_ = 	snop  }
0x54: {  	[tilespmem:s17], [sflag:$0x2] =	stream.indirect_vreg.gather [hbm4b:s8+s2], $0x80, v4, vm0, $0xb8;
	[tilespmem:$0x10100] =	vst v63  }
0x55: {  	_ = 	snop  }
0x56: {  	[tilespmem:s18], [sflag:$0x2] =	stream.indirect_vreg.gather [hbm4b:s3+s2], $0x80, v3, vm0, $0xb8;
	[tilespmem:$0x10100] =	vst v63  }
0x57: {  	_ = 	snop  }
0x58: {  	[tilespmem:s19], [sflag:$0x2] =	stream.indirect_vreg.gather [hbm4b:s6+s2], $0x80, v3, vm0, $0xb8;
	[tilespmem:$0x10100] =	vst v63  }
0x59: {  	_ = 	snop  }
0x5a: {  	[tilespmem:s9], [sflag:$0x2] =	stream.indirect_vreg.gather [hbm4b:s7+s2], $0x80, v3, vm0, $0xb8;
	[tilespmem:$0x10100] =	vst v63  }
0x5b: {  	_ = 	snop  }
0x5c: {  	[tilespmem:s20], [sflag:$0x2] =	stream.indirect_vreg.gather [hbm4b:s8+s2], $0x80, v3, vm0, $0xb8;
	[tilespmem:$0x10100] =	vst v63  }
0x5d: {  	v3 =	vld [tilespmem:$0x90];
	_ =	sdelay $0x4  }
0x5e: {  	v63 =	vshll.u32 v3, $0x3  }
0x5f: {  	v3 =	vand.u32 $0x7, v3;
	v4 =	vand.u32 $0xFFFFFFC0, v63  }
0x60: {  	v3 =	vor.u32 v3, v4  }
0x61: {  	v4 =	vperm.xlane v3, v0;
	_ =	sdelay $0x1  }
0x62: {  	v4 =	vadd.s32 v1, v4;
	_ =	sdelay $0x4  }
0x63: {  	[tilespmem:s21], [sflag:$0x2] =	stream.indirect_vreg.gather [hbm4b:s3+s2], $0x80, v4, vm0, $0xb8;
	[tilespmem:$0x10100] =	vst v63  }
0x64: {  	v3 =	vperm.xlane v3, v2  }
0x65: {  	[tilespmem:s10], [sflag:$0x2] =	stream.indirect_vreg.gather [hbm4b:s6+s2], $0x80, v4, vm0, $0xb8;
	[tilespmem:$0x10100] =	vst v63  }
0x66: {  	v3 =	vadd.s32 v1, v3  }
0x67: {  	[tilespmem:s22], [sflag:$0x2] =	stream.indirect_vreg.gather [hbm4b:s7+s2], $0x80, v4, vm0, $0xb8;
	[tilespmem:$0x10100] =	vst v63  }
0x68: {  	_ = 	snop  }
0x69: {  	[tilespmem:s11], [sflag:$0x2] =	stream.indirect_vreg.gather [hbm4b:s8+s2], $0x80, v4, vm0, $0xb8;
	[tilespmem:$0x10100] =	vst v63  }
0x6a: {  	_ = 	snop  }
0x6b: {  	[tilespmem:s23], [sflag:$0x2] =	stream.indirect_vreg.gather [hbm4b:s3+s2], $0x80, v3, vm0, $0xb8;
	[tilespmem:$0x10100] =	vst v63  }
0x6c: {  	_ = 	snop  }
0x6d: {  	[tilespmem:s24], [sflag:$0x2] =	stream.indirect_vreg.gather [hbm4b:s6+s2], $0x80, v3, vm0, $0xb8;
	[tilespmem:$0x10100] =	vst v63  }
0x6e: {  	_ = 	snop  }
0x6f: {  	[tilespmem:s12], [sflag:$0x2] =	stream.indirect_vreg.gather [hbm4b:s7+s2], $0x80, v3, vm0, $0xb8;
	[tilespmem:$0x10100] =	vst v63  }
0x70: {  	_ = 	snop  }
0x71: {  	[tilespmem:s25], [sflag:$0x2] =	stream.indirect_vreg.gather [hbm4b:s8+s2], $0x80, v3, vm0, $0xb8;
	[tilespmem:$0x10100] =	vst v63  }
0x72: {  	_ =	swait.ge [sflag:s13], $0x8000  }
0x73: {  	[sflag:s13] =	ssyncset.done $0x0  }
0x74: {  	[sflag:s13] =	ssyncadd.s32 $0xFFFF8000  }
0x75: {  	_ =	swait.ge [sflag:s26], $0x8000  }
0x76: {  	s29 =	simm.s32 $0xFFFF8000;
	s30 =	simm.s32 $0x0;
	[sflag:s26] =	ssyncset.done $0x0  }
0x77: {  	s31 =	simm.s32 $0x0;
	s0 =	simm.s32 $0x0;
	[sflag:s26] =	ssyncadd.s32 $0xFFFF8000  }
.LBB2_2:
0x78: {  	s1 =	sadd.s32 $0x8000, s29  }
0x79: {  	s5 =	sand.u32 $0x380, s0;
	s1 =	sand.u32 $0x6000, s1  }
0x7a: {  	s1 =	sor.u32 s5, s1  }
0x7b: {  	v3 =	vld [tilespmem:s1+$0x100]  }
0x7c: {  	v4 =	vld [tilespmem:s1+$0x8100]  }
0x7d: {  	v5 =	vld [tilespmem:s1+$0x110]  }
0x7e: {  	v6 =	vld [tilespmem:s1+$0x8110]  }
0x7f: {  	v7 =	vld [tilespmem:s1+$0x120]  }
0x80: {  	v8 =	vld [tilespmem:s1+$0x8120]  }
0x81: {  	v9 =	vld [tilespmem:s1+$0x130]  }
0x82: {  	v10 =	vld [tilespmem:s1+$0x8130]  }
0x83: {  	v11 =	vld [tilespmem:s1+$0x140]  }
0x84: {  	v12 =	vld [tilespmem:s1+$0x8140]  }
0x85: {  	v13 =	vld [tilespmem:s1+$0x150]  }
0x86: {  	v14 =	vld [tilespmem:s1+$0x8150]  }
0x87: {  	v15 =	vld [tilespmem:s1+$0x160]  }
0x88: {  	v16 =	vld [tilespmem:s1+$0x8160]  }
0x89: {  	v17 =	vld [tilespmem:s1+$0x170]  }
0x8a: {  	v18 =	vld [tilespmem:s1+$0x8170]  }
0x8b: {  	v19 =	vld [tilespmem:s1+$0x500]  }
0x8c: {  	v20 =	vld [tilespmem:s1+$0x8500]  }
0x8d: {  	v21 =	vld [tilespmem:s1+$0x510]  }
0x8e: {  	v22 =	vld [tilespmem:s1+$0x8510]  }
0x8f: {  	v23 =	vld [tilespmem:s1+$0x520]  }
0x90: {  	v24 =	vld [tilespmem:s1+$0x8520]  }
0x91: {  	v25 =	vld [tilespmem:s1+$0x530]  }
0x92: {  	v26 =	vld [tilespmem:s1+$0x8530]  }
0x93: {  	v27 =	vld [tilespmem:s1+$0x540]  }
0x94: {  	v28 =	vld [tilespmem:s1+$0x8540]  }
0x95: {  	v29 =	vld [tilespmem:s1+$0x550]  }
0x96: {  	v30 =	vld [tilespmem:s1+$0x8550]  }
0x97: {  	v31 =	vld [tilespmem:s1+$0x560]  }
0x98: {  	v32 =	vld [tilespmem:s1+$0x8560]  }
0x99: {  	v33 =	vld [tilespmem:s1+$0x570]  }
0x9a: {  	v34 =	vld [tilespmem:s1+$0x8570]  }
0x9b: {  	v35 =	vld [tilespmem:s1+$0x900]  }
0x9c: {  	v36 =	vld [tilespmem:s1+$0x8900]  }
0x9d: {  	v37 =	vld [tilespmem:s1+$0x910]  }
0x9e: {  	v38 =	vld [tilespmem:s1+$0x8910]  }
0x9f: {  	v39 =	vld [tilespmem:s1+$0x920]  }
0xa0: {  	v40 =	vld [tilespmem:s1+$0x8920]  }
0xa1: {  	v41 =	vld [tilespmem:s1+$0x930]  }
0xa2: {  	v42 =	vld [tilespmem:s1+$0x8930]  }
0xa3: {  	v43 =	vld [tilespmem:s1+$0x940]  }
0xa4: {  	v44 =	vld [tilespmem:s1+$0x8940]  }
0xa5: {  	v45 =	vld [tilespmem:s1+$0x950]  }
0xa6: {  	v46 =	vld [tilespmem:s1+$0x8950]  }
0xa7: {  	v47 =	vld [tilespmem:s1+$0x960]  }
0xa8: {  	v48 =	vld [tilespmem:s1+$0x8960]  }
0xa9: {  	v49 =	vld [tilespmem:s1+$0x970]  }
0xaa: {  	v50 =	vld [tilespmem:s1+$0x8970]  }
0xab: {  	v51 =	vld [tilespmem:s1+$0xD00]  }
0xac: {  	v52 =	vld [tilespmem:s1+$0x8D00]  }
0xad: {  	v53 =	vld [tilespmem:s1+$0xD10]  }
0xae: {  	v54 =	vld [tilespmem:s1+$0x8D10]  }
0xaf: {  	v55 =	vld [tilespmem:s1+$0xD20]  }
0xb0: {  	v56 =	vld [tilespmem:s1+$0x8D20]  }
0xb1: {  	v57 =	vld [tilespmem:s1+$0xD30]  }
0xb2: {  	v58 =	vld [tilespmem:s1+$0x8D30]  }
0xb3: {  	v59 =	vld [tilespmem:s1+$0xD40]  }
0xb4: {  	v60 =	vld [tilespmem:s1+$0x8D40]  }
0xb5: {  	v61 =	vld [tilespmem:s1+$0xD50]  }
0xb6: {  	v62 =	vld [tilespmem:s1+$0x8D50]  }
0xb7: {  	v63 =	vld [tilespmem:s1+$0xD60]  }
0xb8: {  	v3 =	vadd.f32 v4, v3;
	v4 =	vld [tilespmem:s1+$0x8D60]  }
0xb9: {  	v5 =	vadd.f32 v6, v5;
	v6 =	vld [tilespmem:s1+$0xD70]  }
0xba: {  	v14 =	vadd.f32 v14, v13;
	v13 =	vld [tilespmem:s1+$0x9120];
	[tilespmem:s1+$0x100] =	vst v3;
	v3 =	vadd.f32 v8, v7  }
0xbb: {  	v18 =	vadd.f32 v18, v17;
	v17 =	vld [tilespmem:s1+$0x9140];
	[tilespmem:s1+$0x110] =	vst v5  }
0xbc: {  	v22 =	vadd.f32 v22, v21;
	v21 =	vld [tilespmem:s1+$0x9160];
	[tilespmem:s1+$0x120] =	vst v3;
	v3 =	vadd.f32 v12, v11  }
0xbd: {  	v7 =	vld [tilespmem:s1+$0x8D70];
	[tilespmem:s1+$0x150] =	vst v14  }
0xbe: {  	v8 =	vld [tilespmem:s1+$0x1100];
	[tilespmem:s1+$0x140] =	vst v3;
	v3 =	vadd.f32 v16, v15  }
0xbf: {  	v5 =	vadd.f32 v10, v9;
	v9 =	vld [tilespmem:s1+$0x9100];
	[tilespmem:s1+$0x170] =	vst v18  }
0xc0: {  	v10 =	vld [tilespmem:s1+$0x1110];
	[tilespmem:s1+$0x160] =	vst v3;
	v3 =	vadd.f32 v20, v19  }
0xc1: {  	v26 =	vadd.f32 v26, v25;
	v14 =	vld [tilespmem:s1+$0x1130];
	[tilespmem:s1+$0x510] =	vst v22  }
0xc2: {  	v18 =	vld [tilespmem:s1+$0x1150];
	[tilespmem:s1+$0x500] =	vst v3;
	v3 =	vadd.f32 v24, v23  }
0xc3: {  	v30 =	vadd.f32 v30, v29;
	[tilespmem:s1+$0x530] =	vst v26;
	v22 =	vld [tilespmem:s1+$0x1170]  }
0xc4: {  	v19 =	vld [tilespmem:s1+$0x9150];
	[tilespmem:s1+$0x520] =	vst v3;
	v3 =	vadd.f32 v28, v27  }
0xc5: {  	v34 =	vadd.f32 v34, v33;
	[tilespmem:s1+$0x550] =	vst v30;
	v11 =	vld [tilespmem:s1+$0x9110]  }
0xc6: {  	v12 =	vld [tilespmem:s1+$0x1120];
	[tilespmem:s1+$0x540] =	vst v3;
	v3 =	vadd.f32 v32, v31  }
0xc7: {  	[tilespmem:s1+$0x570] =	vst v34;
	v15 =	vld [tilespmem:s1+$0x9130]  }
0xc8: {  	v16 =	vld [tilespmem:s1+$0x1140];
	[tilespmem:s1+$0x560] =	vst v3;
	v3 =	vadd.f32 v36, v35  }
0xc9: {  	[tilespmem:s1+$0x130] =	vst v5;
	v20 =	vld [tilespmem:s1+$0x1160];
	v19 =	vadd.f32 v19, v18  }
0xca: {  	v24 =	vld [tilespmem:s1+$0x1500];
	[tilespmem:s1+$0x900] =	vst v3;
	v3 =	vadd.f32 v40, v39  }
0xcb: {  	[tilespmem:s1+$0x1150] =	vst v19;
	v36 =	vadd.f32 v38, v37;
	v37 =	vld [tilespmem:s1+$0x9170]  }
0xcc: {  	v38 =	vadd.f32 v42, v41;
	v41 =	vld [tilespmem:s1+$0x1510];
	[tilespmem:s1+$0x920] =	vst v3;
	v3 =	vadd.f32 v44, v43  }
0xcd: {  	v42 =	vld [tilespmem:s1+$0x9510];
	[tilespmem:s1+$0x910] =	vst v36  }
0xce: {  	v35 =	vld [tilespmem:s1+$0x1910];
	[tilespmem:s1+$0x940] =	vst v3;
	v3 =	vadd.f32 v48, v47  }
0xcf: {  	v39 =	vld [tilespmem:s1+$0x9500];
	[tilespmem:s1+$0x930] =	vst v38;
	v40 =	vadd.f32 v46, v45  }
0xd0: {  	v45 =	vld [tilespmem:s1+$0x9520];
	[tilespmem:s1+$0x960] =	vst v3;
	v3 =	vadd.f32 v52, v51  }
0xd1: {  	v46 =	vadd.f32 v54, v53;
	v53 =	vld [tilespmem:s1+$0x1550];
	[tilespmem:s1+$0x950] =	vst v40  }
0xd2: {  	v54 =	vld [tilespmem:s1+$0x9550];
	[tilespmem:s1+$0xD00] =	vst v3;
	v3 =	vadd.f32 v56, v55  }
0xd3: {  	v36 =	vld [tilespmem:s1+$0x9910];
	v43 =	vadd.f32 v50, v49;
	[tilespmem:s1+$0xD10] =	vst v46  }
0xd4: {  	v38 =	vld [tilespmem:s1+$0x1920];
	[tilespmem:s1+$0xD20] =	vst v3;
	v3 =	vadd.f32 v60, v59  }
0xd5: {  	v44 =	vld [tilespmem:s1+$0x1520];
	v49 =	vadd.f32 v58, v57;
	[tilespmem:s1+$0x970] =	vst v43  }
0xd6: {  	v50 =	vld [tilespmem:s1+$0x1540];
	[tilespmem:s1+$0xD40] =	vst v3;
	v3 =	vadd.f32 v4, v63  }
0xd7: {  	v57 =	vld [tilespmem:s1+$0x9560];
	v58 =	vadd.f32 v11, v10;
	[tilespmem:s1+$0xD30] =	vst v49  }
0xd8: {  	v46 =	vld [tilespmem:s1+$0x9950];
	[tilespmem:s1+$0xD60] =	vst v3;
	v3 =	vadd.f32 v9, v8  }
0xd9: {  	v37 =	vadd.f32 v37, v22;
	v40 =	vadd.f32 v42, v41;
	v41 =	vld [tilespmem:s1+$0x1930];
	[tilespmem:s1+$0x1110] =	vst v58  }
0xda: {  	v42 =	vld [tilespmem:s1+$0x9930];
	[tilespmem:s1+$0x1100] =	vst v3;
	v3 =	vadd.f32 v13, v12  }
0xdb: {  	v47 =	vld [tilespmem:s1+$0x1530];
	[tilespmem:s1+$0x1170] =	vst v37  }
0xdc: {  	v48 =	vld [tilespmem:s1+$0x9530];
	[tilespmem:s1+$0x1120] =	vst v3;
	v3 =	vadd.f32 v17, v16  }
0xdd: {  	v49 =	vld [tilespmem:s1+$0x9960];
	[tilespmem:s1+$0x1510] =	vst v40;
	v52 =	vadd.f32 v62, v61  }
0xde: {  	v51 =	vld [tilespmem:s1+$0x9540];
	[tilespmem:s1+$0x1140] =	vst v3;
	v3 =	vadd.f32 v21, v20  }
0xdf: {  	v61 =	vadd.f32 v15, v14;
	v62 =	vld [tilespmem:s1+$0x1900];
	[tilespmem:s1+$0xD50] =	vst v52  }
0xe0: {  	v56 =	vld [tilespmem:s1+$0x1560];
	[tilespmem:s1+$0x1160] =	vst v3;
	v3 =	vadd.f32 v39, v24  }
0xe1: {  	v55 =	vadd.f32 v7, v6;
	[tilespmem:s1+$0x1130] =	vst v61;
	v52 =	vld [tilespmem:s1+$0x9970]  }
0xe2: {  	v43 =	vadd.f32 v48, v47;
	v47 =	vld [tilespmem:s1+$0x1960];
	[tilespmem:s1+$0x1500] =	vst v3;
	v3 =	vadd.f32 v45, v44  }
0xe3: {  	[tilespmem:s1+$0xD70] =	vst v55;
	v63 =	vld [tilespmem:s1+$0x9900]  }
0xe4: {  	v59 =	vld [tilespmem:s1+$0x1570];
	[tilespmem:s1+$0x1520] =	vst v3;
	v3 =	vadd.f32 v51, v50  }
0xe5: {  	[tilespmem:s1+$0x1530] =	vst v43;
	v4 =	vadd.f32 v54, v53;
	v39 =	vld [tilespmem:s1+$0x9920]  }
0xe6: {  	v60 =	vld [tilespmem:s1+$0x9570];
	[tilespmem:s1+$0x1540] =	vst v3;
	v3 =	vadd.f32 v57, v56  }
0xe7: {  	v54 =	vadd.f32 v42, v41;
	[tilespmem:s1+$0x1550] =	vst v4;
	v45 =	vld [tilespmem:s1+$0x1950]  }
0xe8: {  	v53 =	vld [tilespmem:s1+$0x9940];
	[tilespmem:s1+$0x1560] =	vst v3;
	v3 =	vadd.f32 v63, v62  }
0xe9: {  	[tilespmem:s1+$0x1930] =	vst v54;
	v55 =	vadd.f32 v49, v47;
	v50 =	vld [tilespmem:s1+$0x1970]  }
0xea: {  	v44 =	vld [tilespmem:s1+$0x1940];
	[tilespmem:s1+$0x1900] =	vst v3;
	v3 =	vadd.f32 v39, v38  }
0xeb: {  	v48 =	vadd.f32 v60, v59;
	[tilespmem:s1+$0x1960] =	vst v55  }
0xec: {  	[tilespmem:s1+$0x1920] =	vst v3;
	v3 =	vadd.f32 v46, v45  }
0xed: {  	s15 =	sand.u32 $0x7, s30;
	[tilespmem:s1+$0x1570] =	vst v48;
	v51 =	vadd.f32 v36, v35  }
0xee: {  	s5 =	sshll.u32 s15, $0x7;
	[tilespmem:s1+$0x1950] =	vst v3;
	v3 =	vadd.f32 v52, v50  }
0xef: {  	s5 =	sadd.s32 s5, s31;
	[tilespmem:s1+$0x1910] =	vst v51;
	v56 =	vadd.f32 v53, v44  }
0xf0: {  	s15 =	sor.u32 $0x1C00, s5;
	[tilespmem:s1+$0x1970] =	vst v3  }
0xf1: {  	[tilespmem:s1+$0x1940] =	vst v56;
	v3 =	vld [tilespmem:s15+$0x100]  }
0xf2: {  	v4 =	vld [tilespmem:s15+$0x8100];
	_ =	sdelay $0x4  }
0xf3: {  	v3 =	vadd.f32 v4, v3;
	_ =	sdelay $0x1  }
0xf4: {  	[tilespmem:s15+$0x100] =	vst v3;
	s15 =	sor.u32 $0x1C10, s5  }
0xf5: {  	v3 =	vld [tilespmem:s15+$0x100]  }
0xf6: {  	v57 =	vld [tilespmem:s15+$0x8100];
	_ =	sdelay $0x4  }
0xf7: {  	v3 =	vadd.f32 v57, v3;
	_ =	sdelay $0x1  }
0xf8: {  	[tilespmem:s15+$0x100] =	vst v3;
	s15 =	sor.u32 $0x1C20, s5  }
0xf9: {  	v3 =	vld [tilespmem:s15+$0x100]  }
0xfa: {  	v58 =	vld [tilespmem:s15+$0x8100];
	_ =	sdelay $0x4  }
0xfb: {  	v3 =	vadd.f32 v58, v3;
	_ =	sdelay $0x1  }
0xfc: {  	[tilespmem:s15+$0x100] =	vst v3;
	s15 =	sor.u32 $0x1C30, s5  }
0xfd: {  	v3 =	vld [tilespmem:s15+$0x100]  }
0xfe: {  	v59 =	vld [tilespmem:s15+$0x8100];
	_ =	sdelay $0x4  }
0xff: {  	v3 =	vadd.f32 v59, v3;
	_ =	sdelay $0x1  }
0x100: {  	[tilespmem:s15+$0x100] =	vst v3;
	s15 =	sor.u32 $0x1C40, s5  }
0x101: {  	v3 =	vld [tilespmem:s15+$0x100]  }
0x102: {  	v60 =	vld [tilespmem:s15+$0x8100];
	_ =	sdelay $0x4  }
0x103: {  	v3 =	vadd.f32 v60, v3;
	_ =	sdelay $0x1  }
0x104: {  	[tilespmem:s15+$0x100] =	vst v3;
	s15 =	sor.u32 $0x1C50, s5  }
0x105: {  	v3 =	vld [tilespmem:s15+$0x100]  }
0x106: {  	v61 =	vld [tilespmem:s15+$0x8100];
	_ =	sdelay $0x4  }
0x107: {  	v3 =	vadd.f32 v61, v3;
	_ =	sdelay $0x1  }
0x108: {  	[tilespmem:s15+$0x100] =	vst v3;
	s15 =	sor.u32 $0x1C60, s5  }
0x109: {  	v3 =	vld [tilespmem:s15+$0x100]  }
0x10a: {  	v62 =	vld [tilespmem:s15+$0x8100];
	_ =	sdelay $0x4  }
0x10b: {  	v3 =	vadd.f32 v62, v3;
	_ =	sdelay $0x1  }
0x10c: {  	[tilespmem:s15+$0x100] =	vst v3;
	s15 =	sor.u32 $0x1C70, s5  }
0x10d: {  	v3 =	vld [tilespmem:s15+$0x100]  }
0x10e: {  	v63 =	vld [tilespmem:s15+$0x8100];
	_ =	sdelay $0x1  }
0x10f: {  	p0 =	sne.s32 s0, $0xF80  }
.Ltmp0:
0x110: {  	_ = 	snop;
	(pc) =	sbr.rel @p0 .LBB2_2-.Ltmp0, $4  }
0x111: {  	_ = 	snop  }
0x112: {  	v3 =	vadd.f32 v63, v3  }
0x113: {  	s30 =	sadd.s32 $0x1, s30  }
0x114: {  	s29 =	sadd.s32 $0x400, s29;
	s0 =	sadd.s32 $0x80, s0;
	s31 =	sadd.s32 $0x400, s31;
	[tilespmem:s15+$0x100] =	vst v3  }
0x115: {  	s29 =	simm.s32 $0x0;
	s0 =	rddreg [dreg:$0x4]  }
0x116: {  	[hbm4b:s0+s29] =	stream.linear.scatter [tilespmem:s16], [sflag:$0x3], $0x8000, $0x38;
	[tilespmem:$0x10100] =	vst v63  }
0x117: {  	_ =	swait.ge [sflag:s14], $0x8000  }
0x118: {  	[sflag:s14] =	ssyncset.done $0x0  }
0x119: {  	s5 =	rddreg [dreg:$0x5];
	[sflag:s14] =	ssyncadd.s32 $0xFFFF8000  }
0x11a: {  	[tilespmem:s29], [sflag:$0x3] =	stream.linear.gather [hbm4b:s5+s29], $0x20, $0x38;
	[tilespmem:$0x10100] =	vst v63  }
0x11b: {  	_ =	swait.ge [sflag:s14], $0x20  }
0x11c: {  	[sflag:s14] =	ssyncset.done $0x0  }
0x11d: {  	s1 =	simm.s32 $0x80;
	s15 =	rddreg [dreg:$0x6];
	[sflag:s14] =	ssyncadd.s32 $0xFFFFFFE0  }
0x11e: {  	[tilespmem:s1], [sflag:$0x3] =	stream.linear.gather [hbm4b:s15+s29], $0x20, $0x38;
	[tilespmem:$0x10100] =	vst v63  }
0x11f: {  	_ =	swait.ge [sflag:s14], $0x20  }
0x120: {  	[sflag:s14] =	ssyncset.done $0x0  }
0x121: {  	[sflag:s14] =	ssyncadd.s32 $0xFFFFFFE0  }
0x122: {  	v3 =	vld [tilespmem:$0x0];
	_ =	sdelay $0x4  }
0x123: {  	v4 =	vshll.u32 v3, $0x3  }
0x124: {  	v3 =	vand.u32 $0x7, v3;
	v4 =	vand.u32 $0xFFFFFFC0, v4  }
0x125: {  	v3 =	vor.u32 v3, v4  }
0x126: {  	v4 =	vperm.xlane v3, v0;
	_ =	sdelay $0x1  }
0x127: {  	v4 =	vadd.s32 v1, v4;
	_ =	sdelay $0x4  }
0x128: {  	[tilespmem:s16], [sflag:$0x1] =	stream.indirect_vreg.gather [hbm4b:s3+s29], $0x80, v4, vm0, $0xb8;
	[tilespmem:$0x10100] =	vst v63  }
0x129: {  	s1 =	simm.s32 $0x900;
	v3 =	vperm.xlane v3, v2  }
0x12a: {  	[tilespmem:s1], [sflag:$0x1] =	stream.indirect_vreg.gather [hbm4b:s6+s29], $0x80, v4, vm0, $0xb8;
	[tilespmem:$0x10100] =	vst v63  }
0x12b: {  	s5 =	simm.s32 $0x1100;
	v3 =	vadd.s32 v1, v3  }
0x12c: {  	[tilespmem:s5], [sflag:$0x1] =	stream.indirect_vreg.gather [hbm4b:s7+s29], $0x80, v4, vm0, $0xb8;
	[tilespmem:$0x10100] =	vst v63  }
0x12d: {  	s15 =	simm.s32 $0x1900  }
0x12e: {  	[tilespmem:s15], [sflag:$0x1] =	stream.indirect_vreg.gather [hbm4b:s8+s29], $0x80, v4, vm0, $0xb8;
	[tilespmem:$0x10100] =	vst v63  }
0x12f: {  	s1 =	simm.s32 $0x2100  }
0x130: {  	[tilespmem:s1], [sflag:$0x1] =	stream.indirect_vreg.gather [hbm4b:s3+s29], $0x80, v3, vm0, $0xb8;
	[tilespmem:$0x10100] =	vst v63  }
0x131: {  	s5 =	simm.s32 $0x2900  }
0x132: {  	[tilespmem:s5], [sflag:$0x1] =	stream.indirect_vreg.gather [hbm4b:s6+s29], $0x80, v3, vm0, $0xb8;
	[tilespmem:$0x10100] =	vst v63  }
0x133: {  	s15 =	simm.s32 $0x3100  }
0x134: {  	[tilespmem:s15], [sflag:$0x1] =	stream.indirect_vreg.gather [hbm4b:s7+s29], $0x80, v3, vm0, $0xb8;
	[tilespmem:$0x10100] =	vst v63  }
0x135: {  	s1 =	simm.s32 $0x3900  }
0x136: {  	[tilespmem:s1], [sflag:$0x1] =	stream.indirect_vreg.gather [hbm4b:s8+s29], $0x80, v3, vm0, $0xb8;
	[tilespmem:$0x10100] =	vst v63  }
0x137: {  	v3 =	vld [tilespmem:$0x10];
	_ =	sdelay $0x4  }
0x138: {  	v61 =	vshll.u32 v3, $0x3  }
0x139: {  	v3 =	vand.u32 $0x7, v3;
	v4 =	vand.u32 $0xFFFFFFC0, v61  }
0x13a: {  	v3 =	vor.u32 v3, v4  }
0x13b: {  	v4 =	vperm.xlane v3, v0;
	_ =	sdelay $0x1  }
0x13c: {  	v4 =	vadd.s32 v1, v4;
	_ =	sdelay $0x3  }
0x13d: {  	s5 =	simm.s32 $0x4100  }
0x13e: {  	[tilespmem:s5], [sflag:$0x1] =	stream.indirect_vreg.gather [hbm4b:s3+s29], $0x80, v4, vm0, $0xb8;
	[tilespmem:$0x10100] =	vst v63  }
0x13f: {  	s15 =	simm.s32 $0x4900;
	v3 =	vperm.xlane v3, v2  }
0x140: {  	[tilespmem:s15], [sflag:$0x1] =	stream.indirect_vreg.gather [hbm4b:s6+s29], $0x80, v4, vm0, $0xb8;
	[tilespmem:$0x10100] =	vst v63  }
0x141: {  	s1 =	simm.s32 $0x5100;
	v3 =	vadd.s32 v1, v3  }
0x142: {  	[tilespmem:s1], [sflag:$0x1] =	stream.indirect_vreg.gather [hbm4b:s7+s29], $0x80, v4, vm0, $0xb8;
	[tilespmem:$0x10100] =	vst v63  }
0x143: {  	s5 =	simm.s32 $0x5900  }
0x144: {  	[tilespmem:s5], [sflag:$0x1] =	stream.indirect_vreg.gather [hbm4b:s8+s29], $0x80, v4, vm0, $0xb8;
	[tilespmem:$0x10100] =	vst v63  }
0x145: {  	s15 =	simm.s32 $0x6100  }
0x146: {  	[tilespmem:s15], [sflag:$0x1] =	stream.indirect_vreg.gather [hbm4b:s3+s29], $0x80, v3, vm0, $0xb8;
	[tilespmem:$0x10100] =	vst v63  }
0x147: {  	s1 =	simm.s32 $0x6900  }
0x148: {  	[tilespmem:s1], [sflag:$0x1] =	stream.indirect_vreg.gather [hbm4b:s6+s29], $0x80, v3, vm0, $0xb8;
	[tilespmem:$0x10100] =	vst v63  }
0x149: {  	s5 =	simm.s32 $0x7100  }
0x14a: {  	[tilespmem:s5], [sflag:$0x1] =	stream.indirect_vreg.gather [hbm4b:s7+s29], $0x80, v3, vm0, $0xb8;
	[tilespmem:$0x10100] =	vst v63  }
0x14b: {  	s15 =	simm.s32 $0x7900  }
0x14c: {  	[tilespmem:s15], [sflag:$0x1] =	stream.indirect_vreg.gather [hbm4b:s8+s29], $0x80, v3, vm0, $0xb8;
	[tilespmem:$0x10100] =	vst v63  }
0x14d: {  	v3 =	vld [tilespmem:$0x80];
	_ =	sdelay $0x4  }
0x14e: {  	v62 =	vshll.u32 v3, $0x3  }
0x14f: {  	v3 =	vand.u32 $0x7, v3;
	v4 =	vand.u32 $0xFFFFFFC0, v62  }
0x150: {  	v3 =	vor.u32 v3, v4  }
0x151: {  	v4 =	vperm.xlane v3, v0;
	_ =	sdelay $0x1  }
0x152: {  	v4 =	vadd.s32 v1, v4;
	_ =	sdelay $0x3  }
0x153: {  	s1 =	simm.s32 $0x8100  }
0x154: {  	[tilespmem:s1], [sflag:$0x2] =	stream.indirect_vreg.gather [hbm4b:s3+s29], $0x80, v4, vm0, $0xb8;
	[tilespmem:$0x10100] =	vst v63  }
0x155: {  	s5 =	simm.s32 $0x8900;
	v3 =	vperm.xlane v3, v2  }
0x156: {  	[tilespmem:s5], [sflag:$0x2] =	stream.indirect_vreg.gather [hbm4b:s6+s29], $0x80, v4, vm0, $0xb8;
	[tilespmem:$0x10100] =	vst v63  }
0x157: {  	s15 =	simm.s32 $0x9100;
	v3 =	vadd.s32 v1, v3  }
0x158: {  	[tilespmem:s15], [sflag:$0x2] =	stream.indirect_vreg.gather [hbm4b:s7+s29], $0x80, v4, vm0, $0xb8;
	[tilespmem:$0x10100] =	vst v63  }
0x159: {  	_ = 	snop  }
0x15a: {  	[tilespmem:s17], [sflag:$0x2] =	stream.indirect_vreg.gather [hbm4b:s8+s29], $0x80, v4, vm0, $0xb8;
	[tilespmem:$0x10100] =	vst v63  }
0x15b: {  	_ = 	snop  }
0x15c: {  	[tilespmem:s18], [sflag:$0x2] =	stream.indirect_vreg.gather [hbm4b:s3+s29], $0x80, v3, vm0, $0xb8;
	[tilespmem:$0x10100] =	vst v63  }
0x15d: {  	_ = 	snop  }
0x15e: {  	[tilespmem:s19], [sflag:$0x2] =	stream.indirect_vreg.gather [hbm4b:s6+s29], $0x80, v3, vm0, $0xb8;
	[tilespmem:$0x10100] =	vst v63  }
0x15f: {  	_ = 	snop  }
0x160: {  	[tilespmem:s9], [sflag:$0x2] =	stream.indirect_vreg.gather [hbm4b:s7+s29], $0x80, v3, vm0, $0xb8;
	[tilespmem:$0x10100] =	vst v63  }
0x161: {  	_ = 	snop  }
0x162: {  	[tilespmem:s20], [sflag:$0x2] =	stream.indirect_vreg.gather [hbm4b:s8+s29], $0x80, v3, vm0, $0xb8;
	[tilespmem:$0x10100] =	vst v63  }
0x163: {  	v3 =	vld [tilespmem:$0x90];
	_ =	sdelay $0x4  }
0x164: {  	v63 =	vshll.u32 v3, $0x3  }
0x165: {  	v3 =	vand.u32 $0x7, v3;
	v4 =	vand.u32 $0xFFFFFFC0, v63  }
0x166: {  	v3 =	vor.u32 v3, v4  }
0x167: {  	v4 =	vperm.xlane v3, v0;
	_ =	sdelay $0x1  }
0x168: {  	v4 =	vadd.s32 v1, v4;
	_ =	sdelay $0x4  }
0x169: {  	[tilespmem:s21], [sflag:$0x2] =	stream.indirect_vreg.gather [hbm4b:s3+s29], $0x80, v4, vm0, $0xb8;
	[tilespmem:$0x10100] =	vst v63  }
0x16a: {  	v3 =	vperm.xlane v3, v2  }
0x16b: {  	[tilespmem:s10], [sflag:$0x2] =	stream.indirect_vreg.gather [hbm4b:s6+s29], $0x80, v4, vm0, $0xb8;
	[tilespmem:$0x10100] =	vst v63  }
0x16c: {  	v3 =	vadd.s32 v1, v3  }
0x16d: {  	[tilespmem:s22], [sflag:$0x2] =	stream.indirect_vreg.gather [hbm4b:s7+s29], $0x80, v4, vm0, $0xb8;
	[tilespmem:$0x10100] =	vst v63  }
0x16e: {  	_ = 	snop  }
0x16f: {  	[tilespmem:s11], [sflag:$0x2] =	stream.indirect_vreg.gather [hbm4b:s8+s29], $0x80, v4, vm0, $0xb8;
	[tilespmem:$0x10100] =	vst v63  }
0x170: {  	_ = 	snop  }
0x171: {  	[tilespmem:s23], [sflag:$0x2] =	stream.indirect_vreg.gather [hbm4b:s3+s29], $0x80, v3, vm0, $0xb8;
	[tilespmem:$0x10100] =	vst v63  }
0x172: {  	_ = 	snop  }
0x173: {  	[tilespmem:s24], [sflag:$0x2] =	stream.indirect_vreg.gather [hbm4b:s6+s29], $0x80, v3, vm0, $0xb8;
	[tilespmem:$0x10100] =	vst v63  }
0x174: {  	_ = 	snop  }
0x175: {  	[tilespmem:s12], [sflag:$0x2] =	stream.indirect_vreg.gather [hbm4b:s7+s29], $0x80, v3, vm0, $0xb8;
	[tilespmem:$0x10100] =	vst v63  }
0x176: {  	_ = 	snop  }
0x177: {  	[tilespmem:s25], [sflag:$0x2] =	stream.indirect_vreg.gather [hbm4b:s8+s29], $0x80, v3, vm0, $0xb8;
	[tilespmem:$0x10100] =	vst v63  }
0x178: {  	_ =	swait.ge [sflag:s13], $0x8000  }
0x179: {  	[sflag:s13] =	ssyncset.done $0x0  }
0x17a: {  	[sflag:s13] =	ssyncadd.s32 $0xFFFF8000  }
0x17b: {  	_ =	swait.ge [sflag:s26], $0x8000  }
0x17c: {  	s30 =	simm.s32 $0xFFFF8000;
	[sflag:s26] =	ssyncset.done $0x0  }
0x17d: {  	s31 =	simm.s32 $0x0;
	s0 =	simm.s32 $0x0;
	[sflag:s26] =	ssyncadd.s32 $0xFFFF8000  }
.LBB2_4:
0x17e: {  	s1 =	sadd.s32 $0x8000, s30  }
0x17f: {  	s5 =	sand.u32 $0x380, s0;
	s1 =	sand.u32 $0x6000, s1  }
0x180: {  	s1 =	sor.u32 s5, s1  }
0x181: {  	v3 =	vld [tilespmem:s1+$0x100]  }
0x182: {  	v4 =	vld [tilespmem:s1+$0x8100]  }
0x183: {  	v5 =	vld [tilespmem:s1+$0x110]  }
0x184: {  	v6 =	vld [tilespmem:s1+$0x8110]  }
0x185: {  	v7 =	vld [tilespmem:s1+$0x120]  }
0x186: {  	v8 =	vld [tilespmem:s1+$0x8120]  }
0x187: {  	v9 =	vld [tilespmem:s1+$0x130]  }
0x188: {  	v10 =	vld [tilespmem:s1+$0x8130]  }
0x189: {  	v11 =	vld [tilespmem:s1+$0x140]  }
0x18a: {  	v12 =	vld [tilespmem:s1+$0x8140]  }
0x18b: {  	v13 =	vld [tilespmem:s1+$0x150]  }
0x18c: {  	v14 =	vld [tilespmem:s1+$0x8150]  }
0x18d: {  	v15 =	vld [tilespmem:s1+$0x160]  }
0x18e: {  	v16 =	vld [tilespmem:s1+$0x8160]  }
0x18f: {  	v17 =	vld [tilespmem:s1+$0x170]  }
0x190: {  	v18 =	vld [tilespmem:s1+$0x8170]  }
0x191: {  	v19 =	vld [tilespmem:s1+$0x500]  }
0x192: {  	v20 =	vld [tilespmem:s1+$0x8500]  }
0x193: {  	v21 =	vld [tilespmem:s1+$0x510]  }
0x194: {  	v22 =	vld [tilespmem:s1+$0x8510]  }
0x195: {  	v23 =	vld [tilespmem:s1+$0x520]  }
0x196: {  	v24 =	vld [tilespmem:s1+$0x8520]  }
0x197: {  	v25 =	vld [tilespmem:s1+$0x530]  }
0x198: {  	v26 =	vld [tilespmem:s1+$0x8530]  }
0x199: {  	v27 =	vld [tilespmem:s1+$0x540]  }
0x19a: {  	v28 =	vld [tilespmem:s1+$0x8540]  }
0x19b: {  	v29 =	vld [tilespmem:s1+$0x550]  }
0x19c: {  	v30 =	vld [tilespmem:s1+$0x8550]  }
0x19d: {  	v31 =	vld [tilespmem:s1+$0x560]  }
0x19e: {  	v32 =	vld [tilespmem:s1+$0x8560]  }
0x19f: {  	v33 =	vld [tilespmem:s1+$0x570]  }
0x1a0: {  	v34 =	vld [tilespmem:s1+$0x8570]  }
0x1a1: {  	v35 =	vld [tilespmem:s1+$0x900]  }
0x1a2: {  	v36 =	vld [tilespmem:s1+$0x8900]  }
0x1a3: {  	v37 =	vld [tilespmem:s1+$0x910]  }
0x1a4: {  	v38 =	vld [tilespmem:s1+$0x8910]  }
0x1a5: {  	v39 =	vld [tilespmem:s1+$0x920]  }
0x1a6: {  	v40 =	vld [tilespmem:s1+$0x8920]  }
0x1a7: {  	v41 =	vld [tilespmem:s1+$0x930]  }
0x1a8: {  	v42 =	vld [tilespmem:s1+$0x8930]  }
0x1a9: {  	v43 =	vld [tilespmem:s1+$0x940]  }
0x1aa: {  	v44 =	vld [tilespmem:s1+$0x8940]  }
0x1ab: {  	v45 =	vld [tilespmem:s1+$0x950]  }
0x1ac: {  	v46 =	vld [tilespmem:s1+$0x8950]  }
0x1ad: {  	v47 =	vld [tilespmem:s1+$0x960]  }
0x1ae: {  	v48 =	vld [tilespmem:s1+$0x8960]  }
0x1af: {  	v49 =	vld [tilespmem:s1+$0x970]  }
0x1b0: {  	v50 =	vld [tilespmem:s1+$0x8970]  }
0x1b1: {  	v51 =	vld [tilespmem:s1+$0xD00]  }
0x1b2: {  	v52 =	vld [tilespmem:s1+$0x8D00]  }
0x1b3: {  	v53 =	vld [tilespmem:s1+$0xD10]  }
0x1b4: {  	v54 =	vld [tilespmem:s1+$0x8D10]  }
0x1b5: {  	v55 =	vld [tilespmem:s1+$0xD20]  }
0x1b6: {  	v56 =	vld [tilespmem:s1+$0x8D20]  }
0x1b7: {  	v57 =	vld [tilespmem:s1+$0xD30]  }
0x1b8: {  	v58 =	vld [tilespmem:s1+$0x8D30]  }
0x1b9: {  	v59 =	vld [tilespmem:s1+$0xD40]  }
0x1ba: {  	v60 =	vld [tilespmem:s1+$0x8D40]  }
0x1bb: {  	v61 =	vld [tilespmem:s1+$0xD50]  }
0x1bc: {  	v62 =	vld [tilespmem:s1+$0x8D50]  }
0x1bd: {  	v63 =	vld [tilespmem:s1+$0xD60]  }
0x1be: {  	v3 =	vadd.f32 v4, v3;
	v4 =	vld [tilespmem:s1+$0x8D60]  }
0x1bf: {  	v5 =	vadd.f32 v6, v5;
	v6 =	vld [tilespmem:s1+$0xD70]  }
0x1c0: {  	v14 =	vadd.f32 v14, v13;
	v13 =	vld [tilespmem:s1+$0x9120];
	[tilespmem:s1+$0x100] =	vst v3;
	v3 =	vadd.f32 v8, v7  }
0x1c1: {  	v18 =	vadd.f32 v18, v17;
	v17 =	vld [tilespmem:s1+$0x9140];
	[tilespmem:s1+$0x110] =	vst v5  }
0x1c2: {  	v22 =	vadd.f32 v22, v21;
	v21 =	vld [tilespmem:s1+$0x9160];
	[tilespmem:s1+$0x120] =	vst v3;
	v3 =	vadd.f32 v12, v11  }
0x1c3: {  	v7 =	vld [tilespmem:s1+$0x8D70];
	[tilespmem:s1+$0x150] =	vst v14  }
0x1c4: {  	v8 =	vld [tilespmem:s1+$0x1100];
	[tilespmem:s1+$0x140] =	vst v3;
	v3 =	vadd.f32 v16, v15  }
0x1c5: {  	v5 =	vadd.f32 v10, v9;
	v9 =	vld [tilespmem:s1+$0x9100];
	[tilespmem:s1+$0x170] =	vst v18  }
0x1c6: {  	v10 =	vld [tilespmem:s1+$0x1110];
	[tilespmem:s1+$0x160] =	vst v3;
	v3 =	vadd.f32 v20, v19  }
0x1c7: {  	v26 =	vadd.f32 v26, v25;
	v14 =	vld [tilespmem:s1+$0x1130];
	[tilespmem:s1+$0x510] =	vst v22  }
0x1c8: {  	v18 =	vld [tilespmem:s1+$0x1150];
	[tilespmem:s1+$0x500] =	vst v3;
	v3 =	vadd.f32 v24, v23  }
0x1c9: {  	v30 =	vadd.f32 v30, v29;
	[tilespmem:s1+$0x530] =	vst v26;
	v22 =	vld [tilespmem:s1+$0x1170]  }
0x1ca: {  	v19 =	vld [tilespmem:s1+$0x9150];
	[tilespmem:s1+$0x520] =	vst v3;
	v3 =	vadd.f32 v28, v27  }
0x1cb: {  	v34 =	vadd.f32 v34, v33;
	[tilespmem:s1+$0x550] =	vst v30;
	v11 =	vld [tilespmem:s1+$0x9110]  }
0x1cc: {  	v12 =	vld [tilespmem:s1+$0x1120];
	[tilespmem:s1+$0x540] =	vst v3;
	v3 =	vadd.f32 v32, v31  }
0x1cd: {  	[tilespmem:s1+$0x570] =	vst v34;
	v15 =	vld [tilespmem:s1+$0x9130]  }
0x1ce: {  	v16 =	vld [tilespmem:s1+$0x1140];
	[tilespmem:s1+$0x560] =	vst v3;
	v3 =	vadd.f32 v36, v35  }
0x1cf: {  	[tilespmem:s1+$0x130] =	vst v5;
	v20 =	vld [tilespmem:s1+$0x1160];
	v19 =	vadd.f32 v19, v18  }
0x1d0: {  	v24 =	vld [tilespmem:s1+$0x1500];
	[tilespmem:s1+$0x900] =	vst v3;
	v3 =	vadd.f32 v40, v39  }
0x1d1: {  	[tilespmem:s1+$0x1150] =	vst v19;
	v36 =	vadd.f32 v38, v37;
	v37 =	vld [tilespmem:s1+$0x9170]  }
0x1d2: {  	v38 =	vadd.f32 v42, v41;
	v41 =	vld [tilespmem:s1+$0x1510];
	[tilespmem:s1+$0x920] =	vst v3;
	v3 =	vadd.f32 v44, v43  }
0x1d3: {  	v42 =	vld [tilespmem:s1+$0x9510];
	[tilespmem:s1+$0x910] =	vst v36  }
0x1d4: {  	v35 =	vld [tilespmem:s1+$0x1910];
	[tilespmem:s1+$0x940] =	vst v3;
	v3 =	vadd.f32 v48, v47  }
0x1d5: {  	v39 =	vld [tilespmem:s1+$0x9500];
	[tilespmem:s1+$0x930] =	vst v38;
	v40 =	vadd.f32 v46, v45  }
0x1d6: {  	v45 =	vld [tilespmem:s1+$0x9520];
	[tilespmem:s1+$0x960] =	vst v3;
	v3 =	vadd.f32 v52, v51  }
0x1d7: {  	v46 =	vadd.f32 v54, v53;
	v53 =	vld [tilespmem:s1+$0x1550];
	[tilespmem:s1+$0x950] =	vst v40  }
0x1d8: {  	v54 =	vld [tilespmem:s1+$0x9550];
	[tilespmem:s1+$0xD00] =	vst v3;
	v3 =	vadd.f32 v56, v55  }
0x1d9: {  	v36 =	vld [tilespmem:s1+$0x9910];
	v43 =	vadd.f32 v50, v49;
	[tilespmem:s1+$0xD10] =	vst v46  }
0x1da: {  	v38 =	vld [tilespmem:s1+$0x1920];
	[tilespmem:s1+$0xD20] =	vst v3;
	v3 =	vadd.f32 v60, v59  }
0x1db: {  	v44 =	vld [tilespmem:s1+$0x1520];
	v49 =	vadd.f32 v58, v57;
	[tilespmem:s1+$0x970] =	vst v43  }
0x1dc: {  	v50 =	vld [tilespmem:s1+$0x1540];
	[tilespmem:s1+$0xD40] =	vst v3;
	v3 =	vadd.f32 v4, v63  }
0x1dd: {  	v57 =	vld [tilespmem:s1+$0x9560];
	v58 =	vadd.f32 v11, v10;
	[tilespmem:s1+$0xD30] =	vst v49  }
0x1de: {  	v46 =	vld [tilespmem:s1+$0x9950];
	[tilespmem:s1+$0xD60] =	vst v3;
	v3 =	vadd.f32 v9, v8  }
0x1df: {  	v37 =	vadd.f32 v37, v22;
	v40 =	vadd.f32 v42, v41;
	v41 =	vld [tilespmem:s1+$0x1930];
	[tilespmem:s1+$0x1110] =	vst v58  }
0x1e0: {  	v42 =	vld [tilespmem:s1+$0x9930];
	[tilespmem:s1+$0x1100] =	vst v3;
	v3 =	vadd.f32 v13, v12  }
0x1e1: {  	v47 =	vld [tilespmem:s1+$0x1530];
	[tilespmem:s1+$0x1170] =	vst v37  }
0x1e2: {  	v48 =	vld [tilespmem:s1+$0x9530];
	[tilespmem:s1+$0x1120] =	vst v3;
	v3 =	vadd.f32 v17, v16  }
0x1e3: {  	v49 =	vld [tilespmem:s1+$0x9960];
	[tilespmem:s1+$0x1510] =	vst v40;
	v52 =	vadd.f32 v62, v61  }
0x1e4: {  	v51 =	vld [tilespmem:s1+$0x9540];
	[tilespmem:s1+$0x1140] =	vst v3;
	v3 =	vadd.f32 v21, v20  }
0x1e5: {  	v61 =	vadd.f32 v15, v14;
	v62 =	vld [tilespmem:s1+$0x1900];
	[tilespmem:s1+$0xD50] =	vst v52  }
0x1e6: {  	v56 =	vld [tilespmem:s1+$0x1560];
	[tilespmem:s1+$0x1160] =	vst v3;
	v3 =	vadd.f32 v39, v24  }
0x1e7: {  	v55 =	vadd.f32 v7, v6;
	[tilespmem:s1+$0x1130] =	vst v61;
	v52 =	vld [tilespmem:s1+$0x9970]  }
0x1e8: {  	v43 =	vadd.f32 v48, v47;
	v47 =	vld [tilespmem:s1+$0x1960];
	[tilespmem:s1+$0x1500] =	vst v3;
	v3 =	vadd.f32 v45, v44  }
0x1e9: {  	[tilespmem:s1+$0xD70] =	vst v55;
	v63 =	vld [tilespmem:s1+$0x9900]  }
0x1ea: {  	v59 =	vld [tilespmem:s1+$0x1570];
	[tilespmem:s1+$0x1520] =	vst v3;
	v3 =	vadd.f32 v51, v50  }
0x1eb: {  	[tilespmem:s1+$0x1530] =	vst v43;
	v4 =	vadd.f32 v54, v53;
	v39 =	vld [tilespmem:s1+$0x9920]  }
0x1ec: {  	v60 =	vld [tilespmem:s1+$0x9570];
	[tilespmem:s1+$0x1540] =	vst v3;
	v3 =	vadd.f32 v57, v56  }
0x1ed: {  	v54 =	vadd.f32 v42, v41;
	[tilespmem:s1+$0x1550] =	vst v4;
	v45 =	vld [tilespmem:s1+$0x1950]  }
0x1ee: {  	v53 =	vld [tilespmem:s1+$0x9940];
	[tilespmem:s1+$0x1560] =	vst v3;
	v3 =	vadd.f32 v63, v62  }
0x1ef: {  	[tilespmem:s1+$0x1930] =	vst v54;
	v55 =	vadd.f32 v49, v47;
	v50 =	vld [tilespmem:s1+$0x1970]  }
0x1f0: {  	v44 =	vld [tilespmem:s1+$0x1940];
	[tilespmem:s1+$0x1900] =	vst v3;
	v3 =	vadd.f32 v39, v38  }
0x1f1: {  	v48 =	vadd.f32 v60, v59;
	[tilespmem:s1+$0x1960] =	vst v55  }
0x1f2: {  	[tilespmem:s1+$0x1920] =	vst v3;
	v3 =	vadd.f32 v46, v45  }
0x1f3: {  	s15 =	sand.u32 $0x7, s29;
	[tilespmem:s1+$0x1570] =	vst v48;
	v51 =	vadd.f32 v36, v35  }
0x1f4: {  	s5 =	sshll.u32 s15, $0x7;
	[tilespmem:s1+$0x1950] =	vst v3;
	v3 =	vadd.f32 v52, v50  }
0x1f5: {  	s5 =	sadd.s32 s5, s31;
	[tilespmem:s1+$0x1910] =	vst v51;
	v56 =	vadd.f32 v53, v44  }
0x1f6: {  	s15 =	sor.u32 $0x1C00, s5;
	[tilespmem:s1+$0x1970] =	vst v3  }
0x1f7: {  	[tilespmem:s1+$0x1940] =	vst v56;
	v3 =	vld [tilespmem:s15+$0x100]  }
0x1f8: {  	v4 =	vld [tilespmem:s15+$0x8100];
	_ =	sdelay $0x4  }
0x1f9: {  	v3 =	vadd.f32 v4, v3;
	_ =	sdelay $0x1  }
0x1fa: {  	[tilespmem:s15+$0x100] =	vst v3;
	s15 =	sor.u32 $0x1C10, s5  }
0x1fb: {  	v3 =	vld [tilespmem:s15+$0x100]  }
0x1fc: {  	v57 =	vld [tilespmem:s15+$0x8100];
	_ =	sdelay $0x4  }
0x1fd: {  	v3 =	vadd.f32 v57, v3;
	_ =	sdelay $0x1  }
0x1fe: {  	[tilespmem:s15+$0x100] =	vst v3;
	s15 =	sor.u32 $0x1C20, s5  }
0x1ff: {  	v3 =	vld [tilespmem:s15+$0x100]  }
0x200: {  	v58 =	vld [tilespmem:s15+$0x8100];
	_ =	sdelay $0x4  }
0x201: {  	v3 =	vadd.f32 v58, v3;
	_ =	sdelay $0x1  }
0x202: {  	[tilespmem:s15+$0x100] =	vst v3;
	s15 =	sor.u32 $0x1C30, s5  }
0x203: {  	v3 =	vld [tilespmem:s15+$0x100]  }
0x204: {  	v59 =	vld [tilespmem:s15+$0x8100];
	_ =	sdelay $0x4  }
0x205: {  	v3 =	vadd.f32 v59, v3;
	_ =	sdelay $0x1  }
0x206: {  	[tilespmem:s15+$0x100] =	vst v3;
	s15 =	sor.u32 $0x1C40, s5  }
0x207: {  	v3 =	vld [tilespmem:s15+$0x100]  }
0x208: {  	v60 =	vld [tilespmem:s15+$0x8100];
	_ =	sdelay $0x4  }
0x209: {  	v3 =	vadd.f32 v60, v3;
	_ =	sdelay $0x1  }
0x20a: {  	[tilespmem:s15+$0x100] =	vst v3;
	s15 =	sor.u32 $0x1C50, s5  }
0x20b: {  	v3 =	vld [tilespmem:s15+$0x100]  }
0x20c: {  	v61 =	vld [tilespmem:s15+$0x8100];
	_ =	sdelay $0x4  }
0x20d: {  	v3 =	vadd.f32 v61, v3;
	_ =	sdelay $0x1  }
0x20e: {  	[tilespmem:s15+$0x100] =	vst v3;
	s15 =	sor.u32 $0x1C60, s5  }
0x20f: {  	v3 =	vld [tilespmem:s15+$0x100]  }
0x210: {  	v62 =	vld [tilespmem:s15+$0x8100];
	_ =	sdelay $0x4  }
0x211: {  	v3 =	vadd.f32 v62, v3;
	_ =	sdelay $0x1  }
0x212: {  	[tilespmem:s15+$0x100] =	vst v3;
	s15 =	sor.u32 $0x1C70, s5  }
0x213: {  	v3 =	vld [tilespmem:s15+$0x100]  }
0x214: {  	v63 =	vld [tilespmem:s15+$0x8100];
	_ =	sdelay $0x1  }
0x215: {  	p0 =	sne.s32 s0, $0xF80  }
.Ltmp1:
0x216: {  	_ = 	snop;
	(pc) =	sbr.rel @p0 .LBB2_4-.Ltmp1, $4  }
0x217: {  	_ = 	snop  }
0x218: {  	v3 =	vadd.f32 v63, v3  }
0x219: {  	s29 =	sadd.s32 $0x1, s29  }
0x21a: {  	s30 =	sadd.s32 $0x400, s30;
	s0 =	sadd.s32 $0x80, s0;
	s31 =	sadd.s32 $0x400, s31;
	[tilespmem:s15+$0x100] =	vst v3  }
0x21b: {  	s0 =	rddreg [dreg:$0x7]  }
0x21c: {  	[hbm4b:s0+s2] =	stream.linear.scatter [tilespmem:s16], [sflag:$0x3], $0x8000, $0x38;
	[tilespmem:$0x10100] =	vst v63  }
0x21d: {  	_ =	swait.ge [sflag:s14], $0x8000  }
0x21e: {  	s28 =	sadd.s32 $0x1, s28;
	s31 =	rddreg [dreg:$0x8]  }
0x21f: {  	p0 =	sne.s32 s28, s31  }
.Ltmp2:
0x220: {  	_ = 	snop;
	(pc) =	sbr.rel @p0 .LBB2_1-.Ltmp2, $3  }
0x221: {  	_ =	sdelay $0x1  }
0x222: {  	[sflag:s14] =	ssyncset.done $0x0  }
0x223: {  	[sflag:s14] =	ssyncadd.s32 $0xFFFF8000  }
0x224: {  	_ =	sfence.sel $0x180000  }
0x225: {  	[bflag:$0x0] =	sbarrier.arrive $0xFFFF  }
0x226: {  	_ =	strace $0x90000047  }
0x227: {  	s0 =	stileid.u32;
	[bflag:$0x2] =	sbarrier.arrive $0xFFFF  }
0x228: {  	p0 =	sne.s32 s0, $0x0;
	s0 =	rddreg [dreg:$0x2]  }
0x229: {  	s0 =	sadd.s32 @!p0 $0x100000, s0  }
0x22a: {  	[sflag:s0] =	ssyncadd.tile.s32 @!p0 $0x1;
	_ =	shalt  }
.Lfunc_end2:
_tile_overlayer_lowered:
.L_overlay_start_2:
0x22b: {  	(tag) =	ssettag $0x2  }
0x22c: {  	s0 =	rddreg [dreg:$0x0];
	s2 =	stileid.u32  }
0x22d: {  	s1 =	rddreg [dreg:$0x1];
	p0 =	sne.s32 s2, $0x0  }
0x22e: {  	s3 =	rddreg [dreg:$0x2];
	[bflag:$0x3] =	sbarrier.arrive $0xFFFF;
	s2 =	simm.s32 @!p0 $0x1C03  }
0x22f: {  	[timem:s3], [sflag:s2] =	dma.local @!p0 [hbm:s0], s1  }
0x230: {  	s0 =	simm.s32 @!p0 $0x3  }
0x231: {  	_ =	swait.ge @!p0 [sflag:s0], s1  }
0x232: {  	s1 =	ssub.s32 @!p0 $0x0, s1;
	[sflag:s0] =	ssyncset.done @!p0 $0x0  }
0x233: {  	[sflag:s0] =	ssyncadd.s32 @!p0 s1  }
0x234: {  	[bflag:$0x3] =	sbarrier.arrive $0xFFFF  }
0x235: {  	_ =	shalt  }

</sc_bundles>
